<compile_context>
chip_gen: v7x
topology: tpu7x:2x2x1
jax: 0.10.2.dev20260603
libtpu: 0.0.44.dev20260713+nightly
codegen_flags: <defaults>
</compile_context>

<pallas_src>
import functools

import jax
import jax.numpy as jnp
from jax import lax
from jax.experimental import pallas as pl
from jax.experimental.pallas import tpu as pltpu
from jax.experimental.pallas import tpu_sc as plsc

N_REAL = 10000
N_PAD = 10240
E_TOT = 320000
F = 128
G_GRAPHS = 128
C_OUT = 2

NC, NS = 2, 16
NW = NC * NS
CHUNK = 80
NCHUNK = 125
EDGES_PER_W = NCHUNK * CHUNK
ROWS_PER_TILE = N_PAD // NS
BLK = 512
NB = N_PAD // BLK

@functools.cache
def _make_sc_degree():
    mesh = plsc.VectorSubcoreMesh(core_axis_name="c", subcore_axis_name="s",
                                  num_cores=NC, num_subcores=NS)
    return pl.kernel(
        _sc_degree_body,
        out_type=jax.ShapeDtypeStruct((NC, N_PAD), jnp.float32),
        mesh=mesh,
        scratch_types=[
            pltpu.VMEM((CHUNK,), jnp.int32),
            pltpu.VMEM((CHUNK,), jnp.int32),
            pltpu.VMEM((CHUNK,), jnp.int32),
            pltpu.VMEM((CHUNK,), jnp.int32),
            pltpu.VMEM((CHUNK,), jnp.float32),
            pltpu.VMEM((ROWS_PER_TILE,), jnp.float32),
            pltpu.VMEM_SHARED((N_PAD,), jnp.float32),
            pltpu.SemaphoreType.DMA,
            pltpu.SemaphoreType.DMA,
            pltpu.SemaphoreType.DMA,
            pltpu.SemaphoreType.DMA,
            pltpu.SemaphoreType.DMA,
            pltpu.SemaphoreType.DMA,
        ],
    )


def _sc_degree_body(cols_hbm, deg_out, col0, col1, col2, col3,
                    ones_v, zbuf, deg_sh, semi0, semi1, semi2, semi3,
                    sems0, sems1):
    c = lax.axis_index("c")
    s = lax.axis_index("s")
    w = s * NC + c
    cols = (col0, col1, col2, col3)
    semi = (semi0, semi1, semi2, semi3)
    sems = (sems0, sems1)
    sl = pl.ds(s * ROWS_PER_TILE, ROWS_PER_TILE)

    def cidx_src(j):
        return cols_hbm.at[pl.ds(w * EDGES_PER_W + j * CHUNK, CHUNK)]

    def issue_idx(j, k):
        pltpu.async_copy(cidx_src(j), cols[k], semi[k])

    def wait_idx(j, k):
        pltpu.make_async_copy(cidx_src(j), cols[k], semi[k]).wait()

    def issue_scat(k, m):
        pltpu.async_copy(ones_v, deg_sh.at[cols[k]], sems[m], add=True)

    def wait_scat(m):
        pltpu.make_async_copy(ones_v, deg_sh.at[col0], sems[m]).wait()

    for j in range(4):
        issue_idx(j, j)

    def zb(t, _):
        zbuf[pl.ds(t * 16, 16)] = jnp.zeros((16,), jnp.float32)
        return 0

    lax.fori_loop(0, ROWS_PER_TILE // 16, zb, 0)
    pltpu.sync_copy(zbuf, deg_sh.at[sl])
    for t in range(CHUNK // 16):
        ones_v[pl.ds(t * 16, 16)] = jnp.ones((16,), jnp.float32)
    plsc.subcore_barrier()

    wait_idx(0, 0)
    issue_scat(0, 0)
    wait_idx(1, 1)
    issue_scat(1, 1)

    def body(t, _):
        for k in range(4):
            j = 4 * t + 2 + k
            jb = (2 + k) % 4
            jm = k % 2
            wait_scat(jm)
            issue_idx(j + 2, (jb + 2) % 4)
            wait_idx(j, jb)
            issue_scat(jb, jm)
        return 0

    lax.fori_loop(0, 30, body, 0)
    for j in (122, 123, 124):
        jb = j % 4
        jm = j % 2
        wait_scat(jm)
        if j == 122:
            issue_idx(124, 0)
        wait_idx(j, jb)
        issue_scat(jb, jm)
    wait_scat((123 - 2) % 2)
    wait_scat((124 - 2) % 2)
    plsc.subcore_barrier()
    pltpu.sync_copy(deg_sh.at[sl], deg_out.at[c, sl])


@functools.cache
def _make_sc_scatter():
    mesh = plsc.VectorSubcoreMesh(core_axis_name="c", subcore_axis_name="s",
                                  num_cores=NC, num_subcores=NS)
    return pl.kernel(
        _sc_scatter_body,
        out_type=jax.ShapeDtypeStruct((NC, N_PAD, F), jnp.float32),
        mesh=mesh,
        scratch_types=[
            [pltpu.VMEM((CHUNK,), jnp.int32)] * 4,
            [pltpu.VMEM((CHUNK,), jnp.int32)] * 4,
            [pltpu.VMEM((CHUNK, F), jnp.float32)] * 4,
            pltpu.VMEM_SHARED((N_PAD, F), jnp.float32),
            [pltpu.SemaphoreType.DMA] * 4,
            [pltpu.SemaphoreType.DMA] * 2,
            [pltpu.SemaphoreType.DMA] * 4,
            [pltpu.SemaphoreType.DMA] * 4,
        ],
    )


def _sc_scatter_body(rows_hbm, cols_hbm, y_hbm, acc_out,
                     rbuf, cbuf, gbuf, acc_sh, semg, sems, semr, semc):
    c = lax.axis_index("c")
    s = lax.axis_index("s")
    w = s * NC + c
    sl = pl.ds(s * ROWS_PER_TILE, ROWS_PER_TILE)

    def rsrc(j):
        return rows_hbm.at[pl.ds(w * EDGES_PER_W + j * CHUNK, CHUNK)]

    def csrc(j):
        return cols_hbm.at[pl.ds(w * EDGES_PER_W + j * CHUNK, CHUNK)]

    def i_r(j, k):
        pltpu.async_copy(rsrc(j), rbuf[k], semr[k])

    def w_r(j, k):
        pltpu.make_async_copy(rsrc(j), rbuf[k], semr[k]).wait()

    def i_c(j, k):
        pltpu.async_copy(csrc(j), cbuf[k], semc[k])

    def w_c(j, k):
        pltpu.make_async_copy(csrc(j), cbuf[k], semc[k]).wait()

    def i_g(k):
        pltpu.async_copy(y_hbm.at[rbuf[k]], gbuf[k], semg[k])

    def w_g(k):
        pltpu.make_async_copy(y_hbm.at[rbuf[k]], gbuf[k], semg[k]).wait()

    def i_s(k, m):
        pltpu.async_copy(gbuf[k], acc_sh.at[cbuf[k]], sems[m], add=True)

    def w_s(m):
        pltpu.make_async_copy(gbuf[0], acc_sh.at[cbuf[0]], sems[m]).wait()

    def pos(j, jb, jm, first=False, lastj=NCHUNK - 1):
        w_g(jb)
        if not first:
            w_s(jm)
        w_c(j, jb)
        i_s(jb, jm)
        nxt = (jb + 2) % 4
        if not isinstance(j, int) or j + 2 <= lastj:
            i_c(j + 2, nxt)
            w_r(j + 2, nxt)
            i_g(nxt)
        if not isinstance(j, int) or j + 4 <= lastj:
            i_r(j + 4, jb)

    for k in range(4):
        i_r(k, k)
    i_c(0, 0)
    i_c(1, 1)
    w_r(0, 0)
    i_g(0)
    w_r(1, 1)
    i_g(1)

    @pl.when(c == 0)
    def _():
        pltpu.sync_copy(y_hbm.at[sl], acc_sh.at[sl])

    @pl.when(c != 0)
    def _():
        def zrow(r, _):
            for t in range(F // 16):
                gbuf[3][r, pl.ds(t * 16, 16)] = jnp.zeros((16,), jnp.float32)
            return 0

        lax.fori_loop(0, CHUNK, zrow, 0)
        for q in range(ROWS_PER_TILE // CHUNK):
            pltpu.sync_copy(
                gbuf[3],
                acc_sh.at[pl.ds(s * ROWS_PER_TILE + q * CHUNK, CHUNK)])

    plsc.subcore_barrier()
    pos(0, 0, 0, first=True)
    pos(1, 1, 1, first=True)

    def body(t, _):
        for k in range(4):
            pos(4 * t + 2 + k, (2 + k) % 4, k % 2)
        return 0

    lax.fori_loop(0, (NCHUNK - 9) // 4, body, 0)
    for j in range(NCHUNK - 7, NCHUNK):
        pos(j, j % 4, j % 2)
    w_s((NCHUNK - 2) % 2)
    w_s((NCHUNK - 1) % 2)
    plsc.subcore_barrier()
    pltpu.sync_copy(acc_sh.at[sl], acc_out.at[c, sl])


def _tc_y_body(x_ref, w1_ref, deg_ref, y_ref):
    d = deg_ref[0, :] + deg_ref[1, :] + 1.0
    dis = lax.rsqrt(d)
    xw = jnp.dot(x_ref[...], w1_ref[...], preferred_element_type=jnp.float32)
    y_ref[...] = xw * dis[:, None]


def _tc_y(x_pad, w1, deg_part):
    return pl.pallas_call(
        _tc_y_body,
        grid=(NB,),
        in_specs=[
            pl.BlockSpec((BLK, F), lambda i: (i, 0)),
            pl.BlockSpec((F, F), lambda i: (0, 0)),
            pl.BlockSpec((NC, BLK), lambda i: (0, i)),
        ],
        out_specs=pl.BlockSpec((BLK, F), lambda i: (i, 0)),
        out_shape=jax.ShapeDtypeStruct((N_PAD, F), jnp.float32),
    )(x_pad, w1, deg_part)


def _tc_fin_body(acc_ref, deg_ref, batch_ref, b1_ref, w2_ref, b2_ref,
                 out_ref, pooled_scr):
    i = pl.program_id(0)

    @pl.when(i == 0)
    def _():
        pooled_scr[...] = jnp.full((G_GRAPHS, F), -jnp.inf, jnp.float32)

    d = deg_ref[0, :] + deg_ref[1, :] + 1.0
    dis = lax.rsqrt(d)
    conv = (acc_ref[0] + acc_ref[1]) * dis[:, None] + b1_ref[...]
    h = jnp.maximum(conv, 0.0)
    rid = i * BLK + lax.broadcasted_iota(jnp.int32, (BLK, 1), 0)
    hp = jnp.where(rid < N_REAL, h, -jnp.inf)
    bvec = batch_ref[...]
    glo = jnp.min(bvec)
    ghi = jnp.max(bvec)

    def gbody(g, _):
        m = bvec == g
        colmax = jnp.max(jnp.where(m, hp, -jnp.inf), axis=0, keepdims=True)
        cur = pooled_scr[pl.ds(g, 1), :]
        pooled_scr[pl.ds(g, 1), :] = jnp.maximum(cur, colmax)
        return 0

    lax.fori_loop(glo, ghi + 1, gbody, 0)

    @pl.when(i == NB - 1)
    def _():
        pooled = pooled_scr[...]
        logits = jnp.dot(pooled, w2_ref[...],
                         preferred_element_type=jnp.float32) + b2_ref[...]
        mx = jnp.max(logits, axis=-1, keepdims=True)
        lse = mx + jnp.log(jnp.sum(jnp.exp(logits - mx), axis=-1, keepdims=True))
        out_ref[...] = logits - lse


def _tc_fin(acc_part, deg_part, batch_pad, b1, w2, b2):
    return pl.pallas_call(
        _tc_fin_body,
        grid=(NB,),
        in_specs=[
            pl.BlockSpec((NC, BLK, F), lambda i: (0, i, 0)),
            pl.BlockSpec((NC, BLK), lambda i: (0, i)),
            pl.BlockSpec((BLK, 1), lambda i: (i, 0)),
            pl.BlockSpec((1, F), lambda i: (0, 0)),
            pl.BlockSpec((F, C_OUT), lambda i: (0, 0)),
            pl.BlockSpec((1, C_OUT), lambda i: (0, 0)),
        ],
        out_specs=pl.BlockSpec((G_GRAPHS, C_OUT), lambda i: (0, 0)),
        out_shape=jax.ShapeDtypeStruct((G_GRAPHS, C_OUT), jnp.float32),
        scratch_shapes=[pltpu.VMEM((G_GRAPHS, F), jnp.float32)],
        compiler_params=pltpu.CompilerParams(
            dimension_semantics=("arbitrary",)),
    )(acc_part, deg_part, batch_pad, b1, w2, b2)


def kernel(x, edge_index, batch, W1, b1, W2, b2):
    x_pad = jnp.pad(x, ((0, N_PAD - N_REAL), (0, 0)))
    batch_pad = jnp.pad(batch, (0, N_PAD - N_REAL),
                        constant_values=G_GRAPHS - 1)
    e_per_w = E_TOT // NW
    pad_w = EDGES_PER_W - e_per_w
    if pad_w:
        dummy = jnp.full((NW, pad_w), N_PAD - 1, jnp.int32)
        rows_flat = jnp.concatenate(
            [edge_index[0].reshape(NW, e_per_w), dummy], axis=1).reshape(-1)
        cols_flat = jnp.concatenate(
            [edge_index[1].reshape(NW, e_per_w), dummy], axis=1).reshape(-1)
    else:
        rows_flat = edge_index[0]
        cols_flat = edge_index[1]

    deg_part = _make_sc_degree()(cols_flat)
    y = _tc_y(x_pad, W1, deg_part)
    acc_part = _make_sc_scatter()(rows_flat, cols_flat, y)
    out = _tc_fin(acc_part, deg_part, batch_pad.reshape(-1, 1),
                  b1.reshape(1, F), W2, b2.reshape(1, C_OUT))
    return out

# --- scband reference (transcript-rebuilt; emitter-appended) ---
"""Pipeline reference for scband-model-1915555414022 (READ-ONLY COPY).

The authoritative reference and input builder live on the scoring server;
editing this copy changes nothing except your own understanding.
"""

import jax, jax.numpy as jnp
import numpy as np

N, E, F_IN, H, C, G = 10000, 320000, 128, 128, 2, 128

def setup_inputs(seed: int = 0) -> dict:
    key = jax.random.key(seed)
    k1, k2, k3, k4, k5, k6, k7 = jax.random.split(key, 7)
    x = jax.random.normal(k1, (N, F_IN), dtype=jnp.float32)
    edge_index = jax.random.randint(k2, (2, E), 0, N, dtype=jnp.int32)
    batch = jnp.sort(jax.random.randint(k3, (N,), 0, G, dtype=jnp.int32))
    W1 = jax.random.normal(k4, (F_IN, H), dtype=jnp.float32) * (1.0 / np.sqrt(F_IN))
    b1 = jnp.zeros((H,), dtype=jnp.float32)
    W2 = jax.random.normal(k5, (H, C), dtype=jnp.float32) * (1.0 / np.sqrt(H))
    b2 = jnp.zeros((C,), dtype=jnp.float32)
    return {"x": x, "edge_index": edge_index, "batch": batch, "W1": W1, "b1": b1, "W2": W2, "b2": b2}

def reference(x, edge_index, batch, W1, b1, W2, b2):
    # GCNConv with add_self_loops + symmetric normalization (PyG semantics)
    n = x.shape[0]
    row = edge_index[0]
    col = edge_index[1]
    loop = jnp.arange(n, dtype=edge_index.dtype)
    row = jnp.concatenate([row, loop])
    col = jnp.concatenate([col, loop])
    deg = jnp.zeros((n,), dtype=x.dtype).at[col].add(1.0)
    deg_inv_sqrt = jnp.where(deg > 0, 1.0 / jnp.sqrt(deg), 0.0)
    norm = deg_inv_sqrt[row] * deg_inv_sqrt[col]
    xw = x @ W1
    msg = xw[row] * norm[:, None]
    conv = jax.ops.segment_sum(msg, col, num_segments=n) + b1
    h = jax.nn.relu(conv)
    # global max pool over graphs in batch
    pooled = jax.ops.segment_max(h, batch, num_segments=G)
    logits = pooled @ W2 + b2
    return jax.nn.log_softmax(logits, axis=-1)

if __name__ == "__main__":
    import jax
    _d = setup_inputs()
    print(jax.jit(kernel)(*tuple(_d.values())))

</pallas_src>

<mosaic_0001>
#map = affine_map<(d0, d1) -> (0)>
#map1 = affine_map<(d0, d1) -> (0, 0)>
module attributes {stable_mosaic.version = 14 : i64} {
  func.func @_sc_degree_body(%arg0: i32, %arg1: i32, %arg2: memref<320000xi32, #tpu.memory_space<hbm>>, %arg3: memref<2x10240xf32, #tpu.memory_space<hbm>>, %arg4: memref<80xi32, #tpu.memory_space<vmem>>, %arg5: memref<80xi32, #tpu.memory_space<vmem>>, %arg6: memref<80xi32, #tpu.memory_space<vmem>>, %arg7: memref<80xi32, #tpu.memory_space<vmem>>, %arg8: memref<80xf32, #tpu.memory_space<vmem>>, %arg9: memref<640xf32, #tpu.memory_space<vmem>>, %arg10: memref<10240xf32, #tpu.memory_space<vmem_shared>>, %arg11: memref<!tpu.dma_semaphore, #tpu.memory_space<semaphore_mem>>, %arg12: memref<!tpu.dma_semaphore, #tpu.memory_space<semaphore_mem>>, %arg13: memref<!tpu.dma_semaphore, #tpu.memory_space<semaphore_mem>>, %arg14: memref<!tpu.dma_semaphore, #tpu.memory_space<semaphore_mem>>, %arg15: memref<!tpu.dma_semaphore, #tpu.memory_space<semaphore_mem>>, %arg16: memref<!tpu.dma_semaphore, #tpu.memory_space<semaphore_mem>>) attributes {dimension_semantics = [#tpu.dimension_semantics<core_parallel>, #tpu.dimension_semantics<subcore_parallel>], iteration_bounds = array<i64: 2, 16>, scalar_prefetch = 0 : i64, scratch_operands = 13 : i64, tpu.core_type = #tpu.core_type<sc_vector_subcore>, window_params = [{transform_indices = #map}, {transform_indices = #map1}]} {
    %mul3A = arith.constant 2 : i32
    %mul3A_0 = arith.muli %arg1, %mul3A : i32
    %add3A = arith.addi %mul3A_0, %arg0 : i32
    %mul3A_1 = arith.constant 640 : i32
    %mul3A_2 = arith.muli %arg1, %mul3A_1 : i32
    %mul3A_3 = arith.constant 10000 : i32
    %mul3A_4 = arith.muli %add3A, %mul3A_3 : i32
    %add3A_5 = arith.constant 0 : i32
    %add3A_6 = arith.addi %mul3A_4, %add3A_5 : i32
    %dma_start3A = tpu.memref_slice %arg2[%add3A_6] : memref<320000xi32, #tpu.memory_space<hbm>> -> memref<80xi32, #tpu.memory_space<hbm>>
    %dma_start3A_7 = tpu.memref_slice %arg2[%add3A_6] : memref<320000xi32, #tpu.memory_space<hbm>> -> memref<80xi32, #tpu.memory_space<hbm>>
    tpu.enqueue_dma source(%dma_start3A_7 : memref<80xi32, #tpu.memory_space<hbm>>) target(%arg4 : memref<80xi32, #tpu.memory_space<vmem>>) target_semaphore(%arg11 : memref<!tpu.dma_semaphore, #tpu.memory_space<semaphore_mem>>)
    %mul3A_8 = arith.constant 10000 : i32
    %mul3A_9 = arith.muli %add3A, %mul3A_8 : i32
    %add3A_10 = arith.constant 80 : i32
    %add3A_11 = arith.addi %mul3A_9, %add3A_10 : i32
    %dma_start3A_12 = tpu.memref_slice %arg2[%add3A_11] : memref<320000xi32, #tpu.memory_space<hbm>> -> memref<80xi32, #tpu.memory_space<hbm>>
    %dma_start3A_13 = tpu.memref_slice %arg2[%add3A_11] : memref<320000xi32, #tpu.memory_space<hbm>> -> memref<80xi32, #tpu.memory_space<hbm>>
    tpu.enqueue_dma source(%dma_start3A_13 : memref<80xi32, #tpu.memory_space<hbm>>) target(%arg5 : memref<80xi32, #tpu.memory_space<vmem>>) target_semaphore(%arg12 : memref<!tpu.dma_semaphore, #tpu.memory_space<semaphore_mem>>)
    %mul3A_14 = arith.constant 10000 : i32
    %mul3A_15 = arith.muli %add3A, %mul3A_14 : i32
    %add3A_16 = arith.constant 160 : i32
    %add3A_17 = arith.addi %mul3A_15, %add3A_16 : i32
    %dma_start3A_18 = tpu.memref_slice %arg2[%add3A_17] : memref<320000xi32, #tpu.memory_space<hbm>> -> memref<80xi32, #tpu.memory_space<hbm>>
    %dma_start3A_19 = tpu.memref_slice %arg2[%add3A_17] : memref<320000xi32, #tpu.memory_space<hbm>> -> memref<80xi32, #tpu.memory_space<hbm>>
    tpu.enqueue_dma source(%dma_start3A_19 : memref<80xi32, #tpu.memory_space<hbm>>) target(%arg6 : memref<80xi32, #tpu.memory_space<vmem>>) target_semaphore(%arg13 : memref<!tpu.dma_semaphore, #tpu.memory_space<semaphore_mem>>)
    %mul3A_20 = arith.constant 10000 : i32
    %mul3A_21 = arith.muli %add3A, %mul3A_20 : i32
    %add3A_22 = arith.constant 240 : i32
    %add3A_23 = arith.addi %mul3A_21, %add3A_22 : i32
    %dma_start3A_24 = tpu.memref_slice %arg2[%add3A_23] : memref<320000xi32, #tpu.memory_space<hbm>> -> memref<80xi32, #tpu.memory_space<hbm>>
    %dma_start3A_25 = tpu.memref_slice %arg2[%add3A_23] : memref<320000xi32, #tpu.memory_space<hbm>> -> memref<80xi32, #tpu.memory_space<hbm>>
    tpu.enqueue_dma source(%dma_start3A_25 : memref<80xi32, #tpu.memory_space<hbm>>) target(%arg7 : memref<80xi32, #tpu.memory_space<vmem>>) target_semaphore(%arg14 : memref<!tpu.dma_semaphore, #tpu.memory_space<semaphore_mem>>)
    %scan3A = arith.constant 0 : i32
    %scan3A_26 = arith.constant 0 : i32
    %scan3A_27 = arith.constant 40 : i32
    %scan3A_28 = arith.addi %scan3A_26, %scan3A_27 : i32
    %scan3A_29 = arith.constant 1 : i32
    %scan3A_30 = scf.for %scan3A_123 = %scan3A_26 to %scan3A_28 step %scan3A_29 iter_args(%scan3A_124 = %scan3A) -> (i32)  : i32 {
      %broadcast_in_dim3A_125 = arith.constant 0.000000e+00 : f32
      %broadcast_in_dim3A_126 = vector.broadcast %broadcast_in_dim3A_125 : f32 to vector<16xf32>
      %mul3A_127 = arith.constant 16 : i32
      %mul3A_128 = arith.muli %scan3A_123, %mul3A_127 : i32
      %swap3A_129 = arith.index_cast %mul3A_128 : i32 to index
      %swap3A_130 = tpu.vector_load %arg9[%swap3A_129] {strides = array<i32>} : memref<640xf32, #tpu.memory_space<vmem>>, vector<16xf32>,
      %swap3A_131 = vector.shape_cast %swap3A_130 : vector<16xf32> to vector<16xf32>
      %swap3A_132 = vector.shape_cast %broadcast_in_dim3A_126 : vector<16xf32> to vector<16xf32>
      tpu.vector_store %arg9[%swap3A_129], %swap3A_132 {strides = array<i32>} : memref<640xf32, #tpu.memory_space<vmem>>, vector<16xf32>,
      %scan3A_133 = arith.constant 0 : i32
      scf.yield %scan3A_133 : i32
    }
    %scan3A_31 = arith.constant 40 : i32
    "tpu.region"() ({
      %run_scoped3A = tpu.sem_alloc : memref<!tpu.dma_semaphore, #tpu.memory_space<semaphore_mem>>
      %dma_start3A_123 = tpu.memref_slice %arg10[%mul3A_2] : memref<10240xf32, #tpu.memory_space<vmem_shared>> -> memref<640xf32, #tpu.memory_space<vmem_shared>>
      %dma_start3A_124 = tpu.memref_slice %arg10[%mul3A_2] : memref<10240xf32, #tpu.memory_space<vmem_shared>> -> memref<640xf32, #tpu.memory_space<vmem_shared>>
      tpu.enqueue_dma source(%arg9 : memref<640xf32, #tpu.memory_space<vmem>>) target(%dma_start3A_124 : memref<640xf32, #tpu.memory_space<vmem_shared>>) target_semaphore(%run_scoped3A : memref<!tpu.dma_semaphore, #tpu.memory_space<semaphore_mem>>)
      %dma_wait3A_125 = tpu.memref_slice %arg10[%mul3A_2] : memref<10240xf32, #tpu.memory_space<vmem_shared>> -> memref<640xf32, #tpu.memory_space<vmem_shared>>
      %dma_wait3A_126 = tpu.memref_slice %arg10[%mul3A_2] : memref<10240xf32, #tpu.memory_space<vmem_shared>> -> memref<640xf32, #tpu.memory_space<vmem_shared>>
      tpu.wait_dma2 semaphore(%run_scoped3A : memref<!tpu.dma_semaphore, #tpu.memory_space<semaphore_mem>>) src(%arg9 : memref<640xf32, #tpu.memory_space<vmem>>) dst(%dma_wait3A_126 : memref<640xf32, #tpu.memory_space<vmem_shared>>)
      tpu.yield
    }) : () -> ()
    %broadcast_in_dim3A = arith.constant 1.000000e+00 : f32
    %broadcast_in_dim3A_32 = vector.broadcast %broadcast_in_dim3A : f32 to vector<16xf32>
    %swap3A = arith.constant 0 : index
    %swap3A_33 = tpu.vector_load %arg8[%swap3A] {strides = array<i32>} : memref<80xf32, #tpu.memory_space<vmem>>, vector<16xf32>,
    %swap3A_34 = vector.shape_cast %swap3A_33 : vector<16xf32> to vector<16xf32>
    %swap3A_35 = vector.shape_cast %broadcast_in_dim3A_32 : vector<16xf32> to vector<16xf32>
    tpu.vector_store %arg8[%swap3A], %swap3A_35 {strides = array<i32>} : memref<80xf32, #tpu.memory_space<vmem>>, vector<16xf32>,
    %broadcast_in_dim3A_36 = arith.constant 1.000000e+00 : f32
    %broadcast_in_dim3A_37 = vector.broadcast %broadcast_in_dim3A_36 : f32 to vector<16xf32>
    %swap3A_38 = arith.constant 16 : index
    %swap3A_39 = tpu.vector_load %arg8[%swap3A_38] {strides = array<i32>} : memref<80xf32, #tpu.memory_space<vmem>>, vector<16xf32>,
    %swap3A_40 = vector.shape_cast %swap3A_39 : vector<16xf32> to vector<16xf32>
    %swap3A_41 = vector.shape_cast %broadcast_in_dim3A_37 : vector<16xf32> to vector<16xf32>
    tpu.vector_store %arg8[%swap3A_38], %swap3A_41 {strides = array<i32>} : memref<80xf32, #tpu.memory_space<vmem>>, vector<16xf32>,
    %broadcast_in_dim3A_42 = arith.constant 1.000000e+00 : f32
    %broadcast_in_dim3A_43 = vector.broadcast %broadcast_in_dim3A_42 : f32 to vector<16xf32>
    %swap3A_44 = arith.constant 32 : index
    %swap3A_45 = tpu.vector_load %arg8[%swap3A_44] {strides = array<i32>} : memref<80xf32, #tpu.memory_space<vmem>>, vector<16xf32>,
    %swap3A_46 = vector.shape_cast %swap3A_45 : vector<16xf32> to vector<16xf32>
    %swap3A_47 = vector.shape_cast %broadcast_in_dim3A_43 : vector<16xf32> to vector<16xf32>
    tpu.vector_store %arg8[%swap3A_44], %swap3A_47 {strides = array<i32>} : memref<80xf32, #tpu.memory_space<vmem>>, vector<16xf32>,
    %broadcast_in_dim3A_48 = arith.constant 1.000000e+00 : f32
    %broadcast_in_dim3A_49 = vector.broadcast %broadcast_in_dim3A_48 : f32 to vector<16xf32>
    %swap3A_50 = arith.constant 48 : index
    %swap3A_51 = tpu.vector_load %arg8[%swap3A_50] {strides = array<i32>} : memref<80xf32, #tpu.memory_space<vmem>>, vector<16xf32>,
    %swap3A_52 = vector.shape_cast %swap3A_51 : vector<16xf32> to vector<16xf32>
    %swap3A_53 = vector.shape_cast %broadcast_in_dim3A_49 : vector<16xf32> to vector<16xf32>
    tpu.vector_store %arg8[%swap3A_50], %swap3A_53 {strides = array<i32>} : memref<80xf32, #tpu.memory_space<vmem>>, vector<16xf32>,
    %broadcast_in_dim3A_54 = arith.constant 1.000000e+00 : f32
    %broadcast_in_dim3A_55 = vector.broadcast %broadcast_in_dim3A_54 : f32 to vector<16xf32>
    %swap3A_56 = arith.constant 64 : index
    %swap3A_57 = tpu.vector_load %arg8[%swap3A_56] {strides = array<i32>} : memref<80xf32, #tpu.memory_space<vmem>>, vector<16xf32>,
    %swap3A_58 = vector.shape_cast %swap3A_57 : vector<16xf32> to vector<16xf32>
    %swap3A_59 = vector.shape_cast %broadcast_in_dim3A_55 : vector<16xf32> to vector<16xf32>
    tpu.vector_store %arg8[%swap3A_56], %swap3A_59 {strides = array<i32>} : memref<80xf32, #tpu.memory_space<vmem>>, vector<16xf32>,
    %barrier3A = arith.constant 0 : index
    tpu.barrier barrier_id(%barrier3A)
    %mul3A_60 = arith.constant 10000 : i32
    %mul3A_61 = arith.muli %add3A, %mul3A_60 : i32
    %add3A_62 = arith.constant 0 : i32
    %add3A_63 = arith.addi %mul3A_61, %add3A_62 : i32
    %dma_wait3A = tpu.memref_slice %arg2[%add3A_63] : memref<320000xi32, #tpu.memory_space<hbm>> -> memref<80xi32, #tpu.memory_space<hbm>>
    %dma_wait3A_64 = tpu.memref_slice %arg2[%add3A_63] : memref<320000xi32, #tpu.memory_space<hbm>> -> memref<80xi32, #tpu.memory_space<hbm>>
    tpu.wait_dma2 semaphore(%arg11 : memref<!tpu.dma_semaphore, #tpu.memory_space<semaphore_mem>>) src(%dma_wait3A_64 : memref<80xi32, #tpu.memory_space<hbm>>) dst(%arg4 : memref<80xi32, #tpu.memory_space<vmem>>)
    %dma_start3A_65 = arith.constant 0 : i32
    %dma_start3A_66 = tpu.memref_slice %arg10[%dma_start3A_65] : memref<10240xf32, #tpu.memory_space<vmem_shared>> -> memref<10240xf32, #tpu.memory_space<vmem_shared>>
    tpu.enqueue_indirect_dma source(%arg8 : memref<80xf32, #tpu.memory_space<vmem>>) target(%dma_start3A_66 : memref<10240xf32, #tpu.memory_space<vmem_shared>>) offsets(%arg4 : memref<80xi32, #tpu.memory_space<vmem>>) semaphore(%arg15 : memref<!tpu.dma_semaphore, #tpu.memory_space<semaphore_mem>>) {add = true}
    %mul3A_67 = arith.constant 10000 : i32
    %mul3A_68 = arith.muli %add3A, %mul3A_67 : i32
    %add3A_69 = arith.constant 80 : i32
    %add3A_70 = arith.addi %mul3A_68, %add3A_69 : i32
    %dma_wait3A_71 = tpu.memref_slice %arg2[%add3A_70] : memref<320000xi32, #tpu.memory_space<hbm>> -> memref<80xi32, #tpu.memory_space<hbm>>
    %dma_wait3A_72 = tpu.memref_slice %arg2[%add3A_70] : memref<320000xi32, #tpu.memory_space<hbm>> -> memref<80xi32, #tpu.memory_space<hbm>>
    tpu.wait_dma2 semaphore(%arg12 : memref<!tpu.dma_semaphore, #tpu.memory_space<semaphore_mem>>) src(%dma_wait3A_72 : memref<80xi32, #tpu.memory_space<hbm>>) dst(%arg5 : memref<80xi32, #tpu.memory_space<vmem>>)
    %dma_start3A_73 = arith.constant 0 : i32
    %dma_start3A_74 = tpu.memref_slice %arg10[%dma_start3A_73] : memref<10240xf32, #tpu.memory_space<vmem_shared>> -> memref<10240xf32, #tpu.memory_space<vmem_shared>>
    tpu.enqueue_indirect_dma source(%arg8 : memref<80xf32, #tpu.memory_space<vmem>>) target(%dma_start3A_74 : memref<10240xf32, #tpu.memory_space<vmem_shared>>) offsets(%arg5 : memref<80xi32, #tpu.memory_space<vmem>>) semaphore(%arg16 : memref<!tpu.dma_semaphore, #tpu.memory_space<semaphore_mem>>) {add = true}
    %scan3A_75 = arith.constant 0 : i32
    %scan3A_76 = arith.constant 0 : i32
    %scan3A_77 = arith.constant 30 : i32
    %scan3A_78 = arith.addi %scan3A_76, %scan3A_77 : i32
    %scan3A_79 = arith.constant 1 : i32
    %scan3A_80 = scf.for %scan3A_123 = %scan3A_76 to %scan3A_78 step %scan3A_79 iter_args(%scan3A_124 = %scan3A_75) -> (i32)  : i32 {
      %mul3A_125 = arith.constant 4 : i32
      %mul3A_126 = arith.muli %mul3A_125, %scan3A_123 : i32
      %add3A_127 = arith.constant 2 : i32
      %add3A_128 = arith.addi %mul3A_126, %add3A_127 : i32
      %add3A_129 = arith.constant 0 : i32
      %add3A_130 = arith.addi %add3A_128, %add3A_129 : i32
      %dma_wait3A_131 = arith.constant 0 : i32
      %dma_wait3A_132 = tpu.memref_slice %arg10[%dma_wait3A_131] : memref<10240xf32, #tpu.memory_space<vmem_shared>> -> memref<10240xf32, #tpu.memory_space<vmem_shared>>
      tpu.wait_indirect_dma semaphore(%arg15 : memref<!tpu.dma_semaphore, #tpu.memory_space<semaphore_mem>>) src(%arg8 : memref<80xf32, #tpu.memory_space<vmem>>) dst(%dma_wait3A_132 : memref<10240xf32, #tpu.memory_space<vmem_shared>>)
      %add3A_133 = arith.constant 2 : i32
      %add3A_134 = arith.addi %add3A_130, %add3A_133 : i32
      %mul3A_135 = arith.constant 10000 : i32
      %mul3A_136 = arith.muli %add3A, %mul3A_135 : i32
      %mul3A_137 = arith.constant 80 : i32
      %mul3A_138 = arith.muli %add3A_134, %mul3A_137 : i32
      %add3A_139 = arith.addi %mul3A_136, %mul3A_138 : i32
      %dma_start3A_140 = tpu.memref_slice %arg2[%add3A_139] : memref<320000xi32, #tpu.memory_space<hbm>> -> memref<80xi32, #tpu.memory_space<hbm>>
      %dma_start3A_141 = tpu.memref_slice %arg2[%add3A_139] : memref<320000xi32, #tpu.memory_space<hbm>> -> memref<80xi32, #tpu.memory_space<hbm>>
      tpu.enqueue_dma source(%dma_start3A_141 : memref<80xi32, #tpu.memory_space<hbm>>) target(%arg4 : memref<80xi32, #tpu.memory_space<vmem>>) target_semaphore(%arg11 : memref<!tpu.dma_semaphore, #tpu.memory_space<semaphore_mem>>)
      %mul3A_142 = arith.constant 10000 : i32
      %mul3A_143 = arith.muli %add3A, %mul3A_142 : i32
      %mul3A_144 = arith.constant 80 : i32
      %mul3A_145 = arith.muli %add3A_130, %mul3A_144 : i32
      %add3A_146 = arith.addi %mul3A_143, %mul3A_145 : i32
      %dma_wait3A_147 = tpu.memref_slice %arg2[%add3A_146] : memref<320000xi32, #tpu.memory_space<hbm>> -> memref<80xi32, #tpu.memory_space<hbm>>
      %dma_wait3A_148 = tpu.memref_slice %arg2[%add3A_146] : memref<320000xi32, #tpu.memory_space<hbm>> -> memref<80xi32, #tpu.memory_space<hbm>>
      tpu.wait_dma2 semaphore(%arg13 : memref<!tpu.dma_semaphore, #tpu.memory_space<semaphore_mem>>) src(%dma_wait3A_148 : memref<80xi32, #tpu.memory_space<hbm>>) dst(%arg6 : memref<80xi32, #tpu.memory_space<vmem>>)
      %dma_start3A_149 = arith.constant 0 : i32
      %dma_start3A_150 = tpu.memref_slice %arg10[%dma_start3A_149] : memref<10240xf32, #tpu.memory_space<vmem_shared>> -> memref<10240xf32, #tpu.memory_space<vmem_shared>>
      tpu.enqueue_indirect_dma source(%arg8 : memref<80xf32, #tpu.memory_space<vmem>>) target(%dma_start3A_150 : memref<10240xf32, #tpu.memory_space<vmem_shared>>) offsets(%arg6 : memref<80xi32, #tpu.memory_space<vmem>>) semaphore(%arg15 : memref<!tpu.dma_semaphore, #tpu.memory_space<semaphore_mem>>) {add = true}
      %mul3A_151 = arith.constant 4 : i32
      %mul3A_152 = arith.muli %mul3A_151, %scan3A_123 : i32
      %add3A_153 = arith.constant 2 : i32
      %add3A_154 = arith.addi %mul3A_152, %add3A_153 : i32
      %add3A_155 = arith.constant 1 : i32
      %add3A_156 = arith.addi %add3A_154, %add3A_155 : i32
      %dma_wait3A_157 = arith.constant 0 : i32
      %dma_wait3A_158 = tpu.memref_slice %arg10[%dma_wait3A_157] : memref<10240xf32, #tpu.memory_space<vmem_shared>> -> memref<10240xf32, #tpu.memory_space<vmem_shared>>
      tpu.wait_indirect_dma semaphore(%arg16 : memref<!tpu.dma_semaphore, #tpu.memory_space<semaphore_mem>>) src(%arg8 : memref<80xf32, #tpu.memory_space<vmem>>) dst(%dma_wait3A_158 : memref<10240xf32, #tpu.memory_space<vmem_shared>>)
      %add3A_159 = arith.constant 2 : i32
      %add3A_160 = arith.addi %add3A_156, %add3A_159 : i32
      %mul3A_161 = arith.constant 10000 : i32
      %mul3A_162 = arith.muli %add3A, %mul3A_161 : i32
      %mul3A_163 = arith.constant 80 : i32
      %mul3A_164 = arith.muli %add3A_160, %mul3A_163 : i32
      %add3A_165 = arith.addi %mul3A_162, %mul3A_164 : i32
      %dma_start3A_166 = tpu.memref_slice %arg2[%add3A_165] : memref<320000xi32, #tpu.memory_space<hbm>> -> memref<80xi32, #tpu.memory_space<hbm>>
      %dma_start3A_167 = tpu.memref_slice %arg2[%add3A_165] : memref<320000xi32, #tpu.memory_space<hbm>> -> memref<80xi32, #tpu.memory_space<hbm>>
      tpu.enqueue_dma source(%dma_start3A_167 : memref<80xi32, #tpu.memory_space<hbm>>) target(%arg5 : memref<80xi32, #tpu.memory_space<vmem>>) target_semaphore(%arg12 : memref<!tpu.dma_semaphore, #tpu.memory_space<semaphore_mem>>)
      %mul3A_168 = arith.constant 10000 : i32
      %mul3A_169 = arith.muli %add3A, %mul3A_168 : i32
      %mul3A_170 = arith.constant 80 : i32
      %mul3A_171 = arith.muli %add3A_156, %mul3A_170 : i32
      %add3A_172 = arith.addi %mul3A_169, %mul3A_171 : i32
      %dma_wait3A_173 = tpu.memref_slice %arg2[%add3A_172] : memref<320000xi32, #tpu.memory_space<hbm>> -> memref<80xi32, #tpu.memory_space<hbm>>
      %dma_wait3A_174 = tpu.memref_slice %arg2[%add3A_172] : memref<320000xi32, #tpu.memory_space<hbm>> -> memref<80xi32, #tpu.memory_space<hbm>>
      tpu.wait_dma2 semaphore(%arg14 : memref<!tpu.dma_semaphore, #tpu.memory_space<semaphore_mem>>) src(%dma_wait3A_174 : memref<80xi32, #tpu.memory_space<hbm>>) dst(%arg7 : memref<80xi32, #tpu.memory_space<vmem>>)
      %dma_start3A_175 = arith.constant 0 : i32
      %dma_start3A_176 = tpu.memref_slice %arg10[%dma_start3A_175] : memref<10240xf32, #tpu.memory_space<vmem_shared>> -> memref<10240xf32, #tpu.memory_space<vmem_shared>>
      tpu.enqueue_indirect_dma source(%arg8 : memref<80xf32, #tpu.memory_space<vmem>>) target(%dma_start3A_176 : memref<10240xf32, #tpu.memory_space<vmem_shared>>) offsets(%arg7 : memref<80xi32, #tpu.memory_space<vmem>>) semaphore(%arg16 : memref<!tpu.dma_semaphore, #tpu.memory_space<semaphore_mem>>) {add = true}
      %mul3A_177 = arith.constant 4 : i32
      %mul3A_178 = arith.muli %mul3A_177, %scan3A_123 : i32
      %add3A_179 = arith.constant 2 : i32
      %add3A_180 = arith.addi %mul3A_178, %add3A_179 : i32
      %add3A_181 = arith.constant 2 : i32
      %add3A_182 = arith.addi %add3A_180, %add3A_181 : i32
      %dma_wait3A_183 = arith.constant 0 : i32
      %dma_wait3A_184 = tpu.memref_slice %arg10[%dma_wait3A_183] : memref<10240xf32, #tpu.memory_space<vmem_shared>> -> memref<10240xf32, #tpu.memory_space<vmem_shared>>
      tpu.wait_indirect_dma semaphore(%arg15 : memref<!tpu.dma_semaphore, #tpu.memory_space<semaphore_mem>>) src(%arg8 : memref<80xf32, #tpu.memory_space<vmem>>) dst(%dma_wait3A_184 : memref<10240xf32, #tpu.memory_space<vmem_shared>>)
      %add3A_185 = arith.constant 2 : i32
      %add3A_186 = arith.addi %add3A_182, %add3A_185 : i32
      %mul3A_187 = arith.constant 10000 : i32
      %mul3A_188 = arith.muli %add3A, %mul3A_187 : i32
      %mul3A_189 = arith.constant 80 : i32
      %mul3A_190 = arith.muli %add3A_186, %mul3A_189 : i32
      %add3A_191 = arith.addi %mul3A_188, %mul3A_190 : i32
      %dma_start3A_192 = tpu.memref_slice %arg2[%add3A_191] : memref<320000xi32, #tpu.memory_space<hbm>> -> memref<80xi32, #tpu.memory_space<hbm>>
      %dma_start3A_193 = tpu.memref_slice %arg2[%add3A_191] : memref<320000xi32, #tpu.memory_space<hbm>> -> memref<80xi32, #tpu.memory_space<hbm>>
      tpu.enqueue_dma source(%dma_start3A_193 : memref<80xi32, #tpu.memory_space<hbm>>) target(%arg6 : memref<80xi32, #tpu.memory_space<vmem>>) target_semaphore(%arg13 : memref<!tpu.dma_semaphore, #tpu.memory_space<semaphore_mem>>)
      %mul3A_194 = arith.constant 10000 : i32
      %mul3A_195 = arith.muli %add3A, %mul3A_194 : i32
      %mul3A_196 = arith.constant 80 : i32
      %mul3A_197 = arith.muli %add3A_182, %mul3A_196 : i32
      %add3A_198 = arith.addi %mul3A_195, %mul3A_197 : i32
      %dma_wait3A_199 = tpu.memref_slice %arg2[%add3A_198] : memref<320000xi32, #tpu.memory_space<hbm>> -> memref<80xi32, #tpu.memory_space<hbm>>
      %dma_wait3A_200 = tpu.memref_slice %arg2[%add3A_198] : memref<320000xi32, #tpu.memory_space<hbm>> -> memref<80xi32, #tpu.memory_space<hbm>>
      tpu.wait_dma2 semaphore(%arg11 : memref<!tpu.dma_semaphore, #tpu.memory_space<semaphore_mem>>) src(%dma_wait3A_200 : memref<80xi32, #tpu.memory_space<hbm>>) dst(%arg4 : memref<80xi32, #tpu.memory_space<vmem>>)
      %dma_start3A_201 = arith.constant 0 : i32
      %dma_start3A_202 = tpu.memref_slice %arg10[%dma_start3A_201] : memref<10240xf32, #tpu.memory_space<vmem_shared>> -> memref<10240xf32, #tpu.memory_space<vmem_shared>>
      tpu.enqueue_indirect_dma source(%arg8 : memref<80xf32, #tpu.memory_space<vmem>>) target(%dma_start3A_202 : memref<10240xf32, #tpu.memory_space<vmem_shared>>) offsets(%arg4 : memref<80xi32, #tpu.memory_space<vmem>>) semaphore(%arg15 : memref<!tpu.dma_semaphore, #tpu.memory_space<semaphore_mem>>) {add = true}
      %mul3A_203 = arith.constant 4 : i32
      %mul3A_204 = arith.muli %mul3A_203, %scan3A_123 : i32
      %add3A_205 = arith.constant 2 : i32
      %add3A_206 = arith.addi %mul3A_204, %add3A_205 : i32
      %add3A_207 = arith.constant 3 : i32
      %add3A_208 = arith.addi %add3A_206, %add3A_207 : i32
      %dma_wait3A_209 = arith.constant 0 : i32
      %dma_wait3A_210 = tpu.memref_slice %arg10[%dma_wait3A_209] : memref<10240xf32, #tpu.memory_space<vmem_shared>> -> memref<10240xf32, #tpu.memory_space<vmem_shared>>
      tpu.wait_indirect_dma semaphore(%arg16 : memref<!tpu.dma_semaphore, #tpu.memory_space<semaphore_mem>>) src(%arg8 : memref<80xf32, #tpu.memory_space<vmem>>) dst(%dma_wait3A_210 : memref<10240xf32, #tpu.memory_space<vmem_shared>>)
      %add3A_211 = arith.constant 2 : i32
      %add3A_212 = arith.addi %add3A_208, %add3A_211 : i32
      %mul3A_213 = arith.constant 10000 : i32
      %mul3A_214 = arith.muli %add3A, %mul3A_213 : i32
      %mul3A_215 = arith.constant 80 : i32
      %mul3A_216 = arith.muli %add3A_212, %mul3A_215 : i32
      %add3A_217 = arith.addi %mul3A_214, %mul3A_216 : i32
      %dma_start3A_218 = tpu.memref_slice %arg2[%add3A_217] : memref<320000xi32, #tpu.memory_space<hbm>> -> memref<80xi32, #tpu.memory_space<hbm>>
      %dma_start3A_219 = tpu.memref_slice %arg2[%add3A_217] : memref<320000xi32, #tpu.memory_space<hbm>> -> memref<80xi32, #tpu.memory_space<hbm>>
      tpu.enqueue_dma source(%dma_start3A_219 : memref<80xi32, #tpu.memory_space<hbm>>) target(%arg7 : memref<80xi32, #tpu.memory_space<vmem>>) target_semaphore(%arg14 : memref<!tpu.dma_semaphore, #tpu.memory_space<semaphore_mem>>)
      %mul3A_220 = arith.constant 10000 : i32
      %mul3A_221 = arith.muli %add3A, %mul3A_220 : i32
      %mul3A_222 = arith.constant 80 : i32
      %mul3A_223 = arith.muli %add3A_208, %mul3A_222 : i32
      %add3A_224 = arith.addi %mul3A_221, %mul3A_223 : i32
      %dma_wait3A_225 = tpu.memref_slice %arg2[%add3A_224] : memref<320000xi32, #tpu.memory_space<hbm>> -> memref<80xi32, #tpu.memory_space<hbm>>
      %dma_wait3A_226 = tpu.memref_slice %arg2[%add3A_224] : memref<320000xi32, #tpu.memory_space<hbm>> -> memref<80xi32, #tpu.memory_space<hbm>>
      tpu.wait_dma2 semaphore(%arg12 : memref<!tpu.dma_semaphore, #tpu.memory_space<semaphore_mem>>) src(%dma_wait3A_226 : memref<80xi32, #tpu.memory_space<hbm>>) dst(%arg5 : memref<80xi32, #tpu.memory_space<vmem>>)
      %dma_start3A_227 = arith.constant 0 : i32
      %dma_start3A_228 = tpu.memref_slice %arg10[%dma_start3A_227] : memref<10240xf32, #tpu.memory_space<vmem_shared>> -> memref<10240xf32, #tpu.memory_space<vmem_shared>>
      tpu.enqueue_indirect_dma source(%arg8 : memref<80xf32, #tpu.memory_space<vmem>>) target(%dma_start3A_228 : memref<10240xf32, #tpu.memory_space<vmem_shared>>) offsets(%arg5 : memref<80xi32, #tpu.memory_space<vmem>>) semaphore(%arg16 : memref<!tpu.dma_semaphore, #tpu.memory_space<semaphore_mem>>) {add = true}
      %scan3A_229 = arith.constant 0 : i32
      scf.yield %scan3A_229 : i32
    }
    %scan3A_81 = arith.constant 30 : i32
    %dma_wait3A_82 = arith.constant 0 : i32
    %dma_wait3A_83 = tpu.memref_slice %arg10[%dma_wait3A_82] : memref<10240xf32, #tpu.memory_space<vmem_shared>> -> memref<10240xf32, #tpu.memory_space<vmem_shared>>
    tpu.wait_indirect_dma semaphore(%arg15 : memref<!tpu.dma_semaphore, #tpu.memory_space<semaphore_mem>>) src(%arg8 : memref<80xf32, #tpu.memory_space<vmem>>) dst(%dma_wait3A_83 : memref<10240xf32, #tpu.memory_space<vmem_shared>>)
    %mul3A_84 = arith.constant 10000 : i32
    %mul3A_85 = arith.muli %add3A, %mul3A_84 : i32
    %add3A_86 = arith.constant 9920 : i32
    %add3A_87 = arith.addi %mul3A_85, %add3A_86 : i32
    %dma_start3A_88 = tpu.memref_slice %arg2[%add3A_87] : memref<320000xi32, #tpu.memory_space<hbm>> -> memref<80xi32, #tpu.memory_space<hbm>>
    %dma_start3A_89 = tpu.memref_slice %arg2[%add3A_87] : memref<320000xi32, #tpu.memory_space<hbm>> -> memref<80xi32, #tpu.memory_space<hbm>>
    tpu.enqueue_dma source(%dma_start3A_89 : memref<80xi32, #tpu.memory_space<hbm>>) target(%arg4 : memref<80xi32, #tpu.memory_space<vmem>>) target_semaphore(%arg11 : memref<!tpu.dma_semaphore, #tpu.memory_space<semaphore_mem>>)
    %mul3A_90 = arith.constant 10000 : i32
    %mul3A_91 = arith.muli %add3A, %mul3A_90 : i32
    %add3A_92 = arith.constant 9760 : i32
    %add3A_93 = arith.addi %mul3A_91, %add3A_92 : i32
    %dma_wait3A_94 = tpu.memref_slice %arg2[%add3A_93] : memref<320000xi32, #tpu.memory_space<hbm>> -> memref<80xi32, #tpu.memory_space<hbm>>
    %dma_wait3A_95 = tpu.memref_slice %arg2[%add3A_93] : memref<320000xi32, #tpu.memory_space<hbm>> -> memref<80xi32, #tpu.memory_space<hbm>>
    tpu.wait_dma2 semaphore(%arg13 : memref<!tpu.dma_semaphore, #tpu.memory_space<semaphore_mem>>) src(%dma_wait3A_95 : memref<80xi32, #tpu.memory_space<hbm>>) dst(%arg6 : memref<80xi32, #tpu.memory_space<vmem>>)
    %dma_start3A_96 = arith.constant 0 : i32
    %dma_start3A_97 = tpu.memref_slice %arg10[%dma_start3A_96] : memref<10240xf32, #tpu.memory_space<vmem_shared>> -> memref<10240xf32, #tpu.memory_space<vmem_shared>>
    tpu.enqueue_indirect_dma source(%arg8 : memref<80xf32, #tpu.memory_space<vmem>>) target(%dma_start3A_97 : memref<10240xf32, #tpu.memory_space<vmem_shared>>) offsets(%arg6 : memref<80xi32, #tpu.memory_space<vmem>>) semaphore(%arg15 : memref<!tpu.dma_semaphore, #tpu.memory_space<semaphore_mem>>) {add = true}
    %dma_wait3A_98 = arith.constant 0 : i32
    %dma_wait3A_99 = tpu.memref_slice %arg10[%dma_wait3A_98] : memref<10240xf32, #tpu.memory_space<vmem_shared>> -> memref<10240xf32, #tpu.memory_space<vmem_shared>>
    tpu.wait_indirect_dma semaphore(%arg16 : memref<!tpu.dma_semaphore, #tpu.memory_space<semaphore_mem>>) src(%arg8 : memref<80xf32, #tpu.memory_space<vmem>>) dst(%dma_wait3A_99 : memref<10240xf32, #tpu.memory_space<vmem_shared>>)
    %mul3A_100 = arith.constant 10000 : i32
    %mul3A_101 = arith.muli %add3A, %mul3A_100 : i32
    %add3A_102 = arith.constant 9840 : i32
    %add3A_103 = arith.addi %mul3A_101, %add3A_102 : i32
    %dma_wait3A_104 = tpu.memref_slice %arg2[%add3A_103] : memref<320000xi32, #tpu.memory_space<hbm>> -> memref<80xi32, #tpu.memory_space<hbm>>
    %dma_wait3A_105 = tpu.memref_slice %arg2[%add3A_103] : memref<320000xi32, #tpu.memory_space<hbm>> -> memref<80xi32, #tpu.memory_space<hbm>>
    tpu.wait_dma2 semaphore(%arg14 : memref<!tpu.dma_semaphore, #tpu.memory_space<semaphore_mem>>) src(%dma_wait3A_105 : memref<80xi32, #tpu.memory_space<hbm>>) dst(%arg7 : memref<80xi32, #tpu.memory_space<vmem>>)
    %dma_start3A_106 = arith.constant 0 : i32
    %dma_start3A_107 = tpu.memref_slice %arg10[%dma_start3A_106] : memref<10240xf32, #tpu.memory_space<vmem_shared>> -> memref<10240xf32, #tpu.memory_space<vmem_shared>>
    tpu.enqueue_indirect_dma source(%arg8 : memref<80xf32, #tpu.memory_space<vmem>>) target(%dma_start3A_107 : memref<10240xf32, #tpu.memory_space<vmem_shared>>) offsets(%arg7 : memref<80xi32, #tpu.memory_space<vmem>>) semaphore(%arg16 : memref<!tpu.dma_semaphore, #tpu.memory_space<semaphore_mem>>) {add = true}
    %dma_wait3A_108 = arith.constant 0 : i32
    %dma_wait3A_109 = tpu.memref_slice %arg10[%dma_wait3A_108] : memref<10240xf32, #tpu.memory_space<vmem_shared>> -> memref<10240xf32, #tpu.memory_space<vmem_shared>>
    tpu.wait_indirect_dma semaphore(%arg15 : memref<!tpu.dma_semaphore, #tpu.memory_space<semaphore_mem>>) src(%arg8 : memref<80xf32, #tpu.memory_space<vmem>>) dst(%dma_wait3A_109 : memref<10240xf32, #tpu.memory_space<vmem_shared>>)
    %mul3A_110 = arith.constant 10000 : i32
    %mul3A_111 = arith.muli %add3A, %mul3A_110 : i32
    %add3A_112 = arith.constant 9920 : i32
    %add3A_113 = arith.addi %mul3A_111, %add3A_112 : i32
    %dma_wait3A_114 = tpu.memref_slice %arg2[%add3A_113] : memref<320000xi32, #tpu.memory_space<hbm>> -> memref<80xi32, #tpu.memory_space<hbm>>
    %dma_wait3A_115 = tpu.memref_slice %arg2[%add3A_113] : memref<320000xi32, #tpu.memory_space<hbm>> -> memref<80xi32, #tpu.memory_space<hbm>>
    tpu.wait_dma2 semaphore(%arg11 : memref<!tpu.dma_semaphore, #tpu.memory_space<semaphore_mem>>) src(%dma_wait3A_115 : memref<80xi32, #tpu.memory_space<hbm>>) dst(%arg4 : memref<80xi32, #tpu.memory_space<vmem>>)
    %dma_start3A_116 = arith.constant 0 : i32
    %dma_start3A_117 = tpu.memref_slice %arg10[%dma_start3A_116] : memref<10240xf32, #tpu.memory_space<vmem_shared>> -> memref<10240xf32, #tpu.memory_space<vmem_shared>>
    tpu.enqueue_indirect_dma source(%arg8 : memref<80xf32, #tpu.memory_space<vmem>>) target(%dma_start3A_117 : memref<10240xf32, #tpu.memory_space<vmem_shared>>) offsets(%arg4 : memref<80xi32, #tpu.memory_space<vmem>>) semaphore(%arg15 : memref<!tpu.dma_semaphore, #tpu.memory_space<semaphore_mem>>) {add = true}
    %dma_wait3A_118 = arith.constant 0 : i32
    %dma_wait3A_119 = tpu.memref_slice %arg10[%dma_wait3A_118] : memref<10240xf32, #tpu.memory_space<vmem_shared>> -> memref<10240xf32, #tpu.memory_space<vmem_shared>>
    tpu.wait_indirect_dma semaphore(%arg16 : memref<!tpu.dma_semaphore, #tpu.memory_space<semaphore_mem>>) src(%arg8 : memref<80xf32, #tpu.memory_space<vmem>>) dst(%dma_wait3A_119 : memref<10240xf32, #tpu.memory_space<vmem_shared>>)
    %dma_wait3A_120 = arith.constant 0 : i32
    %dma_wait3A_121 = tpu.memref_slice %arg10[%dma_wait3A_120] : memref<10240xf32, #tpu.memory_space<vmem_shared>> -> memref<10240xf32, #tpu.memory_space<vmem_shared>>
    tpu.wait_indirect_dma semaphore(%arg15 : memref<!tpu.dma_semaphore, #tpu.memory_space<semaphore_mem>>) src(%arg8 : memref<80xf32, #tpu.memory_space<vmem>>) dst(%dma_wait3A_121 : memref<10240xf32, #tpu.memory_space<vmem_shared>>)
    %barrier3A_122 = arith.constant 0 : index
    tpu.barrier barrier_id(%barrier3A_122)
    "tpu.region"() ({
      %run_scoped3A = tpu.sem_alloc : memref<!tpu.dma_semaphore, #tpu.memory_space<semaphore_mem>>
      %dma_start3A_123 = tpu.memref_slice %arg3[%arg0, %mul3A_2] : memref<2x10240xf32, #tpu.memory_space<hbm>> -> memref<1x640xf32, #tpu.memory_space<hbm>>
      %dma_start3A_124 = tpu.memref_squeeze %dma_start3A_123 : memref<1x640xf32, #tpu.memory_space<hbm>> -> memref<640xf32, #tpu.memory_space<hbm>>
      %dma_start3A_125 = tpu.memref_slice %arg10[%mul3A_2] : memref<10240xf32, #tpu.memory_space<vmem_shared>> -> memref<640xf32, #tpu.memory_space<vmem_shared>>
      tpu.enqueue_dma source(%dma_start3A_125 : memref<640xf32, #tpu.memory_space<vmem_shared>>) target(%dma_start3A_124 : memref<640xf32, #tpu.memory_space<hbm>>) target_semaphore(%run_scoped3A : memref<!tpu.dma_semaphore, #tpu.memory_space<semaphore_mem>>)
      %dma_wait3A_126 = tpu.memref_slice %arg3[%arg0, %mul3A_2] : memref<2x10240xf32, #tpu.memory_space<hbm>> -> memref<1x640xf32, #tpu.memory_space<hbm>>
      %dma_wait3A_127 = tpu.memref_squeeze %dma_wait3A_126 : memref<1x640xf32, #tpu.memory_space<hbm>> -> memref<640xf32, #tpu.memory_space<hbm>>
      %dma_wait3A_128 = tpu.memref_slice %arg10[%mul3A_2] : memref<10240xf32, #tpu.memory_space<vmem_shared>> -> memref<640xf32, #tpu.memory_space<vmem_shared>>
      tpu.wait_dma2 semaphore(%run_scoped3A : memref<!tpu.dma_semaphore, #tpu.memory_space<semaphore_mem>>) src(%dma_wait3A_128 : memref<640xf32, #tpu.memory_space<vmem_shared>>) dst(%dma_wait3A_127 : memref<640xf32, #tpu.memory_space<hbm>>)
      tpu.yield
    }) : () -> ()
    return
  }
}

#map = affine_map<(d0, d1) -> (0)>
#map1 = affine_map<(d0, d1) -> (0, 0)>
#map2 = affine_map<(d0, d1) -> (0, 0, 0)>
module attributes {stable_mosaic.version = 14 : i64} {
  func.func @_sc_scatter_body(%arg0: i32, %arg1: i32, %arg2: memref<320000xi32, #tpu.memory_space<hbm>>, %arg3: memref<320000xi32, #tpu.memory_space<hbm>>, %arg4: memref<10240x128xf32, #tpu.memory_space<hbm>>, %arg5: memref<2x10240x128xf32, #tpu.memory_space<hbm>>, %arg6: memref<80xi32, #tpu.memory_space<vmem>>, %arg7: memref<80xi32, #tpu.memory_space<vmem>>, %arg8: memref<80xi32, #tpu.memory_space<vmem>>, %arg9: memref<80xi32, #tpu.memory_space<vmem>>, %arg10: memref<80xi32, #tpu.memory_space<vmem>>, %arg11: memref<80xi32, #tpu.memory_space<vmem>>, %arg12: memref<80xi32, #tpu.memory_space<vmem>>, %arg13: memref<80xi32, #tpu.memory_space<vmem>>, %arg14: memref<80x128xf32, #tpu.memory_space<vmem>>, %arg15: memref<80x128xf32, #tpu.memory_space<vmem>>, %arg16: memref<80x128xf32, #tpu.memory_space<vmem>>, %arg17: memref<80x128xf32, #tpu.memory_space<vmem>>, %arg18: memref<10240x128xf32, #tpu.memory_space<vmem_shared>>, %arg19: memref<!tpu.dma_semaphore, #tpu.memory_space<semaphore_mem>>, %arg20: memref<!tpu.dma_semaphore, #tpu.memory_space<semaphore_mem>>, %arg21: memref<!tpu.dma_semaphore, #tpu.memory_space<semaphore_mem>>, %arg22: memref<!tpu.dma_semaphore, #tpu.memory_space<semaphore_mem>>, %arg23: memref<!tpu.dma_semaphore, #tpu.memory_space<semaphore_mem>>, %arg24: memref<!tpu.dma_semaphore, #tpu.memory_space<semaphore_mem>>, %arg25: memref<!tpu.dma_semaphore, #tpu.memory_space<semaphore_mem>>, %arg26: memref<!tpu.dma_semaphore, #tpu.memory_space<semaphore_mem>>, %arg27: memref<!tpu.dma_semaphore, #tpu.memory_space<semaphore_mem>>, %arg28: memref<!tpu.dma_semaphore, #tpu.memory_space<semaphore_mem>>, %arg29: memref<!tpu.dma_semaphore, #tpu.memory_space<semaphore_mem>>, %arg30: memref<!tpu.dma_semaphore, #tpu.memory_space<semaphore_mem>>, %arg31: memref<!tpu.dma_semaphore, #tpu.memory_space<semaphore_mem>>, %arg32: memref<!tpu.dma_semaphore, #tpu.memory_space<semaphore_mem>>) attributes {dimension_semantics = [#tpu.dimension_semantics<core_parallel>, #tpu.dimension_semantics<subcore_parallel>], iteration_bounds = array<i64: 2, 16>, scalar_prefetch = 0 : i64, scratch_operands = 27 : i64, tpu.core_type = #tpu.core_type<sc_vector_subcore>, window_params = [{transform_indices = #map}, {transform_indices = #map}, {transform_indices = #map1}, {transform_indices = #map2}]} {
    %mul3A = arith.constant 2 : i32
    %mul3A_0 = arith.muli %arg1, %mul3A : i32
    %add3A = arith.addi %mul3A_0, %arg0 : i32
    %mul3A_1 = arith.constant 640 : i32
    %mul3A_2 = arith.muli %arg1, %mul3A_1 : i32
    %mul3A_3 = arith.constant 10000 : i32
    %mul3A_4 = arith.muli %add3A, %mul3A_3 : i32
    %add3A_5 = arith.constant 0 : i32
    %add3A_6 = arith.addi %mul3A_4, %add3A_5 : i32
    %dma_start3A = tpu.memref_slice %arg2[%add3A_6] : memref<320000xi32, #tpu.memory_space<hbm>> -> memref<80xi32, #tpu.memory_space<hbm>>
    %dma_start3A_7 = tpu.memref_slice %arg2[%add3A_6] : memref<320000xi32, #tpu.memory_space<hbm>> -> memref<80xi32, #tpu.memory_space<hbm>>
    tpu.enqueue_dma source(%dma_start3A_7 : memref<80xi32, #tpu.memory_space<hbm>>) target(%arg6 : memref<80xi32, #tpu.memory_space<vmem>>) target_semaphore(%arg25 : memref<!tpu.dma_semaphore, #tpu.memory_space<semaphore_mem>>)
    %mul3A_8 = arith.constant 10000 : i32
    %mul3A_9 = arith.muli %add3A, %mul3A_8 : i32
    %add3A_10 = arith.constant 80 : i32
    %add3A_11 = arith.addi %mul3A_9, %add3A_10 : i32
    %dma_start3A_12 = tpu.memref_slice %arg2[%add3A_11] : memref<320000xi32, #tpu.memory_space<hbm>> -> memref<80xi32, #tpu.memory_space<hbm>>
    %dma_start3A_13 = tpu.memref_slice %arg2[%add3A_11] : memref<320000xi32, #tpu.memory_space<hbm>> -> memref<80xi32, #tpu.memory_space<hbm>>
    tpu.enqueue_dma source(%dma_start3A_13 : memref<80xi32, #tpu.memory_space<hbm>>) target(%arg7 : memref<80xi32, #tpu.memory_space<vmem>>) target_semaphore(%arg26 : memref<!tpu.dma_semaphore, #tpu.memory_space<semaphore_mem>>)
    %mul3A_14 = arith.constant 10000 : i32
    %mul3A_15 = arith.muli %add3A, %mul3A_14 : i32
    %add3A_16 = arith.constant 160 : i32
    %add3A_17 = arith.addi %mul3A_15, %add3A_16 : i32
    %dma_start3A_18 = tpu.memref_slice %arg2[%add3A_17] : memref<320000xi32, #tpu.memory_space<hbm>> -> memref<80xi32, #tpu.memory_space<hbm>>
    %dma_start3A_19 = tpu.memref_slice %arg2[%add3A_17] : memref<320000xi32, #tpu.memory_space<hbm>> -> memref<80xi32, #tpu.memory_space<hbm>>
    tpu.enqueue_dma source(%dma_start3A_19 : memref<80xi32, #tpu.memory_space<hbm>>) target(%arg8 : memref<80xi32, #tpu.memory_space<vmem>>) target_semaphore(%arg27 : memref<!tpu.dma_semaphore, #tpu.memory_space<semaphore_mem>>)
    %mul3A_20 = arith.constant 10000 : i32
    %mul3A_21 = arith.muli %add3A, %mul3A_20 : i32
    %add3A_22 = arith.constant 240 : i32
    %add3A_23 = arith.addi %mul3A_21, %add3A_22 : i32
    %dma_start3A_24 = tpu.memref_slice %arg2[%add3A_23] : memref<320000xi32, #tpu.memory_space<hbm>> -> memref<80xi32, #tpu.memory_space<hbm>>
    %dma_start3A_25 = tpu.memref_slice %arg2[%add3A_23] : memref<320000xi32, #tpu.memory_space<hbm>> -> memref<80xi32, #tpu.memory_space<hbm>>
    tpu.enqueue_dma source(%dma_start3A_25 : memref<80xi32, #tpu.memory_space<hbm>>) target(%arg9 : memref<80xi32, #tpu.memory_space<vmem>>) target_semaphore(%arg28 : memref<!tpu.dma_semaphore, #tpu.memory_space<semaphore_mem>>)
    %mul3A_26 = arith.constant 10000 : i32
    %mul3A_27 = arith.muli %add3A, %mul3A_26 : i32
    %add3A_28 = arith.constant 0 : i32
    %add3A_29 = arith.addi %mul3A_27, %add3A_28 : i32
    %dma_start3A_30 = tpu.memref_slice %arg3[%add3A_29] : memref<320000xi32, #tpu.memory_space<hbm>> -> memref<80xi32, #tpu.memory_space<hbm>>
    %dma_start3A_31 = tpu.memref_slice %arg3[%add3A_29] : memref<320000xi32, #tpu.memory_space<hbm>> -> memref<80xi32, #tpu.memory_space<hbm>>
    tpu.enqueue_dma source(%dma_start3A_31 : memref<80xi32, #tpu.memory_space<hbm>>) target(%arg10 : memref<80xi32, #tpu.memory_space<vmem>>) target_semaphore(%arg29 : memref<!tpu.dma_semaphore, #tpu.memory_space<semaphore_mem>>)
    %mul3A_32 = arith.constant 10000 : i32
    %mul3A_33 = arith.muli %add3A, %mul3A_32 : i32
    %add3A_34 = arith.constant 80 : i32
    %add3A_35 = arith.addi %mul3A_33, %add3A_34 : i32
    %dma_start3A_36 = tpu.memref_slice %arg3[%add3A_35] : memref<320000xi32, #tpu.memory_space<hbm>> -> memref<80xi32, #tpu.memory_space<hbm>>
    %dma_start3A_37 = tpu.memref_slice %arg3[%add3A_35] : memref<320000xi32, #tpu.memory_space<hbm>> -> memref<80xi32, #tpu.memory_space<hbm>>
    tpu.enqueue_dma source(%dma_start3A_37 : memref<80xi32, #tpu.memory_space<hbm>>) target(%arg11 : memref<80xi32, #tpu.memory_space<vmem>>) target_semaphore(%arg30 : memref<!tpu.dma_semaphore, #tpu.memory_space<semaphore_mem>>)
    %mul3A_38 = arith.constant 10000 : i32
    %mul3A_39 = arith.muli %add3A, %mul3A_38 : i32
    %add3A_40 = arith.constant 0 : i32
    %add3A_41 = arith.addi %mul3A_39, %add3A_40 : i32
    %dma_wait3A = tpu.memref_slice %arg2[%add3A_41] : memref<320000xi32, #tpu.memory_space<hbm>> -> memref<80xi32, #tpu.memory_space<hbm>>
    %dma_wait3A_42 = tpu.memref_slice %arg2[%add3A_41] : memref<320000xi32, #tpu.memory_space<hbm>> -> memref<80xi32, #tpu.memory_space<hbm>>
    tpu.wait_dma2 semaphore(%arg25 : memref<!tpu.dma_semaphore, #tpu.memory_space<semaphore_mem>>) src(%dma_wait3A_42 : memref<80xi32, #tpu.memory_space<hbm>>) dst(%arg6 : memref<80xi32, #tpu.memory_space<vmem>>)
    %dma_start3A_43 = arith.constant 0 : i32
    %dma_start3A_44 = arith.constant 0 : i32
    %dma_start3A_45 = tpu.memref_slice %arg4[%dma_start3A_43, %dma_start3A_44] : memref<10240x128xf32, #tpu.memory_space<hbm>> -> memref<10240x128xf32, #tpu.memory_space<hbm>>
    tpu.enqueue_indirect_dma source(%dma_start3A_45 : memref<10240x128xf32, #tpu.memory_space<hbm>>) target(%arg14 : memref<80x128xf32, #tpu.memory_space<vmem>>) offsets(%arg6 : memref<80xi32, #tpu.memory_space<vmem>>) semaphore(%arg19 : memref<!tpu.dma_semaphore, #tpu.memory_space<semaphore_mem>>)
    %mul3A_46 = arith.constant 10000 : i32
    %mul3A_47 = arith.muli %add3A, %mul3A_46 : i32
    %add3A_48 = arith.constant 80 : i32
    %add3A_49 = arith.addi %mul3A_47, %add3A_48 : i32
    %dma_wait3A_50 = tpu.memref_slice %arg2[%add3A_49] : memref<320000xi32, #tpu.memory_space<hbm>> -> memref<80xi32, #tpu.memory_space<hbm>>
    %dma_wait3A_51 = tpu.memref_slice %arg2[%add3A_49] : memref<320000xi32, #tpu.memory_space<hbm>> -> memref<80xi32, #tpu.memory_space<hbm>>
    tpu.wait_dma2 semaphore(%arg26 : memref<!tpu.dma_semaphore, #tpu.memory_space<semaphore_mem>>) src(%dma_wait3A_51 : memref<80xi32, #tpu.memory_space<hbm>>) dst(%arg7 : memref<80xi32, #tpu.memory_space<vmem>>)
    %dma_start3A_52 = arith.constant 0 : i32
    %dma_start3A_53 = arith.constant 0 : i32
    %dma_start3A_54 = tpu.memref_slice %arg4[%dma_start3A_52, %dma_start3A_53] : memref<10240x128xf32, #tpu.memory_space<hbm>> -> memref<10240x128xf32, #tpu.memory_space<hbm>>
    tpu.enqueue_indirect_dma source(%dma_start3A_54 : memref<10240x128xf32, #tpu.memory_space<hbm>>) target(%arg15 : memref<80x128xf32, #tpu.memory_space<vmem>>) offsets(%arg7 : memref<80xi32, #tpu.memory_space<vmem>>) semaphore(%arg20 : memref<!tpu.dma_semaphore, #tpu.memory_space<semaphore_mem>>)
    %eq3A = arith.constant 0 : i32
    %eq3A_55 = arith.cmpi eq, %arg0, %eq3A : i32
    %convert_element_type3A = arith.extui %eq3A_55 : i1 to i32
    %cond3A = arith.constant 0 : i32
    %cond3A_56 = arith.cmpi ne, %convert_element_type3A, %cond3A : i32
    scf.if %cond3A_56 {
      "tpu.region"() ({
        %run_scoped3A = tpu.sem_alloc : memref<!tpu.dma_semaphore, #tpu.memory_space<semaphore_mem>>
        %dma_start3A_338 = arith.constant 0 : i32
        %dma_start3A_339 = tpu.memref_slice %arg18[%mul3A_2, %dma_start3A_338] : memref<10240x128xf32, #tpu.memory_space<vmem_shared>> -> memref<640x128xf32, #tpu.memory_space<vmem_shared>>
        %dma_start3A_340 = arith.constant 0 : i32
        %dma_start3A_341 = tpu.memref_slice %arg4[%mul3A_2, %dma_start3A_340] : memref<10240x128xf32, #tpu.memory_space<hbm>> -> memref<640x128xf32, #tpu.memory_space<hbm>>
        tpu.enqueue_dma source(%dma_start3A_341 : memref<640x128xf32, #tpu.memory_space<hbm>>) target(%dma_start3A_339 : memref<640x128xf32, #tpu.memory_space<vmem_shared>>) target_semaphore(%run_scoped3A : memref<!tpu.dma_semaphore, #tpu.memory_space<semaphore_mem>>)
        %dma_wait3A_342 = arith.constant 0 : i32
        %dma_wait3A_343 = tpu.memref_slice %arg18[%mul3A_2, %dma_wait3A_342] : memref<10240x128xf32, #tpu.memory_space<vmem_shared>> -> memref<640x128xf32, #tpu.memory_space<vmem_shared>>
        %dma_wait3A_344 = arith.constant 0 : i32
        %dma_wait3A_345 = tpu.memref_slice %arg4[%mul3A_2, %dma_wait3A_344] : memref<10240x128xf32, #tpu.memory_space<hbm>> -> memref<640x128xf32, #tpu.memory_space<hbm>>
        tpu.wait_dma2 semaphore(%run_scoped3A : memref<!tpu.dma_semaphore, #tpu.memory_space<semaphore_mem>>) src(%dma_wait3A_345 : memref<640x128xf32, #tpu.memory_space<hbm>>) dst(%dma_wait3A_343 : memref<640x128xf32, #tpu.memory_space<vmem_shared>>)
        tpu.yield
      }) : () -> ()
    } else {
    }
    %ne3A = arith.constant 0 : i32
    %ne3A_57 = arith.cmpi ne, %arg0, %ne3A : i32
    %convert_element_type3A_58 = arith.extui %ne3A_57 : i1 to i32
    %cond3A_59 = arith.constant 0 : i32
    %cond3A_60 = arith.cmpi ne, %convert_element_type3A_58, %cond3A_59 : i32
    scf.if %cond3A_60 {
      %scan3A_338 = arith.constant 0 : i32
      %scan3A_339 = arith.constant 0 : i32
      %scan3A_340 = arith.constant 80 : i32
      %scan3A_341 = arith.addi %scan3A_339, %scan3A_340 : i32
      %scan3A_342 = arith.constant 1 : i32
      %scan3A_343 = scf.for %scan3A_377 = %scan3A_339 to %scan3A_341 step %scan3A_342 iter_args(%scan3A_378 = %scan3A_338) -> (i32)  : i32 {
        %broadcast_in_dim3A = arith.constant 0.000000e+00 : f32
        %broadcast_in_dim3A_379 = vector.broadcast %broadcast_in_dim3A : f32 to vector<16xf32>
        %swap3A = arith.index_cast %scan3A_377 : i32 to index
        %swap3A_380 = arith.constant 0 : index
        %swap3A_381 = tpu.vector_load %arg17[%swap3A, %swap3A_380] {strides = array<i32>} : memref<80x128xf32, #tpu.memory_space<vmem>>, vector<1x16xf32>,
        %swap3A_382 = vector.shape_cast %swap3A_381 : vector<1x16xf32> to vector<16xf32>
        %swap3A_383 = vector.shape_cast %broadcast_in_dim3A_379 : vector<16xf32> to vector<1x16xf32>
        tpu.vector_store %arg17[%swap3A, %swap3A_380], %swap3A_383 {strides = array<i32>} : memref<80x128xf32, #tpu.memory_space<vmem>>, vector<1x16xf32>,
        %broadcast_in_dim3A_384 = arith.constant 0.000000e+00 : f32
        %broadcast_in_dim3A_385 = vector.broadcast %broadcast_in_dim3A_384 : f32 to vector<16xf32>
        %swap3A_386 = arith.index_cast %scan3A_377 : i32 to index
        %swap3A_387 = arith.constant 16 : index
        %swap3A_388 = tpu.vector_load %arg17[%swap3A_386, %swap3A_387] {strides = array<i32>} : memref<80x128xf32, #tpu.memory_space<vmem>>, vector<1x16xf32>,
        %swap3A_389 = vector.shape_cast %swap3A_388 : vector<1x16xf32> to vector<16xf32>
        %swap3A_390 = vector.shape_cast %broadcast_in_dim3A_385 : vector<16xf32> to vector<1x16xf32>
        tpu.vector_store %arg17[%swap3A_386, %swap3A_387], %swap3A_390 {strides = array<i32>} : memref<80x128xf32, #tpu.memory_space<vmem>>, vector<1x16xf32>,
        %broadcast_in_dim3A_391 = arith.constant 0.000000e+00 : f32
        %broadcast_in_dim3A_392 = vector.broadcast %broadcast_in_dim3A_391 : f32 to vector<16xf32>
        %swap3A_393 = arith.index_cast %scan3A_377 : i32 to index
        %swap3A_394 = arith.constant 32 : index
        %swap3A_395 = tpu.vector_load %arg17[%swap3A_393, %swap3A_394] {strides = array<i32>} : memref<80x128xf32, #tpu.memory_space<vmem>>, vector<1x16xf32>,
        %swap3A_396 = vector.shape_cast %swap3A_395 : vector<1x16xf32> to vector<16xf32>
        %swap3A_397 = vector.shape_cast %broadcast_in_dim3A_392 : vector<16xf32> to vector<1x16xf32>
        tpu.vector_store %arg17[%swap3A_393, %swap3A_394], %swap3A_397 {strides = array<i32>} : memref<80x128xf32, #tpu.memory_space<vmem>>, vector<1x16xf32>,
        %broadcast_in_dim3A_398 = arith.constant 0.000000e+00 : f32
        %broadcast_in_dim3A_399 = vector.broadcast %broadcast_in_dim3A_398 : f32 to vector<16xf32>
        %swap3A_400 = arith.index_cast %scan3A_377 : i32 to index
        %swap3A_401 = arith.constant 48 : index
        %swap3A_402 = tpu.vector_load %arg17[%swap3A_400, %swap3A_401] {strides = array<i32>} : memref<80x128xf32, #tpu.memory_space<vmem>>, vector<1x16xf32>,
        %swap3A_403 = vector.shape_cast %swap3A_402 : vector<1x16xf32> to vector<16xf32>
        %swap3A_404 = vector.shape_cast %broadcast_in_dim3A_399 : vector<16xf32> to vector<1x16xf32>
        tpu.vector_store %arg17[%swap3A_400, %swap3A_401], %swap3A_404 {strides = array<i32>} : memref<80x128xf32, #tpu.memory_space<vmem>>, vector<1x16xf32>,
        %broadcast_in_dim3A_405 = arith.constant 0.000000e+00 : f32
        %broadcast_in_dim3A_406 = vector.broadcast %broadcast_in_dim3A_405 : f32 to vector<16xf32>
        %swap3A_407 = arith.index_cast %scan3A_377 : i32 to index
        %swap3A_408 = arith.constant 64 : index
        %swap3A_409 = tpu.vector_load %arg17[%swap3A_407, %swap3A_408] {strides = array<i32>} : memref<80x128xf32, #tpu.memory_space<vmem>>, vector<1x16xf32>,
        %swap3A_410 = vector.shape_cast %swap3A_409 : vector<1x16xf32> to vector<16xf32>
        %swap3A_411 = vector.shape_cast %broadcast_in_dim3A_406 : vector<16xf32> to vector<1x16xf32>
        tpu.vector_store %arg17[%swap3A_407, %swap3A_408], %swap3A_411 {strides = array<i32>} : memref<80x128xf32, #tpu.memory_space<vmem>>, vector<1x16xf32>,
        %broadcast_in_dim3A_412 = arith.constant 0.000000e+00 : f32
        %broadcast_in_dim3A_413 = vector.broadcast %broadcast_in_dim3A_412 : f32 to vector<16xf32>
        %swap3A_414 = arith.index_cast %scan3A_377 : i32 to index
        %swap3A_415 = arith.constant 80 : index
        %swap3A_416 = tpu.vector_load %arg17[%swap3A_414, %swap3A_415] {strides = array<i32>} : memref<80x128xf32, #tpu.memory_space<vmem>>, vector<1x16xf32>,
        %swap3A_417 = vector.shape_cast %swap3A_416 : vector<1x16xf32> to vector<16xf32>
        %swap3A_418 = vector.shape_cast %broadcast_in_dim3A_413 : vector<16xf32> to vector<1x16xf32>
        tpu.vector_store %arg17[%swap3A_414, %swap3A_415], %swap3A_418 {strides = array<i32>} : memref<80x128xf32, #tpu.memory_space<vmem>>, vector<1x16xf32>,
        %broadcast_in_dim3A_419 = arith.constant 0.000000e+00 : f32
        %broadcast_in_dim3A_420 = vector.broadcast %broadcast_in_dim3A_419 : f32 to vector<16xf32>
        %swap3A_421 = arith.index_cast %scan3A_377 : i32 to index
        %swap3A_422 = arith.constant 96 : index
        %swap3A_423 = tpu.vector_load %arg17[%swap3A_421, %swap3A_422] {strides = array<i32>} : memref<80x128xf32, #tpu.memory_space<vmem>>, vector<1x16xf32>,
        %swap3A_424 = vector.shape_cast %swap3A_423 : vector<1x16xf32> to vector<16xf32>
        %swap3A_425 = vector.shape_cast %broadcast_in_dim3A_420 : vector<16xf32> to vector<1x16xf32>
        tpu.vector_store %arg17[%swap3A_421, %swap3A_422], %swap3A_425 {strides = array<i32>} : memref<80x128xf32, #tpu.memory_space<vmem>>, vector<1x16xf32>,
        %broadcast_in_dim3A_426 = arith.constant 0.000000e+00 : f32
        %broadcast_in_dim3A_427 = vector.broadcast %broadcast_in_dim3A_426 : f32 to vector<16xf32>
        %swap3A_428 = arith.index_cast %scan3A_377 : i32 to index
        %swap3A_429 = arith.constant 112 : index
        %swap3A_430 = tpu.vector_load %arg17[%swap3A_428, %swap3A_429] {strides = array<i32>} : memref<80x128xf32, #tpu.memory_space<vmem>>, vector<1x16xf32>,
        %swap3A_431 = vector.shape_cast %swap3A_430 : vector<1x16xf32> to vector<16xf32>
        %swap3A_432 = vector.shape_cast %broadcast_in_dim3A_427 : vector<16xf32> to vector<1x16xf32>
        tpu.vector_store %arg17[%swap3A_428, %swap3A_429], %swap3A_432 {strides = array<i32>} : memref<80x128xf32, #tpu.memory_space<vmem>>, vector<1x16xf32>,
        %scan3A_433 = arith.constant 0 : i32
        scf.yield %scan3A_433 : i32
      }
      %scan3A_344 = arith.constant 80 : i32
      %mul3A_345 = arith.constant 640 : i32
      %mul3A_346 = arith.muli %arg1, %mul3A_345 : i32
      %add3A_347 = arith.constant 0 : i32
      %add3A_348 = arith.addi %mul3A_346, %add3A_347 : i32
      "tpu.region"() ({
        %run_scoped3A = tpu.sem_alloc : memref<!tpu.dma_semaphore, #tpu.memory_space<semaphore_mem>>
        %dma_start3A_377 = arith.constant 0 : i32
        %dma_start3A_378 = tpu.memref_slice %arg18[%add3A_348, %dma_start3A_377] : memref<10240x128xf32, #tpu.memory_space<vmem_shared>> -> memref<80x128xf32, #tpu.memory_space<vmem_shared>>
        %dma_start3A_379 = arith.constant 0 : i32
        %dma_start3A_380 = tpu.memref_slice %arg18[%add3A_348, %dma_start3A_379] : memref<10240x128xf32, #tpu.memory_space<vmem_shared>> -> memref<80x128xf32, #tpu.memory_space<vmem_shared>>
        tpu.enqueue_dma source(%arg17 : memref<80x128xf32, #tpu.memory_space<vmem>>) target(%dma_start3A_380 : memref<80x128xf32, #tpu.memory_space<vmem_shared>>) target_semaphore(%run_scoped3A : memref<!tpu.dma_semaphore, #tpu.memory_space<semaphore_mem>>)
        %dma_wait3A_381 = arith.constant 0 : i32
        %dma_wait3A_382 = tpu.memref_slice %arg18[%add3A_348, %dma_wait3A_381] : memref<10240x128xf32, #tpu.memory_space<vmem_shared>> -> memref<80x128xf32, #tpu.memory_space<vmem_shared>>
        %dma_wait3A_383 = arith.constant 0 : i32
        %dma_wait3A_384 = tpu.memref_slice %arg18[%add3A_348, %dma_wait3A_383] : memref<10240x128xf32, #tpu.memory_space<vmem_shared>> -> memref<80x128xf32, #tpu.memory_space<vmem_shared>>
        tpu.wait_dma2 semaphore(%run_scoped3A : memref<!tpu.dma_semaphore, #tpu.memory_space<semaphore_mem>>) src(%arg17 : memref<80x128xf32, #tpu.memory_space<vmem>>) dst(%dma_wait3A_384 : memref<80x128xf32, #tpu.memory_space<vmem_shared>>)
        tpu.yield
      }) : () -> ()
      %mul3A_349 = arith.constant 640 : i32
      %mul3A_350 = arith.muli %arg1, %mul3A_349 : i32
      %add3A_351 = arith.constant 80 : i32
      %add3A_352 = arith.addi %mul3A_350, %add3A_351 : i32
      "tpu.region"() ({
        %run_scoped3A = tpu.sem_alloc : memref<!tpu.dma_semaphore, #tpu.memory_space<semaphore_mem>>
        %dma_start3A_377 = arith.constant 0 : i32
        %dma_start3A_378 = tpu.memref_slice %arg18[%add3A_352, %dma_start3A_377] : memref<10240x128xf32, #tpu.memory_space<vmem_shared>> -> memref<80x128xf32, #tpu.memory_space<vmem_shared>>
        %dma_start3A_379 = arith.constant 0 : i32
        %dma_start3A_380 = tpu.memref_slice %arg18[%add3A_352, %dma_start3A_379] : memref<10240x128xf32, #tpu.memory_space<vmem_shared>> -> memref<80x128xf32, #tpu.memory_space<vmem_shared>>
        tpu.enqueue_dma source(%arg17 : memref<80x128xf32, #tpu.memory_space<vmem>>) target(%dma_start3A_380 : memref<80x128xf32, #tpu.memory_space<vmem_shared>>) target_semaphore(%run_scoped3A : memref<!tpu.dma_semaphore, #tpu.memory_space<semaphore_mem>>)
        %dma_wait3A_381 = arith.constant 0 : i32
        %dma_wait3A_382 = tpu.memref_slice %arg18[%add3A_352, %dma_wait3A_381] : memref<10240x128xf32, #tpu.memory_space<vmem_shared>> -> memref<80x128xf32, #tpu.memory_space<vmem_shared>>
        %dma_wait3A_383 = arith.constant 0 : i32
        %dma_wait3A_384 = tpu.memref_slice %arg18[%add3A_352, %dma_wait3A_383] : memref<10240x128xf32, #tpu.memory_space<vmem_shared>> -> memref<80x128xf32, #tpu.memory_space<vmem_shared>>
        tpu.wait_dma2 semaphore(%run_scoped3A : memref<!tpu.dma_semaphore, #tpu.memory_space<semaphore_mem>>) src(%arg17 : memref<80x128xf32, #tpu.memory_space<vmem>>) dst(%dma_wait3A_384 : memref<80x128xf32, #tpu.memory_space<vmem_shared>>)
        tpu.yield
      }) : () -> ()
      %mul3A_353 = arith.constant 640 : i32
      %mul3A_354 = arith.muli %arg1, %mul3A_353 : i32
      %add3A_355 = arith.constant 160 : i32
      %add3A_356 = arith.addi %mul3A_354, %add3A_355 : i32
      "tpu.region"() ({
        %run_scoped3A = tpu.sem_alloc : memref<!tpu.dma_semaphore, #tpu.memory_space<semaphore_mem>>
        %dma_start3A_377 = arith.constant 0 : i32
        %dma_start3A_378 = tpu.memref_slice %arg18[%add3A_356, %dma_start3A_377] : memref<10240x128xf32, #tpu.memory_space<vmem_shared>> -> memref<80x128xf32, #tpu.memory_space<vmem_shared>>
        %dma_start3A_379 = arith.constant 0 : i32
        %dma_start3A_380 = tpu.memref_slice %arg18[%add3A_356, %dma_start3A_379] : memref<10240x128xf32, #tpu.memory_space<vmem_shared>> -> memref<80x128xf32, #tpu.memory_space<vmem_shared>>
        tpu.enqueue_dma source(%arg17 : memref<80x128xf32, #tpu.memory_space<vmem>>) target(%dma_start3A_380 : memref<80x128xf32, #tpu.memory_space<vmem_shared>>) target_semaphore(%run_scoped3A : memref<!tpu.dma_semaphore, #tpu.memory_space<semaphore_mem>>)
        %dma_wait3A_381 = arith.constant 0 : i32
        %dma_wait3A_382 = tpu.memref_slice %arg18[%add3A_356, %dma_wait3A_381] : memref<10240x128xf32, #tpu.memory_space<vmem_shared>> -> memref<80x128xf32, #tpu.memory_space<vmem_shared>>
        %dma_wait3A_383 = arith.constant 0 : i32
        %dma_wait3A_384 = tpu.memref_slice %arg18[%add3A_356, %dma_wait3A_383] : memref<10240x128xf32, #tpu.memory_space<vmem_shared>> -> memref<80x128xf32, #tpu.memory_space<vmem_shared>>
        tpu.wait_dma2 semaphore(%run_scoped3A : memref<!tpu.dma_semaphore, #tpu.memory_space<semaphore_mem>>) src(%arg17 : memref<80x128xf32, #tpu.memory_space<vmem>>) dst(%dma_wait3A_384 : memref<80x128xf32, #tpu.memory_space<vmem_shared>>)
        tpu.yield
      }) : () -> ()
      %mul3A_357 = arith.constant 640 : i32
      %mul3A_358 = arith.muli %arg1, %mul3A_357 : i32
      %add3A_359 = arith.constant 240 : i32
      %add3A_360 = arith.addi %mul3A_358, %add3A_359 : i32
      "tpu.region"() ({
        %run_scoped3A = tpu.sem_alloc : memref<!tpu.dma_semaphore, #tpu.memory_space<semaphore_mem>>
        %dma_start3A_377 = arith.constant 0 : i32
        %dma_start3A_378 = tpu.memref_slice %arg18[%add3A_360, %dma_start3A_377] : memref<10240x128xf32, #tpu.memory_space<vmem_shared>> -> memref<80x128xf32, #tpu.memory_space<vmem_shared>>
        %dma_start3A_379 = arith.constant 0 : i32
        %dma_start3A_380 = tpu.memref_slice %arg18[%add3A_360, %dma_start3A_379] : memref<10240x128xf32, #tpu.memory_space<vmem_shared>> -> memref<80x128xf32, #tpu.memory_space<vmem_shared>>
        tpu.enqueue_dma source(%arg17 : memref<80x128xf32, #tpu.memory_space<vmem>>) target(%dma_start3A_380 : memref<80x128xf32, #tpu.memory_space<vmem_shared>>) target_semaphore(%run_scoped3A : memref<!tpu.dma_semaphore, #tpu.memory_space<semaphore_mem>>)
        %dma_wait3A_381 = arith.constant 0 : i32
        %dma_wait3A_382 = tpu.memref_slice %arg18[%add3A_360, %dma_wait3A_381] : memref<10240x128xf32, #tpu.memory_space<vmem_shared>> -> memref<80x128xf32, #tpu.memory_space<vmem_shared>>
        %dma_wait3A_383 = arith.constant 0 : i32
        %dma_wait3A_384 = tpu.memref_slice %arg18[%add3A_360, %dma_wait3A_383] : memref<10240x128xf32, #tpu.memory_space<vmem_shared>> -> memref<80x128xf32, #tpu.memory_space<vmem_shared>>
        tpu.wait_dma2 semaphore(%run_scoped3A : memref<!tpu.dma_semaphore, #tpu.memory_space<semaphore_mem>>) src(%arg17 : memref<80x128xf32, #tpu.memory_space<vmem>>) dst(%dma_wait3A_384 : memref<80x128xf32, #tpu.memory_space<vmem_shared>>)
        tpu.yield
      }) : () -> ()
      %mul3A_361 = arith.constant 640 : i32
      %mul3A_362 = arith.muli %arg1, %mul3A_361 : i32
      %add3A_363 = arith.constant 320 : i32
      %add3A_364 = arith.addi %mul3A_362, %add3A_363 : i32
      "tpu.region"() ({
        %run_scoped3A = tpu.sem_alloc : memref<!tpu.dma_semaphore, #tpu.memory_space<semaphore_mem>>
        %dma_start3A_377 = arith.constant 0 : i32
        %dma_start3A_378 = tpu.memref_slice %arg18[%add3A_364, %dma_start3A_377] : memref<10240x128xf32, #tpu.memory_space<vmem_shared>> -> memref<80x128xf32, #tpu.memory_space<vmem_shared>>
        %dma_start3A_379 = arith.constant 0 : i32
        %dma_start3A_380 = tpu.memref_slice %arg18[%add3A_364, %dma_start3A_379] : memref<10240x128xf32, #tpu.memory_space<vmem_shared>> -> memref<80x128xf32, #tpu.memory_space<vmem_shared>>
        tpu.enqueue_dma source(%arg17 : memref<80x128xf32, #tpu.memory_space<vmem>>) target(%dma_start3A_380 : memref<80x128xf32, #tpu.memory_space<vmem_shared>>) target_semaphore(%run_scoped3A : memref<!tpu.dma_semaphore, #tpu.memory_space<semaphore_mem>>)
        %dma_wait3A_381 = arith.constant 0 : i32
        %dma_wait3A_382 = tpu.memref_slice %arg18[%add3A_364, %dma_wait3A_381] : memref<10240x128xf32, #tpu.memory_space<vmem_shared>> -> memref<80x128xf32, #tpu.memory_space<vmem_shared>>
        %dma_wait3A_383 = arith.constant 0 : i32
        %dma_wait3A_384 = tpu.memref_slice %arg18[%add3A_364, %dma_wait3A_383] : memref<10240x128xf32, #tpu.memory_space<vmem_shared>> -> memref<80x128xf32, #tpu.memory_space<vmem_shared>>
        tpu.wait_dma2 semaphore(%run_scoped3A : memref<!tpu.dma_semaphore, #tpu.memory_space<semaphore_mem>>) src(%arg17 : memref<80x128xf32, #tpu.memory_space<vmem>>) dst(%dma_wait3A_384 : memref<80x128xf32, #tpu.memory_space<vmem_shared>>)
        tpu.yield
      }) : () -> ()
      %mul3A_365 = arith.constant 640 : i32
      %mul3A_366 = arith.muli %arg1, %mul3A_365 : i32
      %add3A_367 = arith.constant 400 : i32
      %add3A_368 = arith.addi %mul3A_366, %add3A_367 : i32
      "tpu.region"() ({
        %run_scoped3A = tpu.sem_alloc : memref<!tpu.dma_semaphore, #tpu.memory_space<semaphore_mem>>
        %dma_start3A_377 = arith.constant 0 : i32
        %dma_start3A_378 = tpu.memref_slice %arg18[%add3A_368, %dma_start3A_377] : memref<10240x128xf32, #tpu.memory_space<vmem_shared>> -> memref<80x128xf32, #tpu.memory_space<vmem_shared>>
        %dma_start3A_379 = arith.constant 0 : i32
        %dma_start3A_380 = tpu.memref_slice %arg18[%add3A_368, %dma_start3A_379] : memref<10240x128xf32, #tpu.memory_space<vmem_shared>> -> memref<80x128xf32, #tpu.memory_space<vmem_shared>>
        tpu.enqueue_dma source(%arg17 : memref<80x128xf32, #tpu.memory_space<vmem>>) target(%dma_start3A_380 : memref<80x128xf32, #tpu.memory_space<vmem_shared>>) target_semaphore(%run_scoped3A : memref<!tpu.dma_semaphore, #tpu.memory_space<semaphore_mem>>)
        %dma_wait3A_381 = arith.constant 0 : i32
        %dma_wait3A_382 = tpu.memref_slice %arg18[%add3A_368, %dma_wait3A_381] : memref<10240x128xf32, #tpu.memory_space<vmem_shared>> -> memref<80x128xf32, #tpu.memory_space<vmem_shared>>
        %dma_wait3A_383 = arith.constant 0 : i32
        %dma_wait3A_384 = tpu.memref_slice %arg18[%add3A_368, %dma_wait3A_383] : memref<10240x128xf32, #tpu.memory_space<vmem_shared>> -> memref<80x128xf32, #tpu.memory_space<vmem_shared>>
        tpu.wait_dma2 semaphore(%run_scoped3A : memref<!tpu.dma_semaphore, #tpu.memory_space<semaphore_mem>>) src(%arg17 : memref<80x128xf32, #tpu.memory_space<vmem>>) dst(%dma_wait3A_384 : memref<80x128xf32, #tpu.memory_space<vmem_shared>>)
        tpu.yield
      }) : () -> ()
      %mul3A_369 = arith.constant 640 : i32
      %mul3A_370 = arith.muli %arg1, %mul3A_369 : i32
      %add3A_371 = arith.constant 480 : i32
      %add3A_372 = arith.addi %mul3A_370, %add3A_371 : i32
      "tpu.region"() ({
        %run_scoped3A = tpu.sem_alloc : memref<!tpu.dma_semaphore, #tpu.memory_space<semaphore_mem>>
        %dma_start3A_377 = arith.constant 0 : i32
        %dma_start3A_378 = tpu.memref_slice %arg18[%add3A_372, %dma_start3A_377] : memref<10240x128xf32, #tpu.memory_space<vmem_shared>> -> memref<80x128xf32, #tpu.memory_space<vmem_shared>>
        %dma_start3A_379 = arith.constant 0 : i32
        %dma_start3A_380 = tpu.memref_slice %arg18[%add3A_372, %dma_start3A_379] : memref<10240x128xf32, #tpu.memory_space<vmem_shared>> -> memref<80x128xf32, #tpu.memory_space<vmem_shared>>
        tpu.enqueue_dma source(%arg17 : memref<80x128xf32, #tpu.memory_space<vmem>>) target(%dma_start3A_380 : memref<80x128xf32, #tpu.memory_space<vmem_shared>>) target_semaphore(%run_scoped3A : memref<!tpu.dma_semaphore, #tpu.memory_space<semaphore_mem>>)
        %dma_wait3A_381 = arith.constant 0 : i32
        %dma_wait3A_382 = tpu.memref_slice %arg18[%add3A_372, %dma_wait3A_381] : memref<10240x128xf32, #tpu.memory_space<vmem_shared>> -> memref<80x128xf32, #tpu.memory_space<vmem_shared>>
        %dma_wait3A_383 = arith.constant 0 : i32
        %dma_wait3A_384 = tpu.memref_slice %arg18[%add3A_372, %dma_wait3A_383] : memref<10240x128xf32, #tpu.memory_space<vmem_shared>> -> memref<80x128xf32, #tpu.memory_space<vmem_shared>>
        tpu.wait_dma2 semaphore(%run_scoped3A : memref<!tpu.dma_semaphore, #tpu.memory_space<semaphore_mem>>) src(%arg17 : memref<80x128xf32, #tpu.memory_space<vmem>>) dst(%dma_wait3A_384 : memref<80x128xf32, #tpu.memory_space<vmem_shared>>)
        tpu.yield
      }) : () -> ()
      %mul3A_373 = arith.constant 640 : i32
      %mul3A_374 = arith.muli %arg1, %mul3A_373 : i32
      %add3A_375 = arith.constant 560 : i32
      %add3A_376 = arith.addi %mul3A_374, %add3A_375 : i32
      "tpu.region"() ({
        %run_scoped3A = tpu.sem_alloc : memref<!tpu.dma_semaphore, #tpu.memory_space<semaphore_mem>>
        %dma_start3A_377 = arith.constant 0 : i32
        %dma_start3A_378 = tpu.memref_slice %arg18[%add3A_376, %dma_start3A_377] : memref<10240x128xf32, #tpu.memory_space<vmem_shared>> -> memref<80x128xf32, #tpu.memory_space<vmem_shared>>
        %dma_start3A_379 = arith.constant 0 : i32
        %dma_start3A_380 = tpu.memref_slice %arg18[%add3A_376, %dma_start3A_379] : memref<10240x128xf32, #tpu.memory_space<vmem_shared>> -> memref<80x128xf32, #tpu.memory_space<vmem_shared>>
        tpu.enqueue_dma source(%arg17 : memref<80x128xf32, #tpu.memory_space<vmem>>) target(%dma_start3A_380 : memref<80x128xf32, #tpu.memory_space<vmem_shared>>) target_semaphore(%run_scoped3A : memref<!tpu.dma_semaphore, #tpu.memory_space<semaphore_mem>>)
        %dma_wait3A_381 = arith.constant 0 : i32
        %dma_wait3A_382 = tpu.memref_slice %arg18[%add3A_376, %dma_wait3A_381] : memref<10240x128xf32, #tpu.memory_space<vmem_shared>> -> memref<80x128xf32, #tpu.memory_space<vmem_shared>>
        %dma_wait3A_383 = arith.constant 0 : i32
        %dma_wait3A_384 = tpu.memref_slice %arg18[%add3A_376, %dma_wait3A_383] : memref<10240x128xf32, #tpu.memory_space<vmem_shared>> -> memref<80x128xf32, #tpu.memory_space<vmem_shared>>
        tpu.wait_dma2 semaphore(%run_scoped3A : memref<!tpu.dma_semaphore, #tpu.memory_space<semaphore_mem>>) src(%arg17 : memref<80x128xf32, #tpu.memory_space<vmem>>) dst(%dma_wait3A_384 : memref<80x128xf32, #tpu.memory_space<vmem_shared>>)
        tpu.yield
      }) : () -> ()
    } else {
    }
    %barrier3A = arith.constant 0 : index
    tpu.barrier barrier_id(%barrier3A)
    %dma_wait3A_61 = arith.constant 0 : i32
    %dma_wait3A_62 = arith.constant 0 : i32
    %dma_wait3A_63 = tpu.memref_slice %arg4[%dma_wait3A_61, %dma_wait3A_62] : memref<10240x128xf32, #tpu.memory_space<hbm>> -> memref<10240x128xf32, #tpu.memory_space<hbm>>
    tpu.wait_indirect_dma semaphore(%arg19 : memref<!tpu.dma_semaphore, #tpu.memory_space<semaphore_mem>>) src(%dma_wait3A_63 : memref<10240x128xf32, #tpu.memory_space<hbm>>) dst(%arg14 : memref<80x128xf32, #tpu.memory_space<vmem>>)
    %mul3A_64 = arith.constant 10000 : i32
    %mul3A_65 = arith.muli %add3A, %mul3A_64 : i32
    %add3A_66 = arith.constant 0 : i32
    %add3A_67 = arith.addi %mul3A_65, %add3A_66 : i32
    %dma_wait3A_68 = tpu.memref_slice %arg3[%add3A_67] : memref<320000xi32, #tpu.memory_space<hbm>> -> memref<80xi32, #tpu.memory_space<hbm>>
    %dma_wait3A_69 = tpu.memref_slice %arg3[%add3A_67] : memref<320000xi32, #tpu.memory_space<hbm>> -> memref<80xi32, #tpu.memory_space<hbm>>
    tpu.wait_dma2 semaphore(%arg29 : memref<!tpu.dma_semaphore, #tpu.memory_space<semaphore_mem>>) src(%dma_wait3A_69 : memref<80xi32, #tpu.memory_space<hbm>>) dst(%arg10 : memref<80xi32, #tpu.memory_space<vmem>>)
    %dma_start3A_70 = arith.constant 0 : i32
    %dma_start3A_71 = arith.constant 0 : i32
    %dma_start3A_72 = tpu.memref_slice %arg18[%dma_start3A_70, %dma_start3A_71] : memref<10240x128xf32, #tpu.memory_space<vmem_shared>> -> memref<10240x128xf32, #tpu.memory_space<vmem_shared>>
    tpu.enqueue_indirect_dma source(%arg14 : memref<80x128xf32, #tpu.memory_space<vmem>>) target(%dma_start3A_72 : memref<10240x128xf32, #tpu.memory_space<vmem_shared>>) offsets(%arg10 : memref<80xi32, #tpu.memory_space<vmem>>) semaphore(%arg23 : memref<!tpu.dma_semaphore, #tpu.memory_space<semaphore_mem>>) {add = true}
    %mul3A_73 = arith.constant 10000 : i32
    %mul3A_74 = arith.muli %add3A, %mul3A_73 : i32
    %add3A_75 = arith.constant 160 : i32
    %add3A_76 = arith.addi %mul3A_74, %add3A_75 : i32
    %dma_start3A_77 = tpu.memref_slice %arg3[%add3A_76] : memref<320000xi32, #tpu.memory_space<hbm>> -> memref<80xi32, #tpu.memory_space<hbm>>
    %dma_start3A_78 = tpu.memref_slice %arg3[%add3A_76] : memref<320000xi32, #tpu.memory_space<hbm>> -> memref<80xi32, #tpu.memory_space<hbm>>
    tpu.enqueue_dma source(%dma_start3A_78 : memref<80xi32, #tpu.memory_space<hbm>>) target(%arg12 : memref<80xi32, #tpu.memory_space<vmem>>) target_semaphore(%arg31 : memref<!tpu.dma_semaphore, #tpu.memory_space<semaphore_mem>>)
    %mul3A_79 = arith.constant 10000 : i32
    %mul3A_80 = arith.muli %add3A, %mul3A_79 : i32
    %add3A_81 = arith.constant 160 : i32
    %add3A_82 = arith.addi %mul3A_80, %add3A_81 : i32
    %dma_wait3A_83 = tpu.memref_slice %arg2[%add3A_82] : memref<320000xi32, #tpu.memory_space<hbm>> -> memref<80xi32, #tpu.memory_space<hbm>>
    %dma_wait3A_84 = tpu.memref_slice %arg2[%add3A_82] : memref<320000xi32, #tpu.memory_space<hbm>> -> memref<80xi32, #tpu.memory_space<hbm>>
    tpu.wait_dma2 semaphore(%arg27 : memref<!tpu.dma_semaphore, #tpu.memory_space<semaphore_mem>>) src(%dma_wait3A_84 : memref<80xi32, #tpu.memory_space<hbm>>) dst(%arg8 : memref<80xi32, #tpu.memory_space<vmem>>)
    %dma_start3A_85 = arith.constant 0 : i32
    %dma_start3A_86 = arith.constant 0 : i32
    %dma_start3A_87 = tpu.memref_slice %arg4[%dma_start3A_85, %dma_start3A_86] : memref<10240x128xf32, #tpu.memory_space<hbm>> -> memref<10240x128xf32, #tpu.memory_space<hbm>>
    tpu.enqueue_indirect_dma source(%dma_start3A_87 : memref<10240x128xf32, #tpu.memory_space<hbm>>) target(%arg16 : memref<80x128xf32, #tpu.memory_space<vmem>>) offsets(%arg8 : memref<80xi32, #tpu.memory_space<vmem>>) semaphore(%arg21 : memref<!tpu.dma_semaphore, #tpu.memory_space<semaphore_mem>>)
    %mul3A_88 = arith.constant 10000 : i32
    %mul3A_89 = arith.muli %add3A, %mul3A_88 : i32
    %add3A_90 = arith.constant 320 : i32
    %add3A_91 = arith.addi %mul3A_89, %add3A_90 : i32
    %dma_start3A_92 = tpu.memref_slice %arg2[%add3A_91] : memref<320000xi32, #tpu.memory_space<hbm>> -> memref<80xi32, #tpu.memory_space<hbm>>
    %dma_start3A_93 = tpu.memref_slice %arg2[%add3A_91] : memref<320000xi32, #tpu.memory_space<hbm>> -> memref<80xi32, #tpu.memory_space<hbm>>
    tpu.enqueue_dma source(%dma_start3A_93 : memref<80xi32, #tpu.memory_space<hbm>>) target(%arg6 : memref<80xi32, #tpu.memory_space<vmem>>) target_semaphore(%arg25 : memref<!tpu.dma_semaphore, #tpu.memory_space<semaphore_mem>>)
    %dma_wait3A_94 = arith.constant 0 : i32
    %dma_wait3A_95 = arith.constant 0 : i32
    %dma_wait3A_96 = tpu.memref_slice %arg4[%dma_wait3A_94, %dma_wait3A_95] : memref<10240x128xf32, #tpu.memory_space<hbm>> -> memref<10240x128xf32, #tpu.memory_space<hbm>>
    tpu.wait_indirect_dma semaphore(%arg20 : memref<!tpu.dma_semaphore, #tpu.memory_space<semaphore_mem>>) src(%dma_wait3A_96 : memref<10240x128xf32, #tpu.memory_space<hbm>>) dst(%arg15 : memref<80x128xf32, #tpu.memory_space<vmem>>)
    %mul3A_97 = arith.constant 10000 : i32
    %mul3A_98 = arith.muli %add3A, %mul3A_97 : i32
    %add3A_99 = arith.constant 80 : i32
    %add3A_100 = arith.addi %mul3A_98, %add3A_99 : i32
    %dma_wait3A_101 = tpu.memref_slice %arg3[%add3A_100] : memref<320000xi32, #tpu.memory_space<hbm>> -> memref<80xi32, #tpu.memory_space<hbm>>
    %dma_wait3A_102 = tpu.memref_slice %arg3[%add3A_100] : memref<320000xi32, #tpu.memory_space<hbm>> -> memref<80xi32, #tpu.memory_space<hbm>>
    tpu.wait_dma2 semaphore(%arg30 : memref<!tpu.dma_semaphore, #tpu.memory_space<semaphore_mem>>) src(%dma_wait3A_102 : memref<80xi32, #tpu.memory_space<hbm>>) dst(%arg11 : memref<80xi32, #tpu.memory_space<vmem>>)
    %dma_start3A_103 = arith.constant 0 : i32
    %dma_start3A_104 = arith.constant 0 : i32
    %dma_start3A_105 = tpu.memref_slice %arg18[%dma_start3A_103, %dma_start3A_104] : memref<10240x128xf32, #tpu.memory_space<vmem_shared>> -> memref<10240x128xf32, #tpu.memory_space<vmem_shared>>
    tpu.enqueue_indirect_dma source(%arg15 : memref<80x128xf32, #tpu.memory_space<vmem>>) target(%dma_start3A_105 : memref<10240x128xf32, #tpu.memory_space<vmem_shared>>) offsets(%arg11 : memref<80xi32, #tpu.memory_space<vmem>>) semaphore(%arg24 : memref<!tpu.dma_semaphore, #tpu.memory_space<semaphore_mem>>) {add = true}
    %mul3A_106 = arith.constant 10000 : i32
    %mul3A_107 = arith.muli %add3A, %mul3A_106 : i32
    %add3A_108 = arith.constant 240 : i32
    %add3A_109 = arith.addi %mul3A_107, %add3A_108 : i32
    %dma_start3A_110 = tpu.memref_slice %arg3[%add3A_109] : memref<320000xi32, #tpu.memory_space<hbm>> -> memref<80xi32, #tpu.memory_space<hbm>>
    %dma_start3A_111 = tpu.memref_slice %arg3[%add3A_109] : memref<320000xi32, #tpu.memory_space<hbm>> -> memref<80xi32, #tpu.memory_space<hbm>>
    tpu.enqueue_dma source(%dma_start3A_111 : memref<80xi32, #tpu.memory_space<hbm>>) target(%arg13 : memref<80xi32, #tpu.memory_space<vmem>>) target_semaphore(%arg32 : memref<!tpu.dma_semaphore, #tpu.memory_space<semaphore_mem>>)
    %mul3A_112 = arith.constant 10000 : i32
    %mul3A_113 = arith.muli %add3A, %mul3A_112 : i32
    %add3A_114 = arith.constant 240 : i32
    %add3A_115 = arith.addi %mul3A_113, %add3A_114 : i32
    %dma_wait3A_116 = tpu.memref_slice %arg2[%add3A_115] : memref<320000xi32, #tpu.memory_space<hbm>> -> memref<80xi32, #tpu.memory_space<hbm>>
    %dma_wait3A_117 = tpu.memref_slice %arg2[%add3A_115] : memref<320000xi32, #tpu.memory_space<hbm>> -> memref<80xi32, #tpu.memory_space<hbm>>
    tpu.wait_dma2 semaphore(%arg28 : memref<!tpu.dma_semaphore, #tpu.memory_space<semaphore_mem>>) src(%dma_wait3A_117 : memref<80xi32, #tpu.memory_space<hbm>>) dst(%arg9 : memref<80xi32, #tpu.memory_space<vmem>>)
    %dma_start3A_118 = arith.constant 0 : i32
    %dma_start3A_119 = arith.constant 0 : i32
    %dma_start3A_120 = tpu.memref_slice %arg4[%dma_start3A_118, %dma_start3A_119] : memref<10240x128xf32, #tpu.memory_space<hbm>> -> memref<10240x128xf32, #tpu.memory_space<hbm>>
    tpu.enqueue_indirect_dma source(%dma_start3A_120 : memref<10240x128xf32, #tpu.memory_space<hbm>>) target(%arg17 : memref<80x128xf32, #tpu.memory_space<vmem>>) offsets(%arg9 : memref<80xi32, #tpu.memory_space<vmem>>) semaphore(%arg22 : memref<!tpu.dma_semaphore, #tpu.memory_space<semaphore_mem>>)
    %mul3A_121 = arith.constant 10000 : i32
    %mul3A_122 = arith.muli %add3A, %mul3A_121 : i32
    %add3A_123 = arith.constant 400 : i32
    %add3A_124 = arith.addi %mul3A_122, %add3A_123 : i32
    %dma_start3A_125 = tpu.memref_slice %arg2[%add3A_124] : memref<320000xi32, #tpu.memory_space<hbm>> -> memref<80xi32, #tpu.memory_space<hbm>>
    %dma_start3A_126 = tpu.memref_slice %arg2[%add3A_124] : memref<320000xi32, #tpu.memory_space<hbm>> -> memref<80xi32, #tpu.memory_space<hbm>>
    tpu.enqueue_dma source(%dma_start3A_126 : memref<80xi32, #tpu.memory_space<hbm>>) target(%arg7 : memref<80xi32, #tpu.memory_space<vmem>>) target_semaphore(%arg26 : memref<!tpu.dma_semaphore, #tpu.memory_space<semaphore_mem>>)
    %scan3A = arith.constant 0 : i32
    %scan3A_127 = arith.constant 0 : i32
    %scan3A_128 = arith.constant 29 : i32
    %scan3A_129 = arith.addi %scan3A_127, %scan3A_128 : i32
    %scan3A_130 = arith.constant 1 : i32
    %scan3A_131 = scf.for %scan3A_338 = %scan3A_127 to %scan3A_129 step %scan3A_130 iter_args(%scan3A_339 = %scan3A) -> (i32)  : i32 {
      %mul3A_340 = arith.constant 4 : i32
      %mul3A_341 = arith.muli %mul3A_340, %scan3A_338 : i32
      %add3A_342 = arith.constant 2 : i32
      %add3A_343 = arith.addi %mul3A_341, %add3A_342 : i32
      %add3A_344 = arith.constant 0 : i32
      %add3A_345 = arith.addi %add3A_343, %add3A_344 : i32
      %dma_wait3A_346 = arith.constant 0 : i32
      %dma_wait3A_347 = arith.constant 0 : i32
      %dma_wait3A_348 = tpu.memref_slice %arg4[%dma_wait3A_346, %dma_wait3A_347] : memref<10240x128xf32, #tpu.memory_space<hbm>> -> memref<10240x128xf32, #tpu.memory_space<hbm>>
      tpu.wait_indirect_dma semaphore(%arg21 : memref<!tpu.dma_semaphore, #tpu.memory_space<semaphore_mem>>) src(%dma_wait3A_348 : memref<10240x128xf32, #tpu.memory_space<hbm>>) dst(%arg16 : memref<80x128xf32, #tpu.memory_space<vmem>>)
      %dma_wait3A_349 = arith.constant 0 : i32
      %dma_wait3A_350 = arith.constant 0 : i32
      %dma_wait3A_351 = tpu.memref_slice %arg18[%dma_wait3A_349, %dma_wait3A_350] : memref<10240x128xf32, #tpu.memory_space<vmem_shared>> -> memref<10240x128xf32, #tpu.memory_space<vmem_shared>>
      tpu.wait_indirect_dma semaphore(%arg23 : memref<!tpu.dma_semaphore, #tpu.memory_space<semaphore_mem>>) src(%arg14 : memref<80x128xf32, #tpu.memory_space<vmem>>) dst(%dma_wait3A_351 : memref<10240x128xf32, #tpu.memory_space<vmem_shared>>)
      %mul3A_352 = arith.constant 10000 : i32
      %mul3A_353 = arith.muli %add3A, %mul3A_352 : i32
      %mul3A_354 = arith.constant 80 : i32
      %mul3A_355 = arith.muli %add3A_345, %mul3A_354 : i32
      %add3A_356 = arith.addi %mul3A_353, %mul3A_355 : i32
      %dma_wait3A_357 = tpu.memref_slice %arg3[%add3A_356] : memref<320000xi32, #tpu.memory_space<hbm>> -> memref<80xi32, #tpu.memory_space<hbm>>
      %dma_wait3A_358 = tpu.memref_slice %arg3[%add3A_356] : memref<320000xi32, #tpu.memory_space<hbm>> -> memref<80xi32, #tpu.memory_space<hbm>>
      tpu.wait_dma2 semaphore(%arg31 : memref<!tpu.dma_semaphore, #tpu.memory_space<semaphore_mem>>) src(%dma_wait3A_358 : memref<80xi32, #tpu.memory_space<hbm>>) dst(%arg12 : memref<80xi32, #tpu.memory_space<vmem>>)
      %dma_start3A_359 = arith.constant 0 : i32
      %dma_start3A_360 = arith.constant 0 : i32
      %dma_start3A_361 = tpu.memref_slice %arg18[%dma_start3A_359, %dma_start3A_360] : memref<10240x128xf32, #tpu.memory_space<vmem_shared>> -> memref<10240x128xf32, #tpu.memory_space<vmem_shared>>
      tpu.enqueue_indirect_dma source(%arg16 : memref<80x128xf32, #tpu.memory_space<vmem>>) target(%dma_start3A_361 : memref<10240x128xf32, #tpu.memory_space<vmem_shared>>) offsets(%arg12 : memref<80xi32, #tpu.memory_space<vmem>>) semaphore(%arg23 : memref<!tpu.dma_semaphore, #tpu.memory_space<semaphore_mem>>) {add = true}
      %add3A_362 = arith.constant 2 : i32
      %add3A_363 = arith.addi %add3A_345, %add3A_362 : i32
      %mul3A_364 = arith.constant 10000 : i32
      %mul3A_365 = arith.muli %add3A, %mul3A_364 : i32
      %mul3A_366 = arith.constant 80 : i32
      %mul3A_367 = arith.muli %add3A_363, %mul3A_366 : i32
      %add3A_368 = arith.addi %mul3A_365, %mul3A_367 : i32
      %dma_start3A_369 = tpu.memref_slice %arg3[%add3A_368] : memref<320000xi32, #tpu.memory_space<hbm>> -> memref<80xi32, #tpu.memory_space<hbm>>
      %dma_start3A_370 = tpu.memref_slice %arg3[%add3A_368] : memref<320000xi32, #tpu.memory_space<hbm>> -> memref<80xi32, #tpu.memory_space<hbm>>
      tpu.enqueue_dma source(%dma_start3A_370 : memref<80xi32, #tpu.memory_space<hbm>>) target(%arg10 : memref<80xi32, #tpu.memory_space<vmem>>) target_semaphore(%arg29 : memref<!tpu.dma_semaphore, #tpu.memory_space<semaphore_mem>>)
      %add3A_371 = arith.constant 2 : i32
      %add3A_372 = arith.addi %add3A_345, %add3A_371 : i32
      %mul3A_373 = arith.constant 10000 : i32
      %mul3A_374 = arith.muli %add3A, %mul3A_373 : i32
      %mul3A_375 = arith.constant 80 : i32
      %mul3A_376 = arith.muli %add3A_372, %mul3A_375 : i32
      %add3A_377 = arith.addi %mul3A_374, %mul3A_376 : i32
      %dma_wait3A_378 = tpu.memref_slice %arg2[%add3A_377] : memref<320000xi32, #tpu.memory_space<hbm>> -> memref<80xi32, #tpu.memory_space<hbm>>
      %dma_wait3A_379 = tpu.memref_slice %arg2[%add3A_377] : memref<320000xi32, #tpu.memory_space<hbm>> -> memref<80xi32, #tpu.memory_space<hbm>>
      tpu.wait_dma2 semaphore(%arg25 : memref<!tpu.dma_semaphore, #tpu.memory_space<semaphore_mem>>) src(%dma_wait3A_379 : memref<80xi32, #tpu.memory_space<hbm>>) dst(%arg6 : memref<80xi32, #tpu.memory_space<vmem>>)
      %dma_start3A_380 = arith.constant 0 : i32
      %dma_start3A_381 = arith.constant 0 : i32
      %dma_start3A_382 = tpu.memref_slice %arg4[%dma_start3A_380, %dma_start3A_381] : memref<10240x128xf32, #tpu.memory_space<hbm>> -> memref<10240x128xf32, #tpu.memory_space<hbm>>
      tpu.enqueue_indirect_dma source(%dma_start3A_382 : memref<10240x128xf32, #tpu.memory_space<hbm>>) target(%arg14 : memref<80x128xf32, #tpu.memory_space<vmem>>) offsets(%arg6 : memref<80xi32, #tpu.memory_space<vmem>>) semaphore(%arg19 : memref<!tpu.dma_semaphore, #tpu.memory_space<semaphore_mem>>)
      %add3A_383 = arith.constant 4 : i32
      %add3A_384 = arith.addi %add3A_345, %add3A_383 : i32
      %mul3A_385 = arith.constant 10000 : i32
      %mul3A_386 = arith.muli %add3A, %mul3A_385 : i32
      %mul3A_387 = arith.constant 80 : i32
      %mul3A_388 = arith.muli %add3A_384, %mul3A_387 : i32
      %add3A_389 = arith.addi %mul3A_386, %mul3A_388 : i32
      %dma_start3A_390 = tpu.memref_slice %arg2[%add3A_389] : memref<320000xi32, #tpu.memory_space<hbm>> -> memref<80xi32, #tpu.memory_space<hbm>>
      %dma_start3A_391 = tpu.memref_slice %arg2[%add3A_389] : memref<320000xi32, #tpu.memory_space<hbm>> -> memref<80xi32, #tpu.memory_space<hbm>>
      tpu.enqueue_dma source(%dma_start3A_391 : memref<80xi32, #tpu.memory_space<hbm>>) target(%arg8 : memref<80xi32, #tpu.memory_space<vmem>>) target_semaphore(%arg27 : memref<!tpu.dma_semaphore, #tpu.memory_space<semaphore_mem>>)
      %mul3A_392 = arith.constant 4 : i32
      %mul3A_393 = arith.muli %mul3A_392, %scan3A_338 : i32
      %add3A_394 = arith.constant 2 : i32
      %add3A_395 = arith.addi %mul3A_393, %add3A_394 : i32
      %add3A_396 = arith.constant 1 : i32
      %add3A_397 = arith.addi %add3A_395, %add3A_396 : i32
      %dma_wait3A_398 = arith.constant 0 : i32
      %dma_wait3A_399 = arith.constant 0 : i32
      %dma_wait3A_400 = tpu.memref_slice %arg4[%dma_wait3A_398, %dma_wait3A_399] : memref<10240x128xf32, #tpu.memory_space<hbm>> -> memref<10240x128xf32, #tpu.memory_space<hbm>>
      tpu.wait_indirect_dma semaphore(%arg22 : memref<!tpu.dma_semaphore, #tpu.memory_space<semaphore_mem>>) src(%dma_wait3A_400 : memref<10240x128xf32, #tpu.memory_space<hbm>>) dst(%arg17 : memref<80x128xf32, #tpu.memory_space<vmem>>)
      %dma_wait3A_401 = arith.constant 0 : i32
      %dma_wait3A_402 = arith.constant 0 : i32
      %dma_wait3A_403 = tpu.memref_slice %arg18[%dma_wait3A_401, %dma_wait3A_402] : memref<10240x128xf32, #tpu.memory_space<vmem_shared>> -> memref<10240x128xf32, #tpu.memory_space<vmem_shared>>
      tpu.wait_indirect_dma semaphore(%arg24 : memref<!tpu.dma_semaphore, #tpu.memory_space<semaphore_mem>>) src(%arg14 : memref<80x128xf32, #tpu.memory_space<vmem>>) dst(%dma_wait3A_403 : memref<10240x128xf32, #tpu.memory_space<vmem_shared>>)
      %mul3A_404 = arith.constant 10000 : i32
      %mul3A_405 = arith.muli %add3A, %mul3A_404 : i32
      %mul3A_406 = arith.constant 80 : i32
      %mul3A_407 = arith.muli %add3A_397, %mul3A_406 : i32
      %add3A_408 = arith.addi %mul3A_405, %mul3A_407 : i32
      %dma_wait3A_409 = tpu.memref_slice %arg3[%add3A_408] : memref<320000xi32, #tpu.memory_space<hbm>> -> memref<80xi32, #tpu.memory_space<hbm>>
      %dma_wait3A_410 = tpu.memref_slice %arg3[%add3A_408] : memref<320000xi32, #tpu.memory_space<hbm>> -> memref<80xi32, #tpu.memory_space<hbm>>
      tpu.wait_dma2 semaphore(%arg32 : memref<!tpu.dma_semaphore, #tpu.memory_space<semaphore_mem>>) src(%dma_wait3A_410 : memref<80xi32, #tpu.memory_space<hbm>>) dst(%arg13 : memref<80xi32, #tpu.memory_space<vmem>>)
      %dma_start3A_411 = arith.constant 0 : i32
      %dma_start3A_412 = arith.constant 0 : i32
      %dma_start3A_413 = tpu.memref_slice %arg18[%dma_start3A_411, %dma_start3A_412] : memref<10240x128xf32, #tpu.memory_space<vmem_shared>> -> memref<10240x128xf32, #tpu.memory_space<vmem_shared>>
      tpu.enqueue_indirect_dma source(%arg17 : memref<80x128xf32, #tpu.memory_space<vmem>>) target(%dma_start3A_413 : memref<10240x128xf32, #tpu.memory_space<vmem_shared>>) offsets(%arg13 : memref<80xi32, #tpu.memory_space<vmem>>) semaphore(%arg24 : memref<!tpu.dma_semaphore, #tpu.memory_space<semaphore_mem>>) {add = true}
      %add3A_414 = arith.constant 2 : i32
      %add3A_415 = arith.addi %add3A_397, %add3A_414 : i32
      %mul3A_416 = arith.constant 10000 : i32
      %mul3A_417 = arith.muli %add3A, %mul3A_416 : i32
      %mul3A_418 = arith.constant 80 : i32
      %mul3A_419 = arith.muli %add3A_415, %mul3A_418 : i32
      %add3A_420 = arith.addi %mul3A_417, %mul3A_419 : i32
      %dma_start3A_421 = tpu.memref_slice %arg3[%add3A_420] : memref<320000xi32, #tpu.memory_space<hbm>> -> memref<80xi32, #tpu.memory_space<hbm>>
      %dma_start3A_422 = tpu.memref_slice %arg3[%add3A_420] : memref<320000xi32, #tpu.memory_space<hbm>> -> memref<80xi32, #tpu.memory_space<hbm>>
      tpu.enqueue_dma source(%dma_start3A_422 : memref<80xi32, #tpu.memory_space<hbm>>) target(%arg11 : memref<80xi32, #tpu.memory_space<vmem>>) target_semaphore(%arg30 : memref<!tpu.dma_semaphore, #tpu.memory_space<semaphore_mem>>)
      %add3A_423 = arith.constant 2 : i32
      %add3A_424 = arith.addi %add3A_397, %add3A_423 : i32
      %mul3A_425 = arith.constant 10000 : i32
      %mul3A_426 = arith.muli %add3A, %mul3A_425 : i32
      %mul3A_427 = arith.constant 80 : i32
      %mul3A_428 = arith.muli %add3A_424, %mul3A_427 : i32
      %add3A_429 = arith.addi %mul3A_426, %mul3A_428 : i32
      %dma_wait3A_430 = tpu.memref_slice %arg2[%add3A_429] : memref<320000xi32, #tpu.memory_space<hbm>> -> memref<80xi32, #tpu.memory_space<hbm>>
      %dma_wait3A_431 = tpu.memref_slice %arg2[%add3A_429] : memref<320000xi32, #tpu.memory_space<hbm>> -> memref<80xi32, #tpu.memory_space<hbm>>
      tpu.wait_dma2 semaphore(%arg26 : memref<!tpu.dma_semaphore, #tpu.memory_space<semaphore_mem>>) src(%dma_wait3A_431 : memref<80xi32, #tpu.memory_space<hbm>>) dst(%arg7 : memref<80xi32, #tpu.memory_space<vmem>>)
      %dma_start3A_432 = arith.constant 0 : i32
      %dma_start3A_433 = arith.constant 0 : i32
      %dma_start3A_434 = tpu.memref_slice %arg4[%dma_start3A_432, %dma_start3A_433] : memref<10240x128xf32, #tpu.memory_space<hbm>> -> memref<10240x128xf32, #tpu.memory_space<hbm>>
      tpu.enqueue_indirect_dma source(%dma_start3A_434 : memref<10240x128xf32, #tpu.memory_space<hbm>>) target(%arg15 : memref<80x128xf32, #tpu.memory_space<vmem>>) offsets(%arg7 : memref<80xi32, #tpu.memory_space<vmem>>) semaphore(%arg20 : memref<!tpu.dma_semaphore, #tpu.memory_space<semaphore_mem>>)
      %add3A_435 = arith.constant 4 : i32
      %add3A_436 = arith.addi %add3A_397, %add3A_435 : i32
      %mul3A_437 = arith.constant 10000 : i32
      %mul3A_438 = arith.muli %add3A, %mul3A_437 : i32
      %mul3A_439 = arith.constant 80 : i32
      %mul3A_440 = arith.muli %add3A_436, %mul3A_439 : i32
      %add3A_441 = arith.addi %mul3A_438, %mul3A_440 : i32
      %dma_start3A_442 = tpu.memref_slice %arg2[%add3A_441] : memref<320000xi32, #tpu.memory_space<hbm>> -> memref<80xi32, #tpu.memory_space<hbm>>
      %dma_start3A_443 = tpu.memref_slice %arg2[%add3A_441] : memref<320000xi32, #tpu.memory_space<hbm>> -> memref<80xi32, #tpu.memory_space<hbm>>
      tpu.enqueue_dma source(%dma_start3A_443 : memref<80xi32, #tpu.memory_space<hbm>>) target(%arg9 : memref<80xi32, #tpu.memory_space<vmem>>) target_semaphore(%arg28 : memref<!tpu.dma_semaphore, #tpu.memory_space<semaphore_mem>>)
      %mul3A_444 = arith.constant 4 : i32
      %mul3A_445 = arith.muli %mul3A_444, %scan3A_338 : i32
      %add3A_446 = arith.constant 2 : i32
      %add3A_447 = arith.addi %mul3A_445, %add3A_446 : i32
      %add3A_448 = arith.constant 2 : i32
      %add3A_449 = arith.addi %add3A_447, %add3A_448 : i32
      %dma_wait3A_450 = arith.constant 0 : i32
      %dma_wait3A_451 = arith.constant 0 : i32
      %dma_wait3A_452 = tpu.memref_slice %arg4[%dma_wait3A_450, %dma_wait3A_451] : memref<10240x128xf32, #tpu.memory_space<hbm>> -> memref<10240x128xf32, #tpu.memory_space<hbm>>
      tpu.wait_indirect_dma semaphore(%arg19 : memref<!tpu.dma_semaphore, #tpu.memory_space<semaphore_mem>>) src(%dma_wait3A_452 : memref<10240x128xf32, #tpu.memory_space<hbm>>) dst(%arg14 : memref<80x128xf32, #tpu.memory_space<vmem>>)
      %dma_wait3A_453 = arith.constant 0 : i32
      %dma_wait3A_454 = arith.constant 0 : i32
      %dma_wait3A_455 = tpu.memref_slice %arg18[%dma_wait3A_453, %dma_wait3A_454] : memref<10240x128xf32, #tpu.memory_space<vmem_shared>> -> memref<10240x128xf32, #tpu.memory_space<vmem_shared>>
      tpu.wait_indirect_dma semaphore(%arg23 : memref<!tpu.dma_semaphore, #tpu.memory_space<semaphore_mem>>) src(%arg14 : memref<80x128xf32, #tpu.memory_space<vmem>>) dst(%dma_wait3A_455 : memref<10240x128xf32, #tpu.memory_space<vmem_shared>>)
      %mul3A_456 = arith.constant 10000 : i32
      %mul3A_457 = arith.muli %add3A, %mul3A_456 : i32
      %mul3A_458 = arith.constant 80 : i32
      %mul3A_459 = arith.muli %add3A_449, %mul3A_458 : i32
      %add3A_460 = arith.addi %mul3A_457, %mul3A_459 : i32
      %dma_wait3A_461 = tpu.memref_slice %arg3[%add3A_460] : memref<320000xi32, #tpu.memory_space<hbm>> -> memref<80xi32, #tpu.memory_space<hbm>>
      %dma_wait3A_462 = tpu.memref_slice %arg3[%add3A_460] : memref<320000xi32, #tpu.memory_space<hbm>> -> memref<80xi32, #tpu.memory_space<hbm>>
      tpu.wait_dma2 semaphore(%arg29 : memref<!tpu.dma_semaphore, #tpu.memory_space<semaphore_mem>>) src(%dma_wait3A_462 : memref<80xi32, #tpu.memory_space<hbm>>) dst(%arg10 : memref<80xi32, #tpu.memory_space<vmem>>)
      %dma_start3A_463 = arith.constant 0 : i32
      %dma_start3A_464 = arith.constant 0 : i32
      %dma_start3A_465 = tpu.memref_slice %arg18[%dma_start3A_463, %dma_start3A_464] : memref<10240x128xf32, #tpu.memory_space<vmem_shared>> -> memref<10240x128xf32, #tpu.memory_space<vmem_shared>>
      tpu.enqueue_indirect_dma source(%arg14 : memref<80x128xf32, #tpu.memory_space<vmem>>) target(%dma_start3A_465 : memref<10240x128xf32, #tpu.memory_space<vmem_shared>>) offsets(%arg10 : memref<80xi32, #tpu.memory_space<vmem>>) semaphore(%arg23 : memref<!tpu.dma_semaphore, #tpu.memory_space<semaphore_mem>>) {add = true}
      %add3A_466 = arith.constant 2 : i32
      %add3A_467 = arith.addi %add3A_449, %add3A_466 : i32
      %mul3A_468 = arith.constant 10000 : i32
      %mul3A_469 = arith.muli %add3A, %mul3A_468 : i32
      %mul3A_470 = arith.constant 80 : i32
      %mul3A_471 = arith.muli %add3A_467, %mul3A_470 : i32
      %add3A_472 = arith.addi %mul3A_469, %mul3A_471 : i32
      %dma_start3A_473 = tpu.memref_slice %arg3[%add3A_472] : memref<320000xi32, #tpu.memory_space<hbm>> -> memref<80xi32, #tpu.memory_space<hbm>>
      %dma_start3A_474 = tpu.memref_slice %arg3[%add3A_472] : memref<320000xi32, #tpu.memory_space<hbm>> -> memref<80xi32, #tpu.memory_space<hbm>>
      tpu.enqueue_dma source(%dma_start3A_474 : memref<80xi32, #tpu.memory_space<hbm>>) target(%arg12 : memref<80xi32, #tpu.memory_space<vmem>>) target_semaphore(%arg31 : memref<!tpu.dma_semaphore, #tpu.memory_space<semaphore_mem>>)
      %add3A_475 = arith.constant 2 : i32
      %add3A_476 = arith.addi %add3A_449, %add3A_475 : i32
      %mul3A_477 = arith.constant 10000 : i32
      %mul3A_478 = arith.muli %add3A, %mul3A_477 : i32
      %mul3A_479 = arith.constant 80 : i32
      %mul3A_480 = arith.muli %add3A_476, %mul3A_479 : i32
      %add3A_481 = arith.addi %mul3A_478, %mul3A_480 : i32
      %dma_wait3A_482 = tpu.memref_slice %arg2[%add3A_481] : memref<320000xi32, #tpu.memory_space<hbm>> -> memref<80xi32, #tpu.memory_space<hbm>>
      %dma_wait3A_483 = tpu.memref_slice %arg2[%add3A_481] : memref<320000xi32, #tpu.memory_space<hbm>> -> memref<80xi32, #tpu.memory_space<hbm>>
      tpu.wait_dma2 semaphore(%arg27 : memref<!tpu.dma_semaphore, #tpu.memory_space<semaphore_mem>>) src(%dma_wait3A_483 : memref<80xi32, #tpu.memory_space<hbm>>) dst(%arg8 : memref<80xi32, #tpu.memory_space<vmem>>)
      %dma_start3A_484 = arith.constant 0 : i32
      %dma_start3A_485 = arith.constant 0 : i32
      %dma_start3A_486 = tpu.memref_slice %arg4[%dma_start3A_484, %dma_start3A_485] : memref<10240x128xf32, #tpu.memory_space<hbm>> -> memref<10240x128xf32, #tpu.memory_space<hbm>>
      tpu.enqueue_indirect_dma source(%dma_start3A_486 : memref<10240x128xf32, #tpu.memory_space<hbm>>) target(%arg16 : memref<80x128xf32, #tpu.memory_space<vmem>>) offsets(%arg8 : memref<80xi32, #tpu.memory_space<vmem>>) semaphore(%arg21 : memref<!tpu.dma_semaphore, #tpu.memory_space<semaphore_mem>>)
      %add3A_487 = arith.constant 4 : i32
      %add3A_488 = arith.addi %add3A_449, %add3A_487 : i32
      %mul3A_489 = arith.constant 10000 : i32
      %mul3A_490 = arith.muli %add3A, %mul3A_489 : i32
      %mul3A_491 = arith.constant 80 : i32
      %mul3A_492 = arith.muli %add3A_488, %mul3A_491 : i32
      %add3A_493 = arith.addi %mul3A_490, %mul3A_492 : i32
      %dma_start3A_494 = tpu.memref_slice %arg2[%add3A_493] : memref<320000xi32, #tpu.memory_space<hbm>> -> memref<80xi32, #tpu.memory_space<hbm>>
      %dma_start3A_495 = tpu.memref_slice %arg2[%add3A_493] : memref<320000xi32, #tpu.memory_space<hbm>> -> memref<80xi32, #tpu.memory_space<hbm>>
      tpu.enqueue_dma source(%dma_start3A_495 : memref<80xi32, #tpu.memory_space<hbm>>) target(%arg6 : memref<80xi32, #tpu.memory_space<vmem>>) target_semaphore(%arg25 : memref<!tpu.dma_semaphore, #tpu.memory_space<semaphore_mem>>)
      %mul3A_496 = arith.constant 4 : i32
      %mul3A_497 = arith.muli %mul3A_496, %scan3A_338 : i32
      %add3A_498 = arith.constant 2 : i32
      %add3A_499 = arith.addi %mul3A_497, %add3A_498 : i32
      %add3A_500 = arith.constant 3 : i32
      %add3A_501 = arith.addi %add3A_499, %add3A_500 : i32
      %dma_wait3A_502 = arith.constant 0 : i32
      %dma_wait3A_503 = arith.constant 0 : i32
      %dma_wait3A_504 = tpu.memref_slice %arg4[%dma_wait3A_502, %dma_wait3A_503] : memref<10240x128xf32, #tpu.memory_space<hbm>> -> memref<10240x128xf32, #tpu.memory_space<hbm>>
      tpu.wait_indirect_dma semaphore(%arg20 : memref<!tpu.dma_semaphore, #tpu.memory_space<semaphore_mem>>) src(%dma_wait3A_504 : memref<10240x128xf32, #tpu.memory_space<hbm>>) dst(%arg15 : memref<80x128xf32, #tpu.memory_space<vmem>>)
      %dma_wait3A_505 = arith.constant 0 : i32
      %dma_wait3A_506 = arith.constant 0 : i32
      %dma_wait3A_507 = tpu.memref_slice %arg18[%dma_wait3A_505, %dma_wait3A_506] : memref<10240x128xf32, #tpu.memory_space<vmem_shared>> -> memref<10240x128xf32, #tpu.memory_space<vmem_shared>>
      tpu.wait_indirect_dma semaphore(%arg24 : memref<!tpu.dma_semaphore, #tpu.memory_space<semaphore_mem>>) src(%arg14 : memref<80x128xf32, #tpu.memory_space<vmem>>) dst(%dma_wait3A_507 : memref<10240x128xf32, #tpu.memory_space<vmem_shared>>)
      %mul3A_508 = arith.constant 10000 : i32
      %mul3A_509 = arith.muli %add3A, %mul3A_508 : i32
      %mul3A_510 = arith.constant 80 : i32
      %mul3A_511 = arith.muli %add3A_501, %mul3A_510 : i32
      %add3A_512 = arith.addi %mul3A_509, %mul3A_511 : i32
      %dma_wait3A_513 = tpu.memref_slice %arg3[%add3A_512] : memref<320000xi32, #tpu.memory_space<hbm>> -> memref<80xi32, #tpu.memory_space<hbm>>
      %dma_wait3A_514 = tpu.memref_slice %arg3[%add3A_512] : memref<320000xi32, #tpu.memory_space<hbm>> -> memref<80xi32, #tpu.memory_space<hbm>>
      tpu.wait_dma2 semaphore(%arg30 : memref<!tpu.dma_semaphore, #tpu.memory_space<semaphore_mem>>) src(%dma_wait3A_514 : memref<80xi32, #tpu.memory_space<hbm>>) dst(%arg11 : memref<80xi32, #tpu.memory_space<vmem>>)
      %dma_start3A_515 = arith.constant 0 : i32
      %dma_start3A_516 = arith.constant 0 : i32
      %dma_start3A_517 = tpu.memref_slice %arg18[%dma_start3A_515, %dma_start3A_516] : memref<10240x128xf32, #tpu.memory_space<vmem_shared>> -> memref<10240x128xf32, #tpu.memory_space<vmem_shared>>
      tpu.enqueue_indirect_dma source(%arg15 : memref<80x128xf32, #tpu.memory_space<vmem>>) target(%dma_start3A_517 : memref<10240x128xf32, #tpu.memory_space<vmem_shared>>) offsets(%arg11 : memref<80xi32, #tpu.memory_space<vmem>>) semaphore(%arg24 : memref<!tpu.dma_semaphore, #tpu.memory_space<semaphore_mem>>) {add = true}
      %add3A_518 = arith.constant 2 : i32
      %add3A_519 = arith.addi %add3A_501, %add3A_518 : i32
      %mul3A_520 = arith.constant 10000 : i32
      %mul3A_521 = arith.muli %add3A, %mul3A_520 : i32
      %mul3A_522 = arith.constant 80 : i32
      %mul3A_523 = arith.muli %add3A_519, %mul3A_522 : i32
      %add3A_524 = arith.addi %mul3A_521, %mul3A_523 : i32
      %dma_start3A_525 = tpu.memref_slice %arg3[%add3A_524] : memref<320000xi32, #tpu.memory_space<hbm>> -> memref<80xi32, #tpu.memory_space<hbm>>
      %dma_start3A_526 = tpu.memref_slice %arg3[%add3A_524] : memref<320000xi32, #tpu.memory_space<hbm>> -> memref<80xi32, #tpu.memory_space<hbm>>
      tpu.enqueue_dma source(%dma_start3A_526 : memref<80xi32, #tpu.memory_space<hbm>>) target(%arg13 : memref<80xi32, #tpu.memory_space<vmem>>) target_semaphore(%arg32 : memref<!tpu.dma_semaphore, #tpu.memory_space<semaphore_mem>>)
      %add3A_527 = arith.constant 2 : i32
      %add3A_528 = arith.addi %add3A_501, %add3A_527 : i32
      %mul3A_529 = arith.constant 10000 : i32
      %mul3A_530 = arith.muli %add3A, %mul3A_529 : i32
      %mul3A_531 = arith.constant 80 : i32
      %mul3A_532 = arith.muli %add3A_528, %mul3A_531 : i32
      %add3A_533 = arith.addi %mul3A_530, %mul3A_532 : i32
      %dma_wait3A_534 = tpu.memref_slice %arg2[%add3A_533] : memref<320000xi32, #tpu.memory_space<hbm>> -> memref<80xi32, #tpu.memory_space<hbm>>
      %dma_wait3A_535 = tpu.memref_slice %arg2[%add3A_533] : memref<320000xi32, #tpu.memory_space<hbm>> -> memref<80xi32, #tpu.memory_space<hbm>>
      tpu.wait_dma2 semaphore(%arg28 : memref<!tpu.dma_semaphore, #tpu.memory_space<semaphore_mem>>) src(%dma_wait3A_535 : memref<80xi32, #tpu.memory_space<hbm>>) dst(%arg9 : memref<80xi32, #tpu.memory_space<vmem>>)
      %dma_start3A_536 = arith.constant 0 : i32
      %dma_start3A_537 = arith.constant 0 : i32
      %dma_start3A_538 = tpu.memref_slice %arg4[%dma_start3A_536, %dma_start3A_537] : memref<10240x128xf32, #tpu.memory_space<hbm>> -> memref<10240x128xf32, #tpu.memory_space<hbm>>
      tpu.enqueue_indirect_dma source(%dma_start3A_538 : memref<10240x128xf32, #tpu.memory_space<hbm>>) target(%arg17 : memref<80x128xf32, #tpu.memory_space<vmem>>) offsets(%arg9 : memref<80xi32, #tpu.memory_space<vmem>>) semaphore(%arg22 : memref<!tpu.dma_semaphore, #tpu.memory_space<semaphore_mem>>)
      %add3A_539 = arith.constant 4 : i32
      %add3A_540 = arith.addi %add3A_501, %add3A_539 : i32
      %mul3A_541 = arith.constant 10000 : i32
      %mul3A_542 = arith.muli %add3A, %mul3A_541 : i32
      %mul3A_543 = arith.constant 80 : i32
      %mul3A_544 = arith.muli %add3A_540, %mul3A_543 : i32
      %add3A_545 = arith.addi %mul3A_542, %mul3A_544 : i32
      %dma_start3A_546 = tpu.memref_slice %arg2[%add3A_545] : memref<320000xi32, #tpu.memory_space<hbm>> -> memref<80xi32, #tpu.memory_space<hbm>>
      %dma_start3A_547 = tpu.memref_slice %arg2[%add3A_545] : memref<320000xi32, #tpu.memory_space<hbm>> -> memref<80xi32, #tpu.memory_space<hbm>>
      tpu.enqueue_dma source(%dma_start3A_547 : memref<80xi32, #tpu.memory_space<hbm>>) target(%arg7 : memref<80xi32, #tpu.memory_space<vmem>>) target_semaphore(%arg26 : memref<!tpu.dma_semaphore, #tpu.memory_space<semaphore_mem>>)
      %scan3A_548 = arith.constant 0 : i32
      scf.yield %scan3A_548 : i32
    }
    %scan3A_132 = arith.constant 29 : i32
    %dma_wait3A_133 = arith.constant 0 : i32
    %dma_wait3A_134 = arith.constant 0 : i32
    %dma_wait3A_135 = tpu.memref_slice %arg4[%dma_wait3A_133, %dma_wait3A_134] : memref<10240x128xf32, #tpu.memory_space<hbm>> -> memref<10240x128xf32, #tpu.memory_space<hbm>>
    tpu.wait_indirect_dma semaphore(%arg21 : memref<!tpu.dma_semaphore, #tpu.memory_space<semaphore_mem>>) src(%dma_wait3A_135 : memref<10240x128xf32, #tpu.memory_space<hbm>>) dst(%arg16 : memref<80x128xf32, #tpu.memory_space<vmem>>)
    %dma_wait3A_136 = arith.constant 0 : i32
    %dma_wait3A_137 = arith.constant 0 : i32
    %dma_wait3A_138 = tpu.memref_slice %arg18[%dma_wait3A_136, %dma_wait3A_137] : memref<10240x128xf32, #tpu.memory_space<vmem_shared>> -> memref<10240x128xf32, #tpu.memory_space<vmem_shared>>
    tpu.wait_indirect_dma semaphore(%arg23 : memref<!tpu.dma_semaphore, #tpu.memory_space<semaphore_mem>>) src(%arg14 : memref<80x128xf32, #tpu.memory_space<vmem>>) dst(%dma_wait3A_138 : memref<10240x128xf32, #tpu.memory_space<vmem_shared>>)
    %mul3A_139 = arith.constant 10000 : i32
    %mul3A_140 = arith.muli %add3A, %mul3A_139 : i32
    %add3A_141 = arith.constant 9440 : i32
    %add3A_142 = arith.addi %mul3A_140, %add3A_141 : i32
    %dma_wait3A_143 = tpu.memref_slice %arg3[%add3A_142] : memref<320000xi32, #tpu.memory_space<hbm>> -> memref<80xi32, #tpu.memory_space<hbm>>
    %dma_wait3A_144 = tpu.memref_slice %arg3[%add3A_142] : memref<320000xi32, #tpu.memory_space<hbm>> -> memref<80xi32, #tpu.memory_space<hbm>>
    tpu.wait_dma2 semaphore(%arg31 : memref<!tpu.dma_semaphore, #tpu.memory_space<semaphore_mem>>) src(%dma_wait3A_144 : memref<80xi32, #tpu.memory_space<hbm>>) dst(%arg12 : memref<80xi32, #tpu.memory_space<vmem>>)
    %dma_start3A_145 = arith.constant 0 : i32
    %dma_start3A_146 = arith.constant 0 : i32
    %dma_start3A_147 = tpu.memref_slice %arg18[%dma_start3A_145, %dma_start3A_146] : memref<10240x128xf32, #tpu.memory_space<vmem_shared>> -> memref<10240x128xf32, #tpu.memory_space<vmem_shared>>
    tpu.enqueue_indirect_dma source(%arg16 : memref<80x128xf32, #tpu.memory_space<vmem>>) target(%dma_start3A_147 : memref<10240x128xf32, #tpu.memory_space<vmem_shared>>) offsets(%arg12 : memref<80xi32, #tpu.memory_space<vmem>>) semaphore(%arg23 : memref<!tpu.dma_semaphore, #tpu.memory_space<semaphore_mem>>) {add = true}
    %mul3A_148 = arith.constant 10000 : i32
    %mul3A_149 = arith.muli %add3A, %mul3A_148 : i32
    %add3A_150 = arith.constant 9600 : i32
    %add3A_151 = arith.addi %mul3A_149, %add3A_150 : i32
    %dma_start3A_152 = tpu.memref_slice %arg3[%add3A_151] : memref<320000xi32, #tpu.memory_space<hbm>> -> memref<80xi32, #tpu.memory_space<hbm>>
    %dma_start3A_153 = tpu.memref_slice %arg3[%add3A_151] : memref<320000xi32, #tpu.memory_space<hbm>> -> memref<80xi32, #tpu.memory_space<hbm>>
    tpu.enqueue_dma source(%dma_start3A_153 : memref<80xi32, #tpu.memory_space<hbm>>) target(%arg10 : memref<80xi32, #tpu.memory_space<vmem>>) target_semaphore(%arg29 : memref<!tpu.dma_semaphore, #tpu.memory_space<semaphore_mem>>)
    %mul3A_154 = arith.constant 10000 : i32
    %mul3A_155 = arith.muli %add3A, %mul3A_154 : i32
    %add3A_156 = arith.constant 9600 : i32
    %add3A_157 = arith.addi %mul3A_155, %add3A_156 : i32
    %dma_wait3A_158 = tpu.memref_slice %arg2[%add3A_157] : memref<320000xi32, #tpu.memory_space<hbm>> -> memref<80xi32, #tpu.memory_space<hbm>>
    %dma_wait3A_159 = tpu.memref_slice %arg2[%add3A_157] : memref<320000xi32, #tpu.memory_space<hbm>> -> memref<80xi32, #tpu.memory_space<hbm>>
    tpu.wait_dma2 semaphore(%arg25 : memref<!tpu.dma_semaphore, #tpu.memory_space<semaphore_mem>>) src(%dma_wait3A_159 : memref<80xi32, #tpu.memory_space<hbm>>) dst(%arg6 : memref<80xi32, #tpu.memory_space<vmem>>)
    %dma_start3A_160 = arith.constant 0 : i32
    %dma_start3A_161 = arith.constant 0 : i32
    %dma_start3A_162 = tpu.memref_slice %arg4[%dma_start3A_160, %dma_start3A_161] : memref<10240x128xf32, #tpu.memory_space<hbm>> -> memref<10240x128xf32, #tpu.memory_space<hbm>>
    tpu.enqueue_indirect_dma source(%dma_start3A_162 : memref<10240x128xf32, #tpu.memory_space<hbm>>) target(%arg14 : memref<80x128xf32, #tpu.memory_space<vmem>>) offsets(%arg6 : memref<80xi32, #tpu.memory_space<vmem>>) semaphore(%arg19 : memref<!tpu.dma_semaphore, #tpu.memory_space<semaphore_mem>>)
    %mul3A_163 = arith.constant 10000 : i32
    %mul3A_164 = arith.muli %add3A, %mul3A_163 : i32
    %add3A_165 = arith.constant 9760 : i32
    %add3A_166 = arith.addi %mul3A_164, %add3A_165 : i32
    %dma_start3A_167 = tpu.memref_slice %arg2[%add3A_166] : memref<320000xi32, #tpu.memory_space<hbm>> -> memref<80xi32, #tpu.memory_space<hbm>>
    %dma_start3A_168 = tpu.memref_slice %arg2[%add3A_166] : memref<320000xi32, #tpu.memory_space<hbm>> -> memref<80xi32, #tpu.memory_space<hbm>>
    tpu.enqueue_dma source(%dma_start3A_168 : memref<80xi32, #tpu.memory_space<hbm>>) target(%arg8 : memref<80xi32, #tpu.memory_space<vmem>>) target_semaphore(%arg27 : memref<!tpu.dma_semaphore, #tpu.memory_space<semaphore_mem>>)
    %dma_wait3A_169 = arith.constant 0 : i32
    %dma_wait3A_170 = arith.constant 0 : i32
    %dma_wait3A_171 = tpu.memref_slice %arg4[%dma_wait3A_169, %dma_wait3A_170] : memref<10240x128xf32, #tpu.memory_space<hbm>> -> memref<10240x128xf32, #tpu.memory_space<hbm>>
    tpu.wait_indirect_dma semaphore(%arg22 : memref<!tpu.dma_semaphore, #tpu.memory_space<semaphore_mem>>) src(%dma_wait3A_171 : memref<10240x128xf32, #tpu.memory_space<hbm>>) dst(%arg17 : memref<80x128xf32, #tpu.memory_space<vmem>>)
    %dma_wait3A_172 = arith.constant 0 : i32
    %dma_wait3A_173 = arith.constant 0 : i32
    %dma_wait3A_174 = tpu.memref_slice %arg18[%dma_wait3A_172, %dma_wait3A_173] : memref<10240x128xf32, #tpu.memory_space<vmem_shared>> -> memref<10240x128xf32, #tpu.memory_space<vmem_shared>>
    tpu.wait_indirect_dma semaphore(%arg24 : memref<!tpu.dma_semaphore, #tpu.memory_space<semaphore_mem>>) src(%arg14 : memref<80x128xf32, #tpu.memory_space<vmem>>) dst(%dma_wait3A_174 : memref<10240x128xf32, #tpu.memory_space<vmem_shared>>)
    %mul3A_175 = arith.constant 10000 : i32
    %mul3A_176 = arith.muli %add3A, %mul3A_175 : i32
    %add3A_177 = arith.constant 9520 : i32
    %add3A_178 = arith.addi %mul3A_176, %add3A_177 : i32
    %dma_wait3A_179 = tpu.memref_slice %arg3[%add3A_178] : memref<320000xi32, #tpu.memory_space<hbm>> -> memref<80xi32, #tpu.memory_space<hbm>>
    %dma_wait3A_180 = tpu.memref_slice %arg3[%add3A_178] : memref<320000xi32, #tpu.memory_space<hbm>> -> memref<80xi32, #tpu.memory_space<hbm>>
    tpu.wait_dma2 semaphore(%arg32 : memref<!tpu.dma_semaphore, #tpu.memory_space<semaphore_mem>>) src(%dma_wait3A_180 : memref<80xi32, #tpu.memory_space<hbm>>) dst(%arg13 : memref<80xi32, #tpu.memory_space<vmem>>)
    %dma_start3A_181 = arith.constant 0 : i32
    %dma_start3A_182 = arith.constant 0 : i32
    %dma_start3A_183 = tpu.memref_slice %arg18[%dma_start3A_181, %dma_start3A_182] : memref<10240x128xf32, #tpu.memory_space<vmem_shared>> -> memref<10240x128xf32, #tpu.memory_space<vmem_shared>>
    tpu.enqueue_indirect_dma source(%arg17 : memref<80x128xf32, #tpu.memory_space<vmem>>) target(%dma_start3A_183 : memref<10240x128xf32, #tpu.memory_space<vmem_shared>>) offsets(%arg13 : memref<80xi32, #tpu.memory_space<vmem>>) semaphore(%arg24 : memref<!tpu.dma_semaphore, #tpu.memory_space<semaphore_mem>>) {add = true}
    %mul3A_184 = arith.constant 10000 : i32
    %mul3A_185 = arith.muli %add3A, %mul3A_184 : i32
    %add3A_186 = arith.constant 9680 : i32
    %add3A_187 = arith.addi %mul3A_185, %add3A_186 : i32
    %dma_start3A_188 = tpu.memref_slice %arg3[%add3A_187] : memref<320000xi32, #tpu.memory_space<hbm>> -> memref<80xi32, #tpu.memory_space<hbm>>
    %dma_start3A_189 = tpu.memref_slice %arg3[%add3A_187] : memref<320000xi32, #tpu.memory_space<hbm>> -> memref<80xi32, #tpu.memory_space<hbm>>
    tpu.enqueue_dma source(%dma_start3A_189 : memref<80xi32, #tpu.memory_space<hbm>>) target(%arg11 : memref<80xi32, #tpu.memory_space<vmem>>) target_semaphore(%arg30 : memref<!tpu.dma_semaphore, #tpu.memory_space<semaphore_mem>>)
    %mul3A_190 = arith.constant 10000 : i32
    %mul3A_191 = arith.muli %add3A, %mul3A_190 : i32
    %add3A_192 = arith.constant 9680 : i32
    %add3A_193 = arith.addi %mul3A_191, %add3A_192 : i32
    %dma_wait3A_194 = tpu.memref_slice %arg2[%add3A_193] : memref<320000xi32, #tpu.memory_space<hbm>> -> memref<80xi32, #tpu.memory_space<hbm>>
    %dma_wait3A_195 = tpu.memref_slice %arg2[%add3A_193] : memref<320000xi32, #tpu.memory_space<hbm>> -> memref<80xi32, #tpu.memory_space<hbm>>
    tpu.wait_dma2 semaphore(%arg26 : memref<!tpu.dma_semaphore, #tpu.memory_space<semaphore_mem>>) src(%dma_wait3A_195 : memref<80xi32, #tpu.memory_space<hbm>>) dst(%arg7 : memref<80xi32, #tpu.memory_space<vmem>>)
    %dma_start3A_196 = arith.constant 0 : i32
    %dma_start3A_197 = arith.constant 0 : i32
    %dma_start3A_198 = tpu.memref_slice %arg4[%dma_start3A_196, %dma_start3A_197] : memref<10240x128xf32, #tpu.memory_space<hbm>> -> memref<10240x128xf32, #tpu.memory_space<hbm>>
    tpu.enqueue_indirect_dma source(%dma_start3A_198 : memref<10240x128xf32, #tpu.memory_space<hbm>>) target(%arg15 : memref<80x128xf32, #tpu.memory_space<vmem>>) offsets(%arg7 : memref<80xi32, #tpu.memory_space<vmem>>) semaphore(%arg20 : memref<!tpu.dma_semaphore, #tpu.memory_space<semaphore_mem>>)
    %mul3A_199 = arith.constant 10000 : i32
    %mul3A_200 = arith.muli %add3A, %mul3A_199 : i32
    %add3A_201 = arith.constant 9840 : i32
    %add3A_202 = arith.addi %mul3A_200, %add3A_201 : i32
    %dma_start3A_203 = tpu.memref_slice %arg2[%add3A_202] : memref<320000xi32, #tpu.memory_space<hbm>> -> memref<80xi32, #tpu.memory_space<hbm>>
    %dma_start3A_204 = tpu.memref_slice %arg2[%add3A_202] : memref<320000xi32, #tpu.memory_space<hbm>> -> memref<80xi32, #tpu.memory_space<hbm>>
    tpu.enqueue_dma source(%dma_start3A_204 : memref<80xi32, #tpu.memory_space<hbm>>) target(%arg9 : memref<80xi32, #tpu.memory_space<vmem>>) target_semaphore(%arg28 : memref<!tpu.dma_semaphore, #tpu.memory_space<semaphore_mem>>)
    %dma_wait3A_205 = arith.constant 0 : i32
    %dma_wait3A_206 = arith.constant 0 : i32
    %dma_wait3A_207 = tpu.memref_slice %arg4[%dma_wait3A_205, %dma_wait3A_206] : memref<10240x128xf32, #tpu.memory_space<hbm>> -> memref<10240x128xf32, #tpu.memory_space<hbm>>
    tpu.wait_indirect_dma semaphore(%arg19 : memref<!tpu.dma_semaphore, #tpu.memory_space<semaphore_mem>>) src(%dma_wait3A_207 : memref<10240x128xf32, #tpu.memory_space<hbm>>) dst(%arg14 : memref<80x128xf32, #tpu.memory_space<vmem>>)
    %dma_wait3A_208 = arith.constant 0 : i32
    %dma_wait3A_209 = arith.constant 0 : i32
    %dma_wait3A_210 = tpu.memref_slice %arg18[%dma_wait3A_208, %dma_wait3A_209] : memref<10240x128xf32, #tpu.memory_space<vmem_shared>> -> memref<10240x128xf32, #tpu.memory_space<vmem_shared>>
    tpu.wait_indirect_dma semaphore(%arg23 : memref<!tpu.dma_semaphore, #tpu.memory_space<semaphore_mem>>) src(%arg14 : memref<80x128xf32, #tpu.memory_space<vmem>>) dst(%dma_wait3A_210 : memref<10240x128xf32, #tpu.memory_space<vmem_shared>>)
    %mul3A_211 = arith.constant 10000 : i32
    %mul3A_212 = arith.muli %add3A, %mul3A_211 : i32
    %add3A_213 = arith.constant 9600 : i32
    %add3A_214 = arith.addi %mul3A_212, %add3A_213 : i32
    %dma_wait3A_215 = tpu.memref_slice %arg3[%add3A_214] : memref<320000xi32, #tpu.memory_space<hbm>> -> memref<80xi32, #tpu.memory_space<hbm>>
    %dma_wait3A_216 = tpu.memref_slice %arg3[%add3A_214] : memref<320000xi32, #tpu.memory_space<hbm>> -> memref<80xi32, #tpu.memory_space<hbm>>
    tpu.wait_dma2 semaphore(%arg29 : memref<!tpu.dma_semaphore, #tpu.memory_space<semaphore_mem>>) src(%dma_wait3A_216 : memref<80xi32, #tpu.memory_space<hbm>>) dst(%arg10 : memref<80xi32, #tpu.memory_space<vmem>>)
    %dma_start3A_217 = arith.constant 0 : i32
    %dma_start3A_218 = arith.constant 0 : i32
    %dma_start3A_219 = tpu.memref_slice %arg18[%dma_start3A_217, %dma_start3A_218] : memref<10240x128xf32, #tpu.memory_space<vmem_shared>> -> memref<10240x128xf32, #tpu.memory_space<vmem_shared>>
    tpu.enqueue_indirect_dma source(%arg14 : memref<80x128xf32, #tpu.memory_space<vmem>>) target(%dma_start3A_219 : memref<10240x128xf32, #tpu.memory_space<vmem_shared>>) offsets(%arg10 : memref<80xi32, #tpu.memory_space<vmem>>) semaphore(%arg23 : memref<!tpu.dma_semaphore, #tpu.memory_space<semaphore_mem>>) {add = true}
    %mul3A_220 = arith.constant 10000 : i32
    %mul3A_221 = arith.muli %add3A, %mul3A_220 : i32
    %add3A_222 = arith.constant 9760 : i32
    %add3A_223 = arith.addi %mul3A_221, %add3A_222 : i32
    %dma_start3A_224 = tpu.memref_slice %arg3[%add3A_223] : memref<320000xi32, #tpu.memory_space<hbm>> -> memref<80xi32, #tpu.memory_space<hbm>>
    %dma_start3A_225 = tpu.memref_slice %arg3[%add3A_223] : memref<320000xi32, #tpu.memory_space<hbm>> -> memref<80xi32, #tpu.memory_space<hbm>>
    tpu.enqueue_dma source(%dma_start3A_225 : memref<80xi32, #tpu.memory_space<hbm>>) target(%arg12 : memref<80xi32, #tpu.memory_space<vmem>>) target_semaphore(%arg31 : memref<!tpu.dma_semaphore, #tpu.memory_space<semaphore_mem>>)
    %mul3A_226 = arith.constant 10000 : i32
    %mul3A_227 = arith.muli %add3A, %mul3A_226 : i32
    %add3A_228 = arith.constant 9760 : i32
    %add3A_229 = arith.addi %mul3A_227, %add3A_228 : i32
    %dma_wait3A_230 = tpu.memref_slice %arg2[%add3A_229] : memref<320000xi32, #tpu.memory_space<hbm>> -> memref<80xi32, #tpu.memory_space<hbm>>
    %dma_wait3A_231 = tpu.memref_slice %arg2[%add3A_229] : memref<320000xi32, #tpu.memory_space<hbm>> -> memref<80xi32, #tpu.memory_space<hbm>>
    tpu.wait_dma2 semaphore(%arg27 : memref<!tpu.dma_semaphore, #tpu.memory_space<semaphore_mem>>) src(%dma_wait3A_231 : memref<80xi32, #tpu.memory_space<hbm>>) dst(%arg8 : memref<80xi32, #tpu.memory_space<vmem>>)
    %dma_start3A_232 = arith.constant 0 : i32
    %dma_start3A_233 = arith.constant 0 : i32
    %dma_start3A_234 = tpu.memref_slice %arg4[%dma_start3A_232, %dma_start3A_233] : memref<10240x128xf32, #tpu.memory_space<hbm>> -> memref<10240x128xf32, #tpu.memory_space<hbm>>
    tpu.enqueue_indirect_dma source(%dma_start3A_234 : memref<10240x128xf32, #tpu.memory_space<hbm>>) target(%arg16 : memref<80x128xf32, #tpu.memory_space<vmem>>) offsets(%arg8 : memref<80xi32, #tpu.memory_space<vmem>>) semaphore(%arg21 : memref<!tpu.dma_semaphore, #tpu.memory_space<semaphore_mem>>)
    %mul3A_235 = arith.constant 10000 : i32
    %mul3A_236 = arith.muli %add3A, %mul3A_235 : i32
    %add3A_237 = arith.constant 9920 : i32
    %add3A_238 = arith.addi %mul3A_236, %add3A_237 : i32
    %dma_start3A_239 = tpu.memref_slice %arg2[%add3A_238] : memref<320000xi32, #tpu.memory_space<hbm>> -> memref<80xi32, #tpu.memory_space<hbm>>
    %dma_start3A_240 = tpu.memref_slice %arg2[%add3A_238] : memref<320000xi32, #tpu.memory_space<hbm>> -> memref<80xi32, #tpu.memory_space<hbm>>
    tpu.enqueue_dma source(%dma_start3A_240 : memref<80xi32, #tpu.memory_space<hbm>>) target(%arg6 : memref<80xi32, #tpu.memory_space<vmem>>) target_semaphore(%arg25 : memref<!tpu.dma_semaphore, #tpu.memory_space<semaphore_mem>>)
    %dma_wait3A_241 = arith.constant 0 : i32
    %dma_wait3A_242 = arith.constant 0 : i32
    %dma_wait3A_243 = tpu.memref_slice %arg4[%dma_wait3A_241, %dma_wait3A_242] : memref<10240x128xf32, #tpu.memory_space<hbm>> -> memref<10240x128xf32, #tpu.memory_space<hbm>>
    tpu.wait_indirect_dma semaphore(%arg20 : memref<!tpu.dma_semaphore, #tpu.memory_space<semaphore_mem>>) src(%dma_wait3A_243 : memref<10240x128xf32, #tpu.memory_space<hbm>>) dst(%arg15 : memref<80x128xf32, #tpu.memory_space<vmem>>)
    %dma_wait3A_244 = arith.constant 0 : i32
    %dma_wait3A_245 = arith.constant 0 : i32
    %dma_wait3A_246 = tpu.memref_slice %arg18[%dma_wait3A_244, %dma_wait3A_245] : memref<10240x128xf32, #tpu.memory_space<vmem_shared>> -> memref<10240x128xf32, #tpu.memory_space<vmem_shared>>
    tpu.wait_indirect_dma semaphore(%arg24 : memref<!tpu.dma_semaphore, #tpu.memory_space<semaphore_mem>>) src(%arg14 : memref<80x128xf32, #tpu.memory_space<vmem>>) dst(%dma_wait3A_246 : memref<10240x128xf32, #tpu.memory_space<vmem_shared>>)
    %mul3A_247 = arith.constant 10000 : i32
    %mul3A_248 = arith.muli %add3A, %mul3A_247 : i32
    %add3A_249 = arith.constant 9680 : i32
    %add3A_250 = arith.addi %mul3A_248, %add3A_249 : i32
    %dma_wait3A_251 = tpu.memref_slice %arg3[%add3A_250] : memref<320000xi32, #tpu.memory_space<hbm>> -> memref<80xi32, #tpu.memory_space<hbm>>
    %dma_wait3A_252 = tpu.memref_slice %arg3[%add3A_250] : memref<320000xi32, #tpu.memory_space<hbm>> -> memref<80xi32, #tpu.memory_space<hbm>>
    tpu.wait_dma2 semaphore(%arg30 : memref<!tpu.dma_semaphore, #tpu.memory_space<semaphore_mem>>) src(%dma_wait3A_252 : memref<80xi32, #tpu.memory_space<hbm>>) dst(%arg11 : memref<80xi32, #tpu.memory_space<vmem>>)
    %dma_start3A_253 = arith.constant 0 : i32
    %dma_start3A_254 = arith.constant 0 : i32
    %dma_start3A_255 = tpu.memref_slice %arg18[%dma_start3A_253, %dma_start3A_254] : memref<10240x128xf32, #tpu.memory_space<vmem_shared>> -> memref<10240x128xf32, #tpu.memory_space<vmem_shared>>
    tpu.enqueue_indirect_dma source(%arg15 : memref<80x128xf32, #tpu.memory_space<vmem>>) target(%dma_start3A_255 : memref<10240x128xf32, #tpu.memory_space<vmem_shared>>) offsets(%arg11 : memref<80xi32, #tpu.memory_space<vmem>>) semaphore(%arg24 : memref<!tpu.dma_semaphore, #tpu.memory_space<semaphore_mem>>) {add = true}
    %mul3A_256 = arith.constant 10000 : i32
    %mul3A_257 = arith.muli %add3A, %mul3A_256 : i32
    %add3A_258 = arith.constant 9840 : i32
    %add3A_259 = arith.addi %mul3A_257, %add3A_258 : i32
    %dma_start3A_260 = tpu.memref_slice %arg3[%add3A_259] : memref<320000xi32, #tpu.memory_space<hbm>> -> memref<80xi32, #tpu.memory_space<hbm>>
    %dma_start3A_261 = tpu.memref_slice %arg3[%add3A_259] : memref<320000xi32, #tpu.memory_space<hbm>> -> memref<80xi32, #tpu.memory_space<hbm>>
    tpu.enqueue_dma source(%dma_start3A_261 : memref<80xi32, #tpu.memory_space<hbm>>) target(%arg13 : memref<80xi32, #tpu.memory_space<vmem>>) target_semaphore(%arg32 : memref<!tpu.dma_semaphore, #tpu.memory_space<semaphore_mem>>)
    %mul3A_262 = arith.constant 10000 : i32
    %mul3A_263 = arith.muli %add3A, %mul3A_262 : i32
    %add3A_264 = arith.constant 9840 : i32
    %add3A_265 = arith.addi %mul3A_263, %add3A_264 : i32
    %dma_wait3A_266 = tpu.memref_slice %arg2[%add3A_265] : memref<320000xi32, #tpu.memory_space<hbm>> -> memref<80xi32, #tpu.memory_space<hbm>>
    %dma_wait3A_267 = tpu.memref_slice %arg2[%add3A_265] : memref<320000xi32, #tpu.memory_space<hbm>> -> memref<80xi32, #tpu.memory_space<hbm>>
    tpu.wait_dma2 semaphore(%arg28 : memref<!tpu.dma_semaphore, #tpu.memory_space<semaphore_mem>>) src(%dma_wait3A_267 : memref<80xi32, #tpu.memory_space<hbm>>) dst(%arg9 : memref<80xi32, #tpu.memory_space<vmem>>)
    %dma_start3A_268 = arith.constant 0 : i32
    %dma_start3A_269 = arith.constant 0 : i32
    %dma_start3A_270 = tpu.memref_slice %arg4[%dma_start3A_268, %dma_start3A_269] : memref<10240x128xf32, #tpu.memory_space<hbm>> -> memref<10240x128xf32, #tpu.memory_space<hbm>>
    tpu.enqueue_indirect_dma source(%dma_start3A_270 : memref<10240x128xf32, #tpu.memory_space<hbm>>) target(%arg17 : memref<80x128xf32, #tpu.memory_space<vmem>>) offsets(%arg9 : memref<80xi32, #tpu.memory_space<vmem>>) semaphore(%arg22 : memref<!tpu.dma_semaphore, #tpu.memory_space<semaphore_mem>>)
    %dma_wait3A_271 = arith.constant 0 : i32
    %dma_wait3A_272 = arith.constant 0 : i32
    %dma_wait3A_273 = tpu.memref_slice %arg4[%dma_wait3A_271, %dma_wait3A_272] : memref<10240x128xf32, #tpu.memory_space<hbm>> -> memref<10240x128xf32, #tpu.memory_space<hbm>>
    tpu.wait_indirect_dma semaphore(%arg21 : memref<!tpu.dma_semaphore, #tpu.memory_space<semaphore_mem>>) src(%dma_wait3A_273 : memref<10240x128xf32, #tpu.memory_space<hbm>>) dst(%arg16 : memref<80x128xf32, #tpu.memory_space<vmem>>)
    %dma_wait3A_274 = arith.constant 0 : i32
    %dma_wait3A_275 = arith.constant 0 : i32
    %dma_wait3A_276 = tpu.memref_slice %arg18[%dma_wait3A_274, %dma_wait3A_275] : memref<10240x128xf32, #tpu.memory_space<vmem_shared>> -> memref<10240x128xf32, #tpu.memory_space<vmem_shared>>
    tpu.wait_indirect_dma semaphore(%arg23 : memref<!tpu.dma_semaphore, #tpu.memory_space<semaphore_mem>>) src(%arg14 : memref<80x128xf32, #tpu.memory_space<vmem>>) dst(%dma_wait3A_276 : memref<10240x128xf32, #tpu.memory_space<vmem_shared>>)
    %mul3A_277 = arith.constant 10000 : i32
    %mul3A_278 = arith.muli %add3A, %mul3A_277 : i32
    %add3A_279 = arith.constant 9760 : i32
    %add3A_280 = arith.addi %mul3A_278, %add3A_279 : i32
    %dma_wait3A_281 = tpu.memref_slice %arg3[%add3A_280] : memref<320000xi32, #tpu.memory_space<hbm>> -> memref<80xi32, #tpu.memory_space<hbm>>
    %dma_wait3A_282 = tpu.memref_slice %arg3[%add3A_280] : memref<320000xi32, #tpu.memory_space<hbm>> -> memref<80xi32, #tpu.memory_space<hbm>>
    tpu.wait_dma2 semaphore(%arg31 : memref<!tpu.dma_semaphore, #tpu.memory_space<semaphore_mem>>) src(%dma_wait3A_282 : memref<80xi32, #tpu.memory_space<hbm>>) dst(%arg12 : memref<80xi32, #tpu.memory_space<vmem>>)
    %dma_start3A_283 = arith.constant 0 : i32
    %dma_start3A_284 = arith.constant 0 : i32
    %dma_start3A_285 = tpu.memref_slice %arg18[%dma_start3A_283, %dma_start3A_284] : memref<10240x128xf32, #tpu.memory_space<vmem_shared>> -> memref<10240x128xf32, #tpu.memory_space<vmem_shared>>
    tpu.enqueue_indirect_dma source(%arg16 : memref<80x128xf32, #tpu.memory_space<vmem>>) target(%dma_start3A_285 : memref<10240x128xf32, #tpu.memory_space<vmem_shared>>) offsets(%arg12 : memref<80xi32, #tpu.memory_space<vmem>>) semaphore(%arg23 : memref<!tpu.dma_semaphore, #tpu.memory_space<semaphore_mem>>) {add = true}
    %mul3A_286 = arith.constant 10000 : i32
    %mul3A_287 = arith.muli %add3A, %mul3A_286 : i32
    %add3A_288 = arith.constant 9920 : i32
    %add3A_289 = arith.addi %mul3A_287, %add3A_288 : i32
    %dma_start3A_290 = tpu.memref_slice %arg3[%add3A_289] : memref<320000xi32, #tpu.memory_space<hbm>> -> memref<80xi32, #tpu.memory_space<hbm>>
    %dma_start3A_291 = tpu.memref_slice %arg3[%add3A_289] : memref<320000xi32, #tpu.memory_space<hbm>> -> memref<80xi32, #tpu.memory_space<hbm>>
    tpu.enqueue_dma source(%dma_start3A_291 : memref<80xi32, #tpu.memory_space<hbm>>) target(%arg10 : memref<80xi32, #tpu.memory_space<vmem>>) target_semaphore(%arg29 : memref<!tpu.dma_semaphore, #tpu.memory_space<semaphore_mem>>)
    %mul3A_292 = arith.constant 10000 : i32
    %mul3A_293 = arith.muli %add3A, %mul3A_292 : i32
    %add3A_294 = arith.constant 9920 : i32
    %add3A_295 = arith.addi %mul3A_293, %add3A_294 : i32
    %dma_wait3A_296 = tpu.memref_slice %arg2[%add3A_295] : memref<320000xi32, #tpu.memory_space<hbm>> -> memref<80xi32, #tpu.memory_space<hbm>>
    %dma_wait3A_297 = tpu.memref_slice %arg2[%add3A_295] : memref<320000xi32, #tpu.memory_space<hbm>> -> memref<80xi32, #tpu.memory_space<hbm>>
    tpu.wait_dma2 semaphore(%arg25 : memref<!tpu.dma_semaphore, #tpu.memory_space<semaphore_mem>>) src(%dma_wait3A_297 : memref<80xi32, #tpu.memory_space<hbm>>) dst(%arg6 : memref<80xi32, #tpu.memory_space<vmem>>)
    %dma_start3A_298 = arith.constant 0 : i32
    %dma_start3A_299 = arith.constant 0 : i32
    %dma_start3A_300 = tpu.memref_slice %arg4[%dma_start3A_298, %dma_start3A_299] : memref<10240x128xf32, #tpu.memory_space<hbm>> -> memref<10240x128xf32, #tpu.memory_space<hbm>>
    tpu.enqueue_indirect_dma source(%dma_start3A_300 : memref<10240x128xf32, #tpu.memory_space<hbm>>) target(%arg14 : memref<80x128xf32, #tpu.memory_space<vmem>>) offsets(%arg6 : memref<80xi32, #tpu.memory_space<vmem>>) semaphore(%arg19 : memref<!tpu.dma_semaphore, #tpu.memory_space<semaphore_mem>>)
    %dma_wait3A_301 = arith.constant 0 : i32
    %dma_wait3A_302 = arith.constant 0 : i32
    %dma_wait3A_303 = tpu.memref_slice %arg4[%dma_wait3A_301, %dma_wait3A_302] : memref<10240x128xf32, #tpu.memory_space<hbm>> -> memref<10240x128xf32, #tpu.memory_space<hbm>>
    tpu.wait_indirect_dma semaphore(%arg22 : memref<!tpu.dma_semaphore, #tpu.memory_space<semaphore_mem>>) src(%dma_wait3A_303 : memref<10240x128xf32, #tpu.memory_space<hbm>>) dst(%arg17 : memref<80x128xf32, #tpu.memory_space<vmem>>)
    %dma_wait3A_304 = arith.constant 0 : i32
    %dma_wait3A_305 = arith.constant 0 : i32
    %dma_wait3A_306 = tpu.memref_slice %arg18[%dma_wait3A_304, %dma_wait3A_305] : memref<10240x128xf32, #tpu.memory_space<vmem_shared>> -> memref<10240x128xf32, #tpu.memory_space<vmem_shared>>
    tpu.wait_indirect_dma semaphore(%arg24 : memref<!tpu.dma_semaphore, #tpu.memory_space<semaphore_mem>>) src(%arg14 : memref<80x128xf32, #tpu.memory_space<vmem>>) dst(%dma_wait3A_306 : memref<10240x128xf32, #tpu.memory_space<vmem_shared>>)
    %mul3A_307 = arith.constant 10000 : i32
    %mul3A_308 = arith.muli %add3A, %mul3A_307 : i32
    %add3A_309 = arith.constant 9840 : i32
    %add3A_310 = arith.addi %mul3A_308, %add3A_309 : i32
    %dma_wait3A_311 = tpu.memref_slice %arg3[%add3A_310] : memref<320000xi32, #tpu.memory_space<hbm>> -> memref<80xi32, #tpu.memory_space<hbm>>
    %dma_wait3A_312 = tpu.memref_slice %arg3[%add3A_310] : memref<320000xi32, #tpu.memory_space<hbm>> -> memref<80xi32, #tpu.memory_space<hbm>>
    tpu.wait_dma2 semaphore(%arg32 : memref<!tpu.dma_semaphore, #tpu.memory_space<semaphore_mem>>) src(%dma_wait3A_312 : memref<80xi32, #tpu.memory_space<hbm>>) dst(%arg13 : memref<80xi32, #tpu.memory_space<vmem>>)
    %dma_start3A_313 = arith.constant 0 : i32
    %dma_start3A_314 = arith.constant 0 : i32
    %dma_start3A_315 = tpu.memref_slice %arg18[%dma_start3A_313, %dma_start3A_314] : memref<10240x128xf32, #tpu.memory_space<vmem_shared>> -> memref<10240x128xf32, #tpu.memory_space<vmem_shared>>
    tpu.enqueue_indirect_dma source(%arg17 : memref<80x128xf32, #tpu.memory_space<vmem>>) target(%dma_start3A_315 : memref<10240x128xf32, #tpu.memory_space<vmem_shared>>) offsets(%arg13 : memref<80xi32, #tpu.memory_space<vmem>>) semaphore(%arg24 : memref<!tpu.dma_semaphore, #tpu.memory_space<semaphore_mem>>) {add = true}
    %dma_wait3A_316 = arith.constant 0 : i32
    %dma_wait3A_317 = arith.constant 0 : i32
    %dma_wait3A_318 = tpu.memref_slice %arg4[%dma_wait3A_316, %dma_wait3A_317] : memref<10240x128xf32, #tpu.memory_space<hbm>> -> memref<10240x128xf32, #tpu.memory_space<hbm>>
    tpu.wait_indirect_dma semaphore(%arg19 : memref<!tpu.dma_semaphore, #tpu.memory_space<semaphore_mem>>) src(%dma_wait3A_318 : memref<10240x128xf32, #tpu.memory_space<hbm>>) dst(%arg14 : memref<80x128xf32, #tpu.memory_space<vmem>>)
    %dma_wait3A_319 = arith.constant 0 : i32
    %dma_wait3A_320 = arith.constant 0 : i32
    %dma_wait3A_321 = tpu.memref_slice %arg18[%dma_wait3A_319, %dma_wait3A_320] : memref<10240x128xf32, #tpu.memory_space<vmem_shared>> -> memref<10240x128xf32, #tpu.memory_space<vmem_shared>>
    tpu.wait_indirect_dma semaphore(%arg23 : memref<!tpu.dma_semaphore, #tpu.memory_space<semaphore_mem>>) src(%arg14 : memref<80x128xf32, #tpu.memory_space<vmem>>) dst(%dma_wait3A_321 : memref<10240x128xf32, #tpu.memory_space<vmem_shared>>)
    %mul3A_322 = arith.constant 10000 : i32
    %mul3A_323 = arith.muli %add3A, %mul3A_322 : i32
    %add3A_324 = arith.constant 9920 : i32
    %add3A_325 = arith.addi %mul3A_323, %add3A_324 : i32
    %dma_wait3A_326 = tpu.memref_slice %arg3[%add3A_325] : memref<320000xi32, #tpu.memory_space<hbm>> -> memref<80xi32, #tpu.memory_space<hbm>>
    %dma_wait3A_327 = tpu.memref_slice %arg3[%add3A_325] : memref<320000xi32, #tpu.memory_space<hbm>> -> memref<80xi32, #tpu.memory_space<hbm>>
    tpu.wait_dma2 semaphore(%arg29 : memref<!tpu.dma_semaphore, #tpu.memory_space<semaphore_mem>>) src(%dma_wait3A_327 : memref<80xi32, #tpu.memory_space<hbm>>) dst(%arg10 : memref<80xi32, #tpu.memory_space<vmem>>)
    %dma_start3A_328 = arith.constant 0 : i32
    %dma_start3A_329 = arith.constant 0 : i32
    %dma_start3A_330 = tpu.memref_slice %arg18[%dma_start3A_328, %dma_start3A_329] : memref<10240x128xf32, #tpu.memory_space<vmem_shared>> -> memref<10240x128xf32, #tpu.memory_space<vmem_shared>>
    tpu.enqueue_indirect_dma source(%arg14 : memref<80x128xf32, #tpu.memory_space<vmem>>) target(%dma_start3A_330 : memref<10240x128xf32, #tpu.memory_space<vmem_shared>>) offsets(%arg10 : memref<80xi32, #tpu.memory_space<vmem>>) semaphore(%arg23 : memref<!tpu.dma_semaphore, #tpu.memory_space<semaphore_mem>>) {add = true}
    %dma_wait3A_331 = arith.constant 0 : i32
    %dma_wait3A_332 = arith.constant 0 : i32
    %dma_wait3A_333 = tpu.memref_slice %arg18[%dma_wait3A_331, %dma_wait3A_332] : memref<10240x128xf32, #tpu.memory_space<vmem_shared>> -> memref<10240x128xf32, #tpu.memory_space<vmem_shared>>
    tpu.wait_indirect_dma semaphore(%arg24 : memref<!tpu.dma_semaphore, #tpu.memory_space<semaphore_mem>>) src(%arg14 : memref<80x128xf32, #tpu.memory_space<vmem>>) dst(%dma_wait3A_333 : memref<10240x128xf32, #tpu.memory_space<vmem_shared>>)
    %dma_wait3A_334 = arith.constant 0 : i32
    %dma_wait3A_335 = arith.constant 0 : i32
    %dma_wait3A_336 = tpu.memref_slice %arg18[%dma_wait3A_334, %dma_wait3A_335] : memref<10240x128xf32, #tpu.memory_space<vmem_shared>> -> memref<10240x128xf32, #tpu.memory_space<vmem_shared>>
    tpu.wait_indirect_dma semaphore(%arg23 : memref<!tpu.dma_semaphore, #tpu.memory_space<semaphore_mem>>) src(%arg14 : memref<80x128xf32, #tpu.memory_space<vmem>>) dst(%dma_wait3A_336 : memref<10240x128xf32, #tpu.memory_space<vmem_shared>>)
    %barrier3A_337 = arith.constant 0 : index
    tpu.barrier barrier_id(%barrier3A_337)
    "tpu.region"() ({
      %run_scoped3A = tpu.sem_alloc : memref<!tpu.dma_semaphore, #tpu.memory_space<semaphore_mem>>
      %dma_start3A_338 = arith.constant 0 : i32
      %dma_start3A_339 = tpu.memref_slice %arg5[%arg0, %mul3A_2, %dma_start3A_338] : memref<2x10240x128xf32, #tpu.memory_space<hbm>> -> memref<1x640x128xf32, #tpu.memory_space<hbm>>
      %dma_start3A_340 = tpu.memref_squeeze %dma_start3A_339 : memref<1x640x128xf32, #tpu.memory_space<hbm>> -> memref<640x128xf32, #tpu.memory_space<hbm>>
      %dma_start3A_341 = arith.constant 0 : i32
      %dma_start3A_342 = tpu.memref_slice %arg18[%mul3A_2, %dma_start3A_341] : memref<10240x128xf32, #tpu.memory_space<vmem_shared>> -> memref<640x128xf32, #tpu.memory_space<vmem_shared>>
      tpu.enqueue_dma source(%dma_start3A_342 : memref<640x128xf32, #tpu.memory_space<vmem_shared>>) target(%dma_start3A_340 : memref<640x128xf32, #tpu.memory_space<hbm>>) target_semaphore(%run_scoped3A : memref<!tpu.dma_semaphore, #tpu.memory_space<semaphore_mem>>)
      %dma_wait3A_343 = arith.constant 0 : i32
      %dma_wait3A_344 = tpu.memref_slice %arg5[%arg0, %mul3A_2, %dma_wait3A_343] : memref<2x10240x128xf32, #tpu.memory_space<hbm>> -> memref<1x640x128xf32, #tpu.memory_space<hbm>>
      %dma_wait3A_345 = tpu.memref_squeeze %dma_wait3A_344 : memref<1x640x128xf32, #tpu.memory_space<hbm>> -> memref<640x128xf32, #tpu.memory_space<hbm>>
      %dma_wait3A_346 = arith.constant 0 : i32
      %dma_wait3A_347 = tpu.memref_slice %arg18[%mul3A_2, %dma_wait3A_346] : memref<10240x128xf32, #tpu.memory_space<vmem_shared>> -> memref<640x128xf32, #tpu.memory_space<vmem_shared>>
      tpu.wait_dma2 semaphore(%run_scoped3A : memref<!tpu.dma_semaphore, #tpu.memory_space<semaphore_mem>>) src(%dma_wait3A_347 : memref<640x128xf32, #tpu.memory_space<vmem_shared>>) dst(%dma_wait3A_345 : memref<640x128xf32, #tpu.memory_space<hbm>>)
      tpu.yield
    }) : () -> ()
    return
  }
}

module attributes {stable_mosaic.version = 14 : i64} {
  func.func @_tc_y_body(%arg0: i32, %arg1: memref<512x128xf32, #tpu.memory_space<vmem>>, %arg2: memref<128x128xf32, #tpu.memory_space<vmem>>, %arg3: memref<2x512xf32, #tpu.memory_space<vmem>>, %arg4: memref<512x128xf32, #tpu.memory_space<vmem>>) attributes {dimension_semantics = [#tpu.dimension_semantics<arbitrary>], iteration_bounds = array<i64: 20>, scalar_prefetch = 0 : i64, scratch_operands = 0 : i64, tpu.core_type = #tpu.core_type<tc>, window_params = [{transform_indices = @transform_0, window_bounds = array<i64: 512, 128>}, {pipeline_mode = #tpu.pipeline_mode<synchronous>, transform_indices = @transform_1, window_bounds = array<i64: 128, 128>}, {transform_indices = @transform_2, window_bounds = array<i64: 2, 512>}, {transform_indices = @transform_3, window_bounds = array<i64: 512, 128>}]} {
    %get3A = arith.constant 0 : index
    %get3A_0 = arith.constant 0 : index
    %get3A_1 = vector.load %arg3[%get3A, %get3A_0] : memref<2x512xf32, #tpu.memory_space<vmem>>, vector<1x512xf32>
    %get3A_2 = vector.shape_cast %get3A_1 : vector<1x512xf32> to vector<512xf32>
    %get3A_3 = arith.constant 1 : index
    %get3A_4 = arith.constant 0 : index
    %get3A_5 = vector.load %arg3[%get3A_3, %get3A_4] : memref<2x512xf32, #tpu.memory_space<vmem>>, vector<1x512xf32>
    %get3A_6 = vector.shape_cast %get3A_5 : vector<1x512xf32> to vector<512xf32>
    %add3A = arith.addf %get3A_2, %get3A_6 : vector<512xf32>
    %add3A_7 = arith.constant 1.000000e+00 : f32
    %add3A_8 = vector.broadcast %add3A_7 : f32 to vector<512xf32>
    %add3A_9 = arith.addf %add3A, %add3A_8 : vector<512xf32>
    %rsqrt3A = math.rsqrt %add3A_9 : vector<512xf32>
    %get3A_10 = arith.constant 0 : index
    %get3A_11 = arith.constant 0 : index
    %get3A_12 = vector.load %arg1[%get3A_10, %get3A_11] : memref<512x128xf32, #tpu.memory_space<vmem>>, vector<512x128xf32>
    %get3A_13 = arith.constant 0 : index
    %get3A_14 = arith.constant 0 : index
    %get3A_15 = vector.load %arg2[%get3A_13, %get3A_14] : memref<128x128xf32, #tpu.memory_space<vmem>>, vector<128x128xf32>
    %dot_general3A = arith.constant dense<0.000000e+00> : vector<512x128xf32>
    %dot_general3A_16 = tpu.matmul %get3A_12, %get3A_15, %dot_general3A {dimension_numbers = #tpu.dot_dimension_numbers<[1], [0], [0], [1], [0, 0, 1, 1], [], []>, transpose_lhs_hint = false} : vector<512x128xf32>, vector<128x128xf32>, vector<512x128xf32> -> vector<512x128xf32>
    %broadcast_in_dim3A = vector.shape_cast %rsqrt3A : vector<512xf32> to vector<512x1xf32>
    %mul3A = vector.broadcast %broadcast_in_dim3A : vector<512x1xf32> to vector<512x128xf32>
    %mul3A_17 = arith.mulf %dot_general3A_16, %mul3A : vector<512x128xf32>
    %swap3A = arith.constant 0 : index
    %swap3A_18 = arith.constant 0 : index
    %swap3A_19 = vector.load %arg4[%swap3A, %swap3A_18] : memref<512x128xf32, #tpu.memory_space<vmem>>, vector<512x128xf32>
    tpu.vector_store %arg4[%swap3A, %swap3A_18], %mul3A_17 {strides = array<i32>} : memref<512x128xf32, #tpu.memory_space<vmem>>, vector<512x128xf32>,
    return
  }
  func.func @transform_0(%arg0: i32) -> (i32, i32) {
    %c0_i32 = arith.constant 0 : i32
    %c0_i32_0 = arith.constant 0 : i32
    return %arg0, %c0_i32 : i32, i32
  }
  func.func @transform_1(%arg0: i32) -> (i32, i32) {
    %c0_i32 = arith.constant 0 : i32
    %c0_i32_0 = arith.constant 0 : i32
    %c0_i32_1 = arith.constant 0 : i32
    return %c0_i32, %c0_i32_0 : i32, i32
  }
  func.func @transform_2(%arg0: i32) -> (i32, i32) {
    %c0_i32 = arith.constant 0 : i32
    %c0_i32_0 = arith.constant 0 : i32
    return %c0_i32, %arg0 : i32, i32
  }
  func.func @transform_3(%arg0: i32) -> (i32, i32) {
    %c0_i32 = arith.constant 0 : i32
    %c0_i32_0 = arith.constant 0 : i32
    return %arg0, %c0_i32 : i32, i32
  }
}

module attributes {stable_mosaic.version = 14 : i64} {
  func.func @_tc_fin_body(%arg0: i32, %arg1: memref<2x512x128xf32, #tpu.memory_space<vmem>>, %arg2: memref<2x512xf32, #tpu.memory_space<vmem>>, %arg3: memref<512x1xi32, #tpu.memory_space<vmem>>, %arg4: memref<1x128xf32, #tpu.memory_space<vmem>>, %arg5: memref<128x2xf32, #tpu.memory_space<vmem>>, %arg6: memref<1x2xf32, #tpu.memory_space<vmem>>, %arg7: memref<128x2xf32, #tpu.memory_space<vmem>>, %arg8: memref<128x128xf32, #tpu.memory_space<vmem>>) attributes {dimension_semantics = [#tpu.dimension_semantics<arbitrary>], iteration_bounds = array<i64: 20>, scalar_prefetch = 0 : i64, scratch_operands = 1 : i64, tpu.core_type = #tpu.core_type<tc>, window_params = [{transform_indices = @transform_0, window_bounds = array<i64: 2, 512, 128>}, {transform_indices = @transform_1, window_bounds = array<i64: 2, 512>}, {transform_indices = @transform_2, window_bounds = array<i64: 512, 1>}, {pipeline_mode = #tpu.pipeline_mode<synchronous>, transform_indices = @transform_3, window_bounds = array<i64: 1, 128>}, {pipeline_mode = #tpu.pipeline_mode<synchronous>, transform_indices = @transform_4, window_bounds = array<i64: 128, 2>}, {pipeline_mode = #tpu.pipeline_mode<synchronous>, transform_indices = @transform_5, window_bounds = array<i64: 1, 2>}, {pipeline_mode = #tpu.pipeline_mode<synchronous>, transform_indices = @transform_6, window_bounds = array<i64: 128, 2>}]} {
    %eq3A = arith.constant 0 : i32
    %eq3A_0 = arith.cmpi eq, %arg0, %eq3A : i32
    %convert_element_type3A = arith.extui %eq3A_0 : i1 to i32
    %cond3A = arith.constant 0 : i32
    %cond3A_1 = arith.cmpi ne, %convert_element_type3A, %cond3A : i32
    scf.if %cond3A_1 {
      %broadcast_in_dim3A_68 = arith.constant 0xFF800000 : f32
      %broadcast_in_dim3A_69 = vector.broadcast %broadcast_in_dim3A_68 : f32 to vector<128x128xf32>
      %swap3A = arith.constant 0 : index
      %swap3A_70 = arith.constant 0 : index
      %swap3A_71 = vector.load %arg8[%swap3A, %swap3A_70] : memref<128x128xf32, #tpu.memory_space<vmem>>, vector<128x128xf32>
      tpu.vector_store %arg8[%swap3A, %swap3A_70], %broadcast_in_dim3A_69 {strides = array<i32>} : memref<128x128xf32, #tpu.memory_space<vmem>>, vector<128x128xf32>,
    } else {
    }
    %get3A = arith.constant 0 : index
    %get3A_2 = arith.constant 0 : index
    %get3A_3 = vector.load %arg2[%get3A, %get3A_2] : memref<2x512xf32, #tpu.memory_space<vmem>>, vector<1x512xf32>
    %get3A_4 = vector.shape_cast %get3A_3 : vector<1x512xf32> to vector<512xf32>
    %get3A_5 = arith.constant 1 : index
    %get3A_6 = arith.constant 0 : index
    %get3A_7 = vector.load %arg2[%get3A_5, %get3A_6] : memref<2x512xf32, #tpu.memory_space<vmem>>, vector<1x512xf32>
    %get3A_8 = vector.shape_cast %get3A_7 : vector<1x512xf32> to vector<512xf32>
    %add3A = arith.addf %get3A_4, %get3A_8 : vector<512xf32>
    %add3A_9 = arith.constant 1.000000e+00 : f32
    %add3A_10 = vector.broadcast %add3A_9 : f32 to vector<512xf32>
    %add3A_11 = arith.addf %add3A, %add3A_10 : vector<512xf32>
    %rsqrt3A = math.rsqrt %add3A_11 : vector<512xf32>
    %get3A_12 = arith.constant 0 : index
    %get3A_13 = arith.constant 0 : index
    %get3A_14 = arith.constant 0 : index
    %get3A_15 = vector.load %arg1[%get3A_12, %get3A_13, %get3A_14] : memref<2x512x128xf32, #tpu.memory_space<vmem>>, vector<1x512x128xf32>
    %get3A_16 = vector.shape_cast %get3A_15 : vector<1x512x128xf32> to vector<512x128xf32>
    %get3A_17 = arith.constant 1 : index
    %get3A_18 = arith.constant 0 : index
    %get3A_19 = arith.constant 0 : index
    %get3A_20 = vector.load %arg1[%get3A_17, %get3A_18, %get3A_19] : memref<2x512x128xf32, #tpu.memory_space<vmem>>, vector<1x512x128xf32>
    %get3A_21 = vector.shape_cast %get3A_20 : vector<1x512x128xf32> to vector<512x128xf32>
    %add3A_22 = arith.addf %get3A_16, %get3A_21 : vector<512x128xf32>
    %broadcast_in_dim3A = vector.shape_cast %rsqrt3A : vector<512xf32> to vector<512x1xf32>
    %mul3A = vector.broadcast %broadcast_in_dim3A : vector<512x1xf32> to vector<512x128xf32>
    %mul3A_23 = arith.mulf %add3A_22, %mul3A : vector<512x128xf32>
    %get3A_24 = arith.constant 0 : index
    %get3A_25 = arith.constant 0 : index
    %get3A_26 = vector.load %arg4[%get3A_24, %get3A_25] : memref<1x128xf32, #tpu.memory_space<vmem>>, vector<1x128xf32>
    %add3A_27 = vector.broadcast %get3A_26 : vector<1x128xf32> to vector<512x128xf32>
    %add3A_28 = arith.addf %mul3A_23, %add3A_27 : vector<512x128xf32>
    %max3A = arith.constant 0.000000e+00 : f32
    %max3A_29 = vector.broadcast %max3A : f32 to vector<512x128xf32>
    %max3A_30 = arith.maximumf %add3A_28, %max3A_29 : vector<512x128xf32>
    %mul3A_31 = arith.constant 512 : i32
    %mul3A_32 = arith.muli %arg0, %mul3A_31 : i32
    %iota3A = tpu.iota {dimensions = array<i32: 0>} : vector<512x1xi32>
    %add3A_33 = vector.broadcast %mul3A_32 : i32 to vector<512x1xi32>
    %add3A_34 = arith.addi %add3A_33, %iota3A : vector<512x1xi32>
    %lt3A = arith.constant 10000 : i32
    %lt3A_35 = vector.broadcast %lt3A : i32 to vector<512x1xi32>
    %lt3A_36 = arith.cmpi slt, %add3A_34, %lt3A_35 : vector<512x1xi32>
    %jit3A = arith.constant 0xFF800000 : f32
    %broadcast_in_dim3A_37 = vector.shape_cast %lt3A_36 : vector<512x1xi1> to vector<512x1xi1>
    %broadcast_in_dim3A_38 = vector.broadcast %broadcast_in_dim3A_37 : vector<512x1xi1> to vector<512x128xi1>
    %broadcast_in_dim3A_39 = vector.broadcast %jit3A : f32 to vector<512x128xf32>
    %select_n3A = arith.select %broadcast_in_dim3A_38, %max3A_30, %broadcast_in_dim3A_39 : vector<512x128xi1>, vector<512x128xf32>
    %get3A_40 = arith.constant 0 : index
    %get3A_41 = arith.constant 0 : index
    %get3A_42 = vector.load %arg3[%get3A_40, %get3A_41] : memref<512x1xi32, #tpu.memory_space<vmem>>, vector<512x1xi32>
    %reduce_min3A = vector.shape_cast %get3A_42 : vector<512x1xi32> to vector<1x512x1xi32>
    %reduce_min3A_43 = arith.constant dense<2147483647> : vector<1xi32>
    %reduce_min3A_44 = vector.multi_reduction <minsi>, %reduce_min3A, %reduce_min3A_43 [1, 2] : vector<1x512x1xi32> to vector<1xi32>
    %reduce_min3A_45 = vector.shape_cast %reduce_min3A_44 : vector<1xi32> to vector<1x1x1xi32>
    %reduce_min3A_46 = vector.extract %reduce_min3A_45[0, 0, 0] : i32 from vector<1x1x1xi32>
    %reduce_max3A = vector.shape_cast %get3A_42 : vector<512x1xi32> to vector<1x512x1xi32>
    %reduce_max3A_47 = arith.constant dense<-2147483648> : vector<1xi32>
    %reduce_max3A_48 = vector.multi_reduction <maxsi>, %reduce_max3A, %reduce_max3A_47 [1, 2] : vector<1x512x1xi32> to vector<1xi32>
    %reduce_max3A_49 = vector.shape_cast %reduce_max3A_48 : vector<1xi32> to vector<1x1x1xi32>
    %reduce_max3A_50 = vector.extract %reduce_max3A_49[0, 0, 0] : i32 from vector<1x1x1xi32>
    %add3A_51 = arith.constant 1 : i32
    %add3A_52 = arith.addi %reduce_max3A_50, %add3A_51 : i32
    %while3A = arith.constant 0 : i32
    %while3A_53 = arith.subi %add3A_52, %reduce_min3A_46 : i32
    %while3A_54 = arith.addi %reduce_min3A_46, %while3A_53 : i32
    %while3A_55 = arith.constant 1 : i32
    %while3A_56 = arith.divsi %while3A_53, %while3A_55 : i32
    %while3A_57 = arith.muli %while3A_56, %while3A_55 : i32
    %while3A_58 = arith.addi %reduce_min3A_46, %while3A_57 : i32
    %while3A_59 = arith.constant 1 : i32
    %while3A_60 = scf.for %while3A_68 = %reduce_min3A_46 to %while3A_58 step %while3A_59 iter_args(%while3A_69 = %while3A) -> (i32)  : i32 {
      %eq3A_70 = vector.broadcast %while3A_68 : i32 to vector<512x1xi32>
      %eq3A_71 = arith.cmpi eq, %get3A_42, %eq3A_70 : vector<512x1xi32>
      %jit3A_72 = arith.constant 0xFF800000 : f32
      %broadcast_in_dim3A_73 = vector.shape_cast %eq3A_71 : vector<512x1xi1> to vector<512x1xi1>
      %broadcast_in_dim3A_74 = vector.broadcast %broadcast_in_dim3A_73 : vector<512x1xi1> to vector<512x128xi1>
      %broadcast_in_dim3A_75 = vector.broadcast %jit3A_72 : f32 to vector<512x128xf32>
      %select_n3A_76 = arith.select %broadcast_in_dim3A_74, %select_n3A, %broadcast_in_dim3A_75 : vector<512x128xi1>, vector<512x128xf32>
      %reduce_max3A_77 = arith.constant dense<0xFF800000> : vector<128xf32>
      %reduce_max3A_78 = vector.multi_reduction <maximumf>, %select_n3A_76, %reduce_max3A_77 [0] : vector<512x128xf32> to vector<128xf32>
      %broadcast_in_dim3A_79 = vector.shape_cast %reduce_max3A_78 : vector<128xf32> to vector<1x128xf32>
      %get3A_80 = arith.index_cast %while3A_68 : i32 to index
      %get3A_81 = arith.constant 0 : index
      %get3A_82 = vector.load %arg8[%get3A_80, %get3A_81] : memref<128x128xf32, #tpu.memory_space<vmem>>, vector<1x128xf32>
      %max3A_83 = arith.maximumf %get3A_82, %broadcast_in_dim3A_79 : vector<1x128xf32>
      %swap3A = arith.index_cast %while3A_68 : i32 to index
      %swap3A_84 = arith.constant 0 : index
      %swap3A_85 = vector.load %arg8[%swap3A, %swap3A_84] : memref<128x128xf32, #tpu.memory_space<vmem>>, vector<1x128xf32>
      tpu.vector_store %arg8[%swap3A, %swap3A_84], %max3A_83 {strides = array<i32>} : memref<128x128xf32, #tpu.memory_space<vmem>>, vector<1x128xf32>,
      %while3A_86 = arith.constant 0 : i32
      scf.yield %while3A_86 : i32
    }
    %while3A_61 = arith.constant 1 : i32
    %while3A_62 = scf.for %while3A_68 = %while3A_58 to %while3A_54 step %while3A_61 iter_args(%while3A_69 = %while3A_60) -> (i32)  : i32 {
      %eq3A_70 = vector.broadcast %while3A_68 : i32 to vector<512x1xi32>
      %eq3A_71 = arith.cmpi eq, %get3A_42, %eq3A_70 : vector<512x1xi32>
      %jit3A_72 = arith.constant 0xFF800000 : f32
      %broadcast_in_dim3A_73 = vector.shape_cast %eq3A_71 : vector<512x1xi1> to vector<512x1xi1>
      %broadcast_in_dim3A_74 = vector.broadcast %broadcast_in_dim3A_73 : vector<512x1xi1> to vector<512x128xi1>
      %broadcast_in_dim3A_75 = vector.broadcast %jit3A_72 : f32 to vector<512x128xf32>
      %select_n3A_76 = arith.select %broadcast_in_dim3A_74, %select_n3A, %broadcast_in_dim3A_75 : vector<512x128xi1>, vector<512x128xf32>
      %reduce_max3A_77 = arith.constant dense<0xFF800000> : vector<128xf32>
      %reduce_max3A_78 = vector.multi_reduction <maximumf>, %select_n3A_76, %reduce_max3A_77 [0] : vector<512x128xf32> to vector<128xf32>
      %broadcast_in_dim3A_79 = vector.shape_cast %reduce_max3A_78 : vector<128xf32> to vector<1x128xf32>
      %get3A_80 = arith.index_cast %while3A_68 : i32 to index
      %get3A_81 = arith.constant 0 : index
      %get3A_82 = vector.load %arg8[%get3A_80, %get3A_81] : memref<128x128xf32, #tpu.memory_space<vmem>>, vector<1x128xf32>
      %max3A_83 = arith.maximumf %get3A_82, %broadcast_in_dim3A_79 : vector<1x128xf32>
      %swap3A = arith.index_cast %while3A_68 : i32 to index
      %swap3A_84 = arith.constant 0 : index
      %swap3A_85 = vector.load %arg8[%swap3A, %swap3A_84] : memref<128x128xf32, #tpu.memory_space<vmem>>, vector<1x128xf32>
      tpu.vector_store %arg8[%swap3A, %swap3A_84], %max3A_83 {strides = array<i32>} : memref<128x128xf32, #tpu.memory_space<vmem>>, vector<1x128xf32>,
      %while3A_86 = arith.constant 0 : i32
      scf.yield %while3A_86 : i32
    }
    %eq3A_63 = arith.constant 19 : i32
    %eq3A_64 = arith.cmpi eq, %arg0, %eq3A_63 : i32
    %convert_element_type3A_65 = arith.extui %eq3A_64 : i1 to i32
    %cond3A_66 = arith.constant 0 : i32
    %cond3A_67 = arith.cmpi ne, %convert_element_type3A_65, %cond3A_66 : i32
    scf.if %cond3A_67 {
      %get3A_68 = arith.constant 0 : index
      %get3A_69 = arith.constant 0 : index
      %get3A_70 = vector.load %arg8[%get3A_68, %get3A_69] : memref<128x128xf32, #tpu.memory_space<vmem>>, vector<128x128xf32>
      %get3A_71 = arith.constant 0 : index
      %get3A_72 = arith.constant 0 : index
      %get3A_73 = vector.load %arg5[%get3A_71, %get3A_72] : memref<128x2xf32, #tpu.memory_space<vmem>>, vector<128x2xf32>
      %dot_general3A = arith.constant dense<0.000000e+00> : vector<128x2xf32>
      %dot_general3A_74 = tpu.matmul %get3A_70, %get3A_73, %dot_general3A {dimension_numbers = #tpu.dot_dimension_numbers<[1], [0], [0], [1], [0, 0, 1, 1], [], []>, transpose_lhs_hint = false} : vector<128x128xf32>, vector<128x2xf32>, vector<128x2xf32> -> vector<128x2xf32>
      %get3A_75 = arith.constant 0 : index
      %get3A_76 = arith.constant 0 : index
      %get3A_77 = vector.load %arg6[%get3A_75, %get3A_76] : memref<1x2xf32, #tpu.memory_space<vmem>>, vector<1x2xf32>
      %add3A_78 = vector.broadcast %get3A_77 : vector<1x2xf32> to vector<128x2xf32>
      %add3A_79 = arith.addf %dot_general3A_74, %add3A_78 : vector<128x2xf32>
      %reduce_max3A_80 = arith.constant dense<0xFF800000> : vector<128xf32>
      %reduce_max3A_81 = vector.multi_reduction <maximumf>, %add3A_79, %reduce_max3A_80 [1] : vector<128x2xf32> to vector<128xf32>
      %broadcast_in_dim3A_82 = vector.shape_cast %reduce_max3A_81 : vector<128xf32> to vector<128x1xf32>
      %sub3A = vector.broadcast %broadcast_in_dim3A_82 : vector<128x1xf32> to vector<128x2xf32>
      %sub3A_83 = arith.subf %add3A_79, %sub3A : vector<128x2xf32>
      %exp3A = math.exp %sub3A_83 : vector<128x2xf32>
      %reduce_sum3A = arith.constant dense<0.000000e+00> : vector<128xf32>
      %reduce_sum3A_84 = vector.multi_reduction <add>, %exp3A, %reduce_sum3A [1] : vector<128x2xf32> to vector<128xf32>
      %broadcast_in_dim3A_85 = vector.shape_cast %reduce_sum3A_84 : vector<128xf32> to vector<128x1xf32>
      %log3A = math.log %broadcast_in_dim3A_85 : vector<128x1xf32>
      %add3A_86 = arith.addf %broadcast_in_dim3A_82, %log3A : vector<128x1xf32>
      %sub3A_87 = vector.broadcast %add3A_86 : vector<128x1xf32> to vector<128x2xf32>
      %sub3A_88 = arith.subf %add3A_79, %sub3A_87 : vector<128x2xf32>
      %swap3A = arith.constant 0 : index
      %swap3A_89 = arith.constant 0 : index
      %swap3A_90 = vector.load %arg7[%swap3A, %swap3A_89] : memref<128x2xf32, #tpu.memory_space<vmem>>, vector<128x2xf32>
      tpu.vector_store %arg7[%swap3A, %swap3A_89], %sub3A_88 {strides = array<i32>} : memref<128x2xf32, #tpu.memory_space<vmem>>, vector<128x2xf32>,
    } else {
    }
    return
  }
  func.func @transform_0(%arg0: i32) -> (i32, i32, i32) {
    %c0_i32 = arith.constant 0 : i32
    %c0_i32_0 = arith.constant 0 : i32
    %c0_i32_1 = arith.constant 0 : i32
    return %c0_i32, %arg0, %c0_i32_0 : i32, i32, i32
  }
  func.func @transform_1(%arg0: i32) -> (i32, i32) {
    %c0_i32 = arith.constant 0 : i32
    %c0_i32_0 = arith.constant 0 : i32
    return %c0_i32, %arg0 : i32, i32
  }
  func.func @transform_2(%arg0: i32) -> (i32, i32) {
    %c0_i32 = arith.constant 0 : i32
    %c0_i32_0 = arith.constant 0 : i32
    return %arg0, %c0_i32 : i32, i32
  }
  func.func @transform_3(%arg0: i32) -> (i32, i32) {
    %c0_i32 = arith.constant 0 : i32
    %c0_i32_0 = arith.constant 0 : i32
    %c0_i32_1 = arith.constant 0 : i32
    return %c0_i32, %c0_i32_0 : i32, i32
  }
  func.func @transform_4(%arg0: i32) -> (i32, i32) {
    %c0_i32 = arith.constant 0 : i32
    %c0_i32_0 = arith.constant 0 : i32
    %c0_i32_1 = arith.constant 0 : i32
    return %c0_i32, %c0_i32_0 : i32, i32
  }
  func.func @transform_5(%arg0: i32) -> (i32, i32) {
    %c0_i32 = arith.constant 0 : i32
    %c0_i32_0 = arith.constant 0 : i32
    %c0_i32_1 = arith.constant 0 : i32
    return %c0_i32, %c0_i32_0 : i32, i32
  }
  func.func @transform_6(%arg0: i32) -> (i32, i32) {
    %c0_i32 = arith.constant 0 : i32
    %c0_i32_0 = arith.constant 0 : i32
    %c0_i32_1 = arith.constant 0 : i32
    return %c0_i32, %c0_i32_0 : i32, i32
  }
}

</mosaic_0001>

<sc_bundles>
// kernel: kernel.6.cloned.1.call-start
scs
__scs_entry_jumppad:
0x0: {  	(pc) =	sbr.rel $0x88, $3  }
0x1: {  	(tag) =	ssettag $0x0;
	lr =	simm.s32 $0x1  }
0x2: {  	[smem:$0x3F9A] =	sst lr;
	_ =	strace $0xD0000000  }
0x3: {  	_ = 	snop  }
0x4: {  	_ = 	snop  }
0x5: {  	_ = 	snop  }
0x6: {  	_ = 	snop  }
0x7: {  	_ = 	snop  }
__scs_overlays_trampoline_lowered:
0x8: {  	[smem:$0x3FA9] =	sst s0  }
0x9: {  	[smem:$0x3FAA] =	sst s1  }
0xa: {  	[smem:$0x3FAB] =	sst s2  }
0xb: {  	[smem:$0x3FAC] =	sst s3  }
0xc: {  	[smem:$0x3FAD] =	sst s4  }
0xd: {  	[smem:$0x3FAE] =	sst s5  }
0xe: {  	[smem:$0x3FAF] =	sst s6  }
0xf: {  	[smem:$0x3FB0] =	sst s7  }
0x10: {  	[smem:$0x3FB1] =	sst s8  }
0x11: {  	[smem:$0x3FB2] =	sst s9;
	s0 =	simm.s32 @!p0 $0x0  }
0x12: {  	s1 =	sld [smem:$0x3F98];
	s0 =	simm.s32 @p0 $0x1  }
0x13: {  	[smem:$0x3FB3] =	sst s0;
	s0 =	simm.s32 @!p1 $0x0  }
0x14: {  	s2 =	sld [smem:$0x3F97];
	s0 =	simm.s32 @p1 $0x1  }
0x15: {  	[smem:$0x3FB4] =	sst s0;
	s0 =	simm.s32 @!p2 $0x0  }
0x16: {  	s3 =	sld [smem:$0x3FDB];
	s0 =	simm.s32 @p2 $0x1  }
0x17: {  	s4 =	simm.s32 $0x1BF5;
	[smem:$0x3FB6] =	sst s0  }
0x18: {  	s0 =	sld [smem:$0x3F99];
	_ =	swait.ge [sflag:s4], $0x0  }
0x19: {  	s7 =	sld [smem:$0x3F9A]  }
0x1a: {  	s8 =	sadd.s32 $0xFFFFE003, lr  }
0x1b: {  	s9 =	sadd.s32 $0xFFFFFEF7, lr;
	s5 =	simm.s32 $0xFFFFFFFF;
	p2 =	slt.u32 s8, $0xFFFFF086  }
0x1c: {  	p1 =	slt.u32 s9, $0xF7A;
	s5 =	simm.s32 @!p2 $0x0  }
0x1d: {  	s5 =	simm.s32 @p1 $0x1;
	p0 =	seq.s32 s7, s2  }
0x1e: {  	s7 =	smul.u32 @!p0 $0xF7A, s2;
	p2 =	seq.s32 @!p0 s5, $0x0  }
0x1f: {  	s9 =	smul.u32 $0xF7A, s1;
	s8 =	simm.s32 @!p0 $0x1BF5;
	p2 =	por !p2, p0  }
0x20: {  	[sflag:s8] =	ssyncset.s32 @!p0 $0xFFFFF086;
	s6 =	sadd.s32 @!p0 s3, s7;
	s7 =	simm.s32 @!p0 $0x108  }
0x21: {  	s3 =	sadd.s32 s3, s9;
	s6 =	sadd.s32 @!p0 $0x88, s6;
	s7 =	simm.s32 @p2 $0x1082  }
0x22: {  	[simem:s7], [sflag:s8] =	dma.local @!p0 [hbm:s6], $0xF7A  }
0x23: {  	s9 =	sor.u32 $0xD0000000, s2;
	s6 =	simm.s32 $0x108;
	_ =	swait.ge @!p0 [sflag:s8], $0x0  }
0x24: {  	s3 =	sadd.s32 $0x88, s3;
	s6 =	simm.s32 @!p1 $0x1082;
	[sflag:s4] =	ssyncset.s32 $0xFFFFF086  }
0x25: {  	[simem:s6], [sflag:s4] =	dma.local [hbm:s3], $0xF7A  }
0x26: {  	[smem:$0x3F9A] =	sst s1;
	(tag) =	ssettag s2;
	_ =	strace s9  }
0x27: {  	s1 =	sld [smem:$0x3FAA]  }
0x28: {  	s2 =	sld [smem:$0x3FAB]  }
0x29: {  	s4 =	sld [smem:$0x3FAD]  }
0x2a: {  	p0 =	seq.s32 s5, $0x0;
	s5 =	sld [smem:$0x3FAE]  }
0x2b: {  	s6 =	sld [smem:$0x3FAF]  }
0x2c: {  	s7 =	sld [smem:$0x3FB0]  }
0x2d: {  	s3 =	simm.s32 $0x108;
	s8 =	sld [smem:$0x3FB1]  }
0x2e: {  	s3 =	simm.s32 @!p0 $0x1082;
	s9 =	sld [smem:$0x3FB2]  }
0x2f: {  	lr =	sadd.s32 s0, s3;
	s0 =	sld [smem:$0x3FA9]  }
0x30: {  	s3 =	sld [smem:$0x3FAC]  }
0x31: {  	[smem:$0x3FB5] =	sst s10  }
0x32: {  	s10 =	sld [smem:$0x3FB3];
	_ =	sdelay $0x3  }
0x33: {  	p0 =	seq.s32 s10, $0x1;
	s10 =	sld [smem:$0x3FB5];
	_ =	sdelay $0x3  }
0x34: {  	[smem:$0x3FB5] =	sst s10  }
0x35: {  	s10 =	sld [smem:$0x3FB4];
	_ =	sdelay $0x3  }
0x36: {  	p1 =	seq.s32 s10, $0x1;
	s10 =	sld [smem:$0x3FB5];
	_ =	sdelay $0x3  }
0x37: {  	[smem:$0x3FB5] =	sst s10  }
0x38: {  	s10 =	sld [smem:$0x3FB6]  }
0x39: {  	_ = 	snop;
	(pc) =	sbr.ind lr, $3  }
0x3a: {  	_ = 	snop  }
0x3b: {  	_ = 	snop  }
0x3c: {  	p2 =	seq.s32 s10, $0x1;
	s10 =	sld [smem:$0x3FB5]  }
0x3d: {  	_ =	shalt  }
0x3e: {  	_ =	shalt  }
0x3f: {  	_ =	shalt  }
0x40: {  	_ =	shalt  }
0x41: {  	_ =	shalt  }
0x42: {  	_ =	shalt  }
0x43: {  	_ =	shalt  }
0x44: {  	_ =	shalt  }
0x45: {  	_ =	shalt  }
0x46: {  	_ =	shalt  }
0x47: {  	_ =	shalt  }
0x48: {  	_ =	shalt  }
0x49: {  	_ =	shalt  }
0x4a: {  	_ =	shalt  }
0x4b: {  	_ =	shalt  }
0x4c: {  	_ =	shalt  }
0x4d: {  	_ =	shalt  }
0x4e: {  	_ =	shalt  }
0x4f: {  	_ =	shalt  }
0x50: {  	_ =	shalt  }
0x51: {  	_ =	shalt  }
0x52: {  	_ =	shalt  }
0x53: {  	_ =	shalt  }
0x54: {  	_ =	shalt  }
0x55: {  	_ =	shalt  }
0x56: {  	_ =	shalt  }
0x57: {  	_ =	shalt  }
0x58: {  	_ =	shalt  }
0x59: {  	_ =	shalt  }
0x5a: {  	_ =	shalt  }
0x5b: {  	_ =	shalt  }
0x5c: {  	_ =	shalt  }
0x5d: {  	_ =	shalt  }
0x5e: {  	_ =	shalt  }
0x5f: {  	_ =	shalt  }
0x60: {  	_ =	shalt  }
0x61: {  	_ =	shalt  }
0x62: {  	_ =	shalt  }
0x63: {  	_ =	shalt  }
0x64: {  	_ =	shalt  }
0x65: {  	_ =	shalt  }
0x66: {  	_ =	shalt  }
0x67: {  	_ =	shalt  }
0x68: {  	_ =	shalt  }
0x69: {  	_ =	shalt  }
0x6a: {  	_ =	shalt  }
0x6b: {  	_ =	shalt  }
0x6c: {  	_ =	shalt  }
0x6d: {  	_ =	shalt  }
0x6e: {  	_ =	shalt  }
0x6f: {  	_ =	shalt  }
0x70: {  	_ =	shalt  }
0x71: {  	_ =	shalt  }
0x72: {  	_ =	shalt  }
0x73: {  	_ =	shalt  }
0x74: {  	_ =	shalt  }
0x75: {  	_ =	shalt  }
0x76: {  	_ =	shalt  }
0x77: {  	_ =	shalt  }
0x78: {  	_ =	shalt  }
0x79: {  	_ =	shalt  }
0x7a: {  	_ =	shalt  }
0x7b: {  	_ =	shalt  }
0x7c: {  	_ =	shalt  }
0x7d: {  	_ =	shalt  }
0x7e: {  	_ =	shalt  }
0x7f: {  	_ =	shalt  }
0x80: {  	_ =	shalt  }
0x81: {  	_ =	shalt  }
0x82: {  	_ =	shalt  }
0x83: {  	_ =	shalt  }
0x84: {  	_ =	shalt  }
0x85: {  	_ =	shalt  }
0x86: {  	_ =	shalt  }
0x87: {  	_ =	shalt  }
.Lfunc_end0:
.L_simem_size_0:
called_computation_lowered:
.L_overlay_start_0:
0x88: {  	s2 =	sld [smem:$0x3FD9]  }
0x89: {  	s3 =	sld [smem:$0x3FFE];
	_ =	sdelay $0x1  }
0x8a: {  	s1 =	srdreg.scid  }
0x8b: {  	s0 =	sand.u32 $0x1, s1  }
0x8c: {  	s16 =	sshll.u32 s0, $0xA;
	s2 =	sadd.s32 s3, s2  }
0x8d: {  	s2 =	sadd.s32 s2, s16  }
0x8e: {  	[smem:$0x3FC1] =	sst s2  }
0x8f: {  	_ = 	snop  }
0x90: {  	(tm) =	ssettm $0x1  }
0x91: {  	s17 =	sld [smem:$0x3FFB];
	_ =	sdelay $0x3  }
0x92: {  	_ =	strace s17  }
0x93: {  	s2 =	sld [smem:$0x3FFC];
	_ =	sdelay $0x3  }
0x94: {  	_ =	strace s2  }
0x95: {  	s2 =	sld [smem:$0x3FFD];
	_ =	sdelay $0x3  }
0x96: {  	_ =	strace s2  }
0x97: {  	_ =	strace $0x8FFFFFFF  }
0x98: {  	s18 =	sld [smem:$0x3FDB];
	_ =	sdelay $0x1  }
0x99: {  	s19 =	simm.s32 $_scs_section_size  }
0x9a: {  	s4 =	simm.s32 $_size__tile_overlayer_lowered;
	s5 =	simm.s32 $_tile_overlayer_lowered  }
0x9b: {  	s22 =	simm.s32 $0x1BFF;
	s21 =	sshll.u32 s5, $0x1;
	s2 =	sadd.s32 s19, s18  }
0x9c: {  	s6 =	simm.s32 $0x0;
	s20 =	sshll.u32 s4, $0x1;
	s4 =	sadd.s32 s21, s2  }
0x9d: {  	[timem:s6], [sflag:s22] =	dma.local [hbm:s4], s20  }
0x9e: {  	_ =	swait.ge [sflag:s22], s20  }
0x9f: {  	s3 =	ssub.s32 $0x0, s20;
	[sflag:s22] =	ssyncset.done $0x0  }
0xa0: {  	[sflag:s22] =	ssyncadd.s32 s3;
	_ =	sdelay $0x1  }
0xa1: {  	s23 =	simm.s32 $0x1B8B  }
0xa2: {  	_ =	swait.ge [sflag:s23], $0x1  }
0xa3: {  	[sflag:s23] =	ssyncset.done $0x0  }
0xa4: {  	s25 =	simm.s32 $0x1B8E;
	s24 =	sld [smem:$0x3FFE];
	[sflag:s23] =	ssyncadd.s32 $0xFFFFFFFF  }
0xa5: {  	s26 =	simm.s32 $execute0_lowered;
	[smem:$0x3FD2] =	sst s25  }
0xa6: {  	s4 =	sshll.u32 s26, $0x1;
	_ =	strace $0x80000046;
	[dreg:$0x1] =	wrdreg $0xFFFFFFFF  }
0xa7: {  	s28 =	simm.s32 $_size_execute0_lowered;
	s2 =	sadd.s32 s2, s4;
	[dreg:$0x0] =	wrdreg $0x0  }
0xa8: {  	s4 =	sshll.u32 s28, $0x1;
	[dreg:$0x2] =	wrdreg s2  }
0xa9: {  	[dreg:$0x3] =	wrdreg s4  }
0xaa: {  	[dreg:$0x4] =	wrdreg $0xC0  }
0xab: {  	_ =	task [dreg:s6], $0x5FFFF  }
0xac: {  	[dreg:$0x1] =	wrdreg $0xFFFFFFFF  }
0xad: {  	[dreg:$0x0] =	wrdreg $0x60  }
0xae: {  	[dreg:$0x2] =	wrdreg s24  }
0xaf: {  	[dreg:$0x3] =	wrdreg $0x5000  }
0xb0: {  	[dreg:$0x4] =	wrdreg $0x9  }
0xb1: {  	_ =	task.clear_ibuf [dreg:s6], $0x5FFFF;
	_ =	strace $0x90000046  }
0xb2: {  	s29 =	simm.s32 $0x9;
	_ =	strace $0x80000048  }
0xb3: {  	_ =	swait.ge [sflag:s29], $0x1  }
0xb4: {  	[sflag:s29] =	ssyncadd.s32 $0xFFFFFFFF  }
0xb5: {  	_ =	strace $0x90000048  }
0xb6: {  	_ =	sfence  }
0xb7: {  	s30 =	sld [smem:$0x0];
	_ =	sdelay $0x2  }
0xb8: {  	s31 =	sshll.u32 s1, $0xD;
	s1 =	sshrl.u32 s1, $0x2  }
0xb9: {  	s3 =	sand.u32 $0x4000, s31;
	s1 =	sadd.s32 s1, s30  }
0xba: {  	s0 =	sor.u32 s3, s0;
	s1 =	sshll.u32 s1, $0x11  }
0xbb: {  	s0 =	sor.u32 s1, s0  }
0xbc: {  	s0 =	sadd.s32 $0x8F2B, s0  }
0xbd: {  	[sflag:s0] =	ssyncadd.remote.s32 $0x1  }
0xbe: {  	_ =	sfence.sel $0xFFFF  }
0xbf: {  	[dreg:$0x0] =	wrdreg $0xFFFFFFFF;
	(pc) =	sbr.abs _section_cstart, $3  }
0xc0: {  	[dreg:$0x1] =	wrdreg $0xFFFFFFFF  }
0xc1: {  	_ =	task.clear_ibuf [dreg:s6], $0x2FFFF;
	_ =	strace $0x9FFFFFFF  }
0xc2: {  	(tm) =	ssettm $0x7FFFFFFF  }
0xc3: {  	_ =	shalt  }
tec
execute0_lowered:
.L_overlay_start_1:
0x0: {  	(tag) =	ssettag $0x1  }
0x1: {  	s0 =	rddreg [dreg:$0x0]  }
0x2: {  	s2 =	rddreg [dreg:$0x1]  }
0x3: {  	s1 =	srdreg.scid;
	s9 =	stileid.u32  }
0x4: {  	s3 =	simm.s32 $0x0;
	s17 =	simm.s32 $0x80;
	s18 =	simm.s32 $0x100  }
0x5: {  	s19 =	simm.s32 $0x180;
	s28 =	simm.s32 $0x3;
	s29 =	simm.s32 $0x6  }
0x6: {  	s30 =	simm.s32 $0x4;
	s1 =	sand.u32 $0x1, s1;
	s4 =	smul.u32 $0x500, s9  }
0x7: {  	s6 =	sshll.u32 s9, $0x1;
	[smem:$0x7FF] =	sst s3;
	s8 =	smul.u32 $0xA00, s9  }
0x8: {  	s13 =	smul.u32 $0x4E20, s9;
	s5 =	sshll.u32 s1, $0x7;
	s21 =	sor.u32 s1, s6  }
0x9: {  	_ =	strace $0x80000047;
	s23 =	ssub.s32 $0x2, s1;
	s1 =	smul.u32 $0x2710, s1  }
0xa: {  	s4 =	sor.u32 s5, s4;
	s5 =	smul.u32 $0x2710, s21;
	s7 =	sshrl.u32 s23, $0x1  }
0xb: {  	s25 =	sshrl.u32 s8, $0x2;
	s21 =	simm.s32 $0x7;
	s22 =	sshrl.u32 s4, $0x3  }
0xc: {  	s4 =	sadd.s32 $0x1800, s0;
	s12 =	ssub.s32 s23, s7;
	s9 =	sadd.s32 s25, s2  }
0xd: {  	s26 =	sadd.s32 s1, s13;
	s23 =	simm.s32 $0x50;
	s25 =	simm.s32 $0x2  }
0xe: {  	s0 =	sadd.s32 s22, s0;
	s5 =	sshrl.u32 s5, $0x3;
	s12 =	smax.u32 s12, $0x1  }
0xf: {  	s1 =	sadd.s32 $0x230, s26;
	s13 =	sadd.s32 $0x1E0, s26;
	s15 =	sadd.s32 $0x190, s26  }
0x10: {  	s16 =	sadd.s32 $0x140, s26;
	s22 =	simm.s32 $0x1;
	s26 =	simm.s32 $0x5  }
0x11: {  	s5 =	sadd.s32 s4, s5;
	s11 =	sadd.s32 $0x15400, s0;
	s1 =	sshrl.u32 s1, $0x3  }
0x12: {  	s14 =	sshrl.u32 s13, $0x3;
	s31 =	sshrl.u32 s15, $0x3;
	s24 =	sadd.s32 $0xA, s5  }
0x13: {  	s7 =	sadd.s32 $0x14, s5;
	s8 =	sadd.s32 $0x1E, s5;
	s10 =	sadd.s32 $0x4D8, s5  }
0x14: {  	s13 =	sadd.s32 s1, s4;
	s14 =	sadd.s32 s14, s4;
	s15 =	sadd.s32 s31, s4  }
0x15: {  	v0 =	vimm.f32 $0.0e+00;
	v1 =	vimm.f32 $1.000000000e+00;
	s1 =	simm.s32 $0x0;
	[dreg:$0x3] =	wrdreg s24;
	s24 =	simm.s32 $0x200  }
.LBB2_1:
0x16: {  	[tilespmem:s3], [sflag:$0x1] =	stream.linear.gather [hbm4b:s5+s3], $0x50, $0x38;
	[tilespmem:$0x780] =	vst v63  }
0x17: {  	s0 =	rddreg [dreg:$0x3]  }
0x18: {  	[tilespmem:s17], [sflag:$0x2] =	stream.linear.gather [hbm4b:s0+s3], $0x50, $0x38;
	[tilespmem:$0x780] =	vst v63  }
0x19: {  	_ = 	snop  }
0x1a: {  	[tilespmem:s18], [sflag:$0x3] =	stream.linear.gather [hbm4b:s7+s3], $0x50, $0x38;
	[tilespmem:$0x780] =	vst v63  }
0x1b: {  	_ = 	snop  }
0x1c: {  	[tilespmem:s19], [sflag:$0x4] =	stream.linear.gather [hbm4b:s8+s3], $0x50, $0x38;
	[tilespmem:$0x780] =	vst v63  }
0x1d: {  	[tilespmem:$0x280] =	vst v0  }
0x1e: {  	[tilespmem:$0x290] =	vst v0  }
0x1f: {  	[tilespmem:$0x2A0] =	vst v0  }
0x20: {  	[tilespmem:$0x2B0] =	vst v0  }
0x21: {  	[tilespmem:$0x2C0] =	vst v0  }
0x22: {  	[tilespmem:$0x2D0] =	vst v0  }
0x23: {  	[tilespmem:$0x2E0] =	vst v0  }
0x24: {  	[tilespmem:$0x2F0] =	vst v0  }
0x25: {  	[tilespmem:$0x300] =	vst v0  }
0x26: {  	[tilespmem:$0x310] =	vst v0  }
0x27: {  	[tilespmem:$0x320] =	vst v0  }
0x28: {  	[tilespmem:$0x330] =	vst v0  }
0x29: {  	[tilespmem:$0x340] =	vst v0  }
0x2a: {  	[tilespmem:$0x350] =	vst v0  }
0x2b: {  	[tilespmem:$0x360] =	vst v0  }
0x2c: {  	[tilespmem:$0x370] =	vst v0  }
0x2d: {  	[tilespmem:$0x380] =	vst v0  }
0x2e: {  	[tilespmem:$0x390] =	vst v0  }
0x2f: {  	[tilespmem:$0x3A0] =	vst v0  }
0x30: {  	[tilespmem:$0x3B0] =	vst v0  }
0x31: {  	[tilespmem:$0x3C0] =	vst v0  }
0x32: {  	[tilespmem:$0x3D0] =	vst v0  }
0x33: {  	[tilespmem:$0x3E0] =	vst v0  }
0x34: {  	[tilespmem:$0x3F0] =	vst v0  }
0x35: {  	[tilespmem:$0x400] =	vst v0  }
0x36: {  	[tilespmem:$0x410] =	vst v0  }
0x37: {  	[tilespmem:$0x420] =	vst v0  }
0x38: {  	[tilespmem:$0x430] =	vst v0  }
0x39: {  	[tilespmem:$0x440] =	vst v0  }
0x3a: {  	[tilespmem:$0x450] =	vst v0  }
0x3b: {  	[tilespmem:$0x460] =	vst v0  }
0x3c: {  	[tilespmem:$0x470] =	vst v0  }
0x3d: {  	[tilespmem:$0x480] =	vst v0  }
0x3e: {  	[tilespmem:$0x490] =	vst v0  }
0x3f: {  	[tilespmem:$0x4A0] =	vst v0  }
0x40: {  	[tilespmem:$0x4B0] =	vst v0  }
0x41: {  	[tilespmem:$0x4C0] =	vst v0  }
0x42: {  	[tilespmem:$0x4D0] =	vst v0  }
0x43: {  	[tilespmem:$0x4E0] =	vst v0  }
0x44: {  	s20 =	simm.s32 $0x280;
	[tilespmem:$0x4F0] =	vst v0  }
0x45: {  	[spmem:s9] =	stream.linear.scatter [tilespmem:s20], [sflag:$0x7], $0x280, $0x38;
	[tilespmem:$0x780] =	vst v63  }
0x46: {  	_ =	swait.ge [sflag:s21], $0x280  }
0x47: {  	[sflag:s21] =	ssyncset.done $0x0  }
0x48: {  	[sflag:s21] =	ssyncadd.s32 $0xFFFFFD80  }
0x49: {  	[tilespmem:$0x200] =	vst v1  }
0x4a: {  	[tilespmem:$0x210] =	vst v1  }
0x4b: {  	[tilespmem:$0x220] =	vst v1  }
0x4c: {  	[tilespmem:$0x230] =	vst v1  }
0x4d: {  	[tilespmem:$0x240] =	vst v1  }
0x4e: {  	[bflag:$0x0] =	sbarrier.arrive $0xFFFF  }
0x4f: {  	_ =	swait.ge [sflag:s22], $0x50  }
0x50: {  	[sflag:s22] =	ssyncset.done $0x0  }
0x51: {  	[sflag:s22] =	ssyncadd.s32 $0xFFFFFFB0  }
0x52: {  	[spmem:s2] =	stream.indirect.scatter.add.f32 [tilespmem:s24], [sflag:$0x5], $0x1, s3, s23, $0xb8;
	[tilespmem:$0x780] =	vst v63  }
0x53: {  	_ =	swait.ge [sflag:s25], $0x50  }
0x54: {  	[sflag:s25] =	ssyncset.done $0x0  }
0x55: {  	[sflag:s25] =	ssyncadd.s32 $0xFFFFFFB0  }
0x56: {  	[spmem:s2] =	stream.indirect.scatter.add.f32 [tilespmem:s24], [sflag:$0x6], $0x1, s17, s23, $0xb8;
	[tilespmem:$0x780] =	vst v63  }
0x57: {  	_ =	swait.ge [sflag:s26], $0x50  }
0x58: {  	s20 =	sshrl.u32 s16, $0x3;
	[sflag:s26] =	ssyncset.done $0x0  }
0x59: {  	s20 =	sadd.s32 s4, s20;
	[sflag:s26] =	ssyncadd.s32 $0xFFFFFFB0  }
0x5a: {  	[tilespmem:s3], [sflag:$0x1] =	stream.linear.gather [hbm4b:s20+s3], $0x50, $0x38;
	[tilespmem:$0x780] =	vst v63  }
0x5b: {  	_ =	swait.ge [sflag:s28], $0x50  }
0x5c: {  	[sflag:s28] =	ssyncset.done $0x0  }
0x5d: {  	[sflag:s28] =	ssyncadd.s32 $0xFFFFFFB0  }
0x5e: {  	[spmem:s2] =	stream.indirect.scatter.add.f32 [tilespmem:s24], [sflag:$0x5], $0x1, s18, s23, $0xb8;
	[tilespmem:$0x780] =	vst v63  }
0x5f: {  	_ =	swait.ge [sflag:s29], $0x50  }
0x60: {  	[sflag:s29] =	ssyncset.done $0x0  }
0x61: {  	s6 =	sadd.s32 $0x0, s15;
	[sflag:s29] =	ssyncadd.s32 $0xFFFFFFB0  }
0x62: {  	[tilespmem:s17], [sflag:$0x2] =	stream.linear.gather [hbm4b:s6+s3], $0x50, $0x38;
	[tilespmem:$0x780] =	vst v63  }
0x63: {  	_ =	swait.ge [sflag:s30], $0x50  }
0x64: {  	[sflag:s30] =	ssyncset.done $0x0  }
0x65: {  	[sflag:s30] =	ssyncadd.s32 $0xFFFFFFB0  }
0x66: {  	[spmem:s2] =	stream.indirect.scatter.add.f32 [tilespmem:s24], [sflag:$0x6], $0x1, s19, s23, $0xb8;
	[tilespmem:$0x780] =	vst v63  }
0x67: {  	_ =	swait.ge [sflag:s26], $0x50  }
0x68: {  	[sflag:s26] =	ssyncset.done $0x0  }
0x69: {  	s0 =	sadd.s32 $0x0, s14;
	[sflag:s26] =	ssyncadd.s32 $0xFFFFFFB0  }
0x6a: {  	[tilespmem:s18], [sflag:$0x3] =	stream.linear.gather [hbm4b:s0+s3], $0x50, $0x38;
	[tilespmem:$0x780] =	vst v63  }
0x6b: {  	_ =	swait.ge [sflag:s22], $0x50  }
0x6c: {  	[sflag:s22] =	ssyncset.done $0x0  }
0x6d: {  	[sflag:s22] =	ssyncadd.s32 $0xFFFFFFB0  }
0x6e: {  	[spmem:s2] =	stream.indirect.scatter.add.f32 [tilespmem:s24], [sflag:$0x5], $0x1, s3, s23, $0xb8;
	[tilespmem:$0x780] =	vst v63  }
0x6f: {  	_ =	swait.ge [sflag:s29], $0x50  }
0x70: {  	[sflag:s29] =	ssyncset.done $0x0  }
0x71: {  	s6 =	sadd.s32 $0x0, s13;
	[sflag:s29] =	ssyncadd.s32 $0xFFFFFFB0  }
0x72: {  	[tilespmem:s19], [sflag:$0x4] =	stream.linear.gather [hbm4b:s6+s3], $0x50, $0x38;
	[tilespmem:$0x780] =	vst v63  }
0x73: {  	_ =	swait.ge [sflag:s25], $0x50  }
0x74: {  	[sflag:s25] =	ssyncset.done $0x0  }
0x75: {  	s31 =	sadd.s32 $0x140, s16;
	s20 =	simm.s32 $0x28;
	[sflag:s25] =	ssyncadd.s32 $0xFFFFFFB0  }
.LBB2_2:
0x76: {  	[spmem:s2] =	stream.indirect.scatter.add.f32 [tilespmem:s24], [sflag:$0x6], $0x1, s17, s23, $0xb8;
	[tilespmem:$0x780] =	vst v63  }
0x77: {  	s0 =	smov.u32 s20  }
0x78: {  	p0 =	sne.s32 s20, $0x488;
	s20 =	sadd.s32 $0x28, s20;
	_ =	swait.ge [sflag:s26], $0x50  }
0x79: {  	s6 =	sshrl.u32 s31, $0x3;
	[sflag:s26] =	ssyncset.done $0x0  }
0x7a: {  	s6 =	sadd.s32 s4, s6;
	[sflag:s26] =	ssyncadd.s32 $0xFFFFFFB0  }
0x7b: {  	[tilespmem:s3], [sflag:$0x1] =	stream.linear.gather [hbm4b:s6+s3], $0x50, $0x38;
	[tilespmem:$0x780] =	vst v63  }
0x7c: {  	_ =	swait.ge [sflag:s28], $0x50  }
0x7d: {  	[sflag:s28] =	ssyncset.done $0x0  }
0x7e: {  	[sflag:s28] =	ssyncadd.s32 $0xFFFFFFB0  }
0x7f: {  	[spmem:s2] =	stream.indirect.scatter.add.f32 [tilespmem:s24], [sflag:$0x5], $0x1, s18, s23, $0xb8;
	[tilespmem:$0x780] =	vst v63  }
0x80: {  	_ =	swait.ge [sflag:s29], $0x50  }
0x81: {  	[sflag:s29] =	ssyncset.done $0x0  }
0x82: {  	s6 =	sadd.s32 s0, s15;
	[sflag:s29] =	ssyncadd.s32 $0xFFFFFFB0  }
0x83: {  	[tilespmem:s17], [sflag:$0x2] =	stream.linear.gather [hbm4b:s6+s3], $0x50, $0x38;
	[tilespmem:$0x780] =	vst v63  }
0x84: {  	_ =	swait.ge [sflag:s30], $0x50  }
0x85: {  	[sflag:s30] =	ssyncset.done $0x0  }
0x86: {  	[sflag:s30] =	ssyncadd.s32 $0xFFFFFFB0  }
0x87: {  	[spmem:s2] =	stream.indirect.scatter.add.f32 [tilespmem:s24], [sflag:$0x6], $0x1, s19, s23, $0xb8;
	[tilespmem:$0x780] =	vst v63  }
0x88: {  	_ =	swait.ge [sflag:s26], $0x50  }
0x89: {  	[sflag:s26] =	ssyncset.done $0x0  }
0x8a: {  	s6 =	sadd.s32 s0, s14;
	[sflag:s26] =	ssyncadd.s32 $0xFFFFFFB0  }
0x8b: {  	[tilespmem:s18], [sflag:$0x3] =	stream.linear.gather [hbm4b:s6+s3], $0x50, $0x38;
	[tilespmem:$0x780] =	vst v63  }
0x8c: {  	_ =	swait.ge [sflag:s22], $0x50  }
0x8d: {  	[sflag:s22] =	ssyncset.done $0x0  }
0x8e: {  	[sflag:s22] =	ssyncadd.s32 $0xFFFFFFB0  }
0x8f: {  	[spmem:s2] =	stream.indirect.scatter.add.f32 [tilespmem:s24], [sflag:$0x5], $0x1, s3, s23, $0xb8;
	[tilespmem:$0x780] =	vst v63  }
0x90: {  	_ =	swait.ge [sflag:s29], $0x50  }
0x91: {  	[sflag:s29] =	ssyncset.done $0x0  }
.Ltmp0:
0x92: {  	s0 =	sadd.s32 s0, s13;
	[sflag:s29] =	ssyncadd.s32 $0xFFFFFFB0;
	(pc) =	sbr.rel @p0 .LBB2_2-.Ltmp0, $4  }
0x93: {  	[tilespmem:s19], [sflag:$0x4] =	stream.linear.gather [hbm4b:s0+s3], $0x50, $0x38;
	[tilespmem:$0x780] =	vst v63  }
0x94: {  	_ =	swait.ge [sflag:s25], $0x50  }
0x95: {  	[sflag:s25] =	ssyncset.done $0x0  }
0x96: {  	s31 =	sadd.s32 $0x140, s31;
	[sflag:s25] =	ssyncadd.s32 $0xFFFFFFB0  }
0x97: {  	[spmem:s2] =	stream.indirect.scatter.add.f32 [tilespmem:s24], [sflag:$0x6], $0x1, s17, s23, $0xb8;
	[tilespmem:$0x780] =	vst v63  }
0x98: {  	_ =	swait.ge [sflag:s26], $0x50  }
0x99: {  	[sflag:s26] =	ssyncset.done $0x0  }
0x9a: {  	[sflag:s26] =	ssyncadd.s32 $0xFFFFFFB0  }
0x9b: {  	[tilespmem:s3], [sflag:$0x1] =	stream.linear.gather [hbm4b:s10+s3], $0x50, $0x38;
	[tilespmem:$0x780] =	vst v63  }
0x9c: {  	_ =	swait.ge [sflag:s28], $0x50  }
0x9d: {  	[sflag:s28] =	ssyncset.done $0x0  }
0x9e: {  	[sflag:s28] =	ssyncadd.s32 $0xFFFFFFB0  }
0x9f: {  	[spmem:s2] =	stream.indirect.scatter.add.f32 [tilespmem:s24], [sflag:$0x5], $0x1, s18, s23, $0xb8;
	[tilespmem:$0x780] =	vst v63  }
0xa0: {  	_ =	swait.ge [sflag:s29], $0x50  }
0xa1: {  	[sflag:s29] =	ssyncset.done $0x0  }
0xa2: {  	[sflag:s29] =	ssyncadd.s32 $0xFFFFFFB0  }
0xa3: {  	_ =	swait.ge [sflag:s30], $0x50  }
0xa4: {  	[sflag:s30] =	ssyncset.done $0x0  }
0xa5: {  	[sflag:s30] =	ssyncadd.s32 $0xFFFFFFB0  }
0xa6: {  	[spmem:s2] =	stream.indirect.scatter.add.f32 [tilespmem:s24], [sflag:$0x6], $0x1, s19, s23, $0xb8;
	[tilespmem:$0x780] =	vst v63  }
0xa7: {  	_ =	swait.ge [sflag:s26], $0x50  }
0xa8: {  	[sflag:s26] =	ssyncset.done $0x0  }
0xa9: {  	[sflag:s26] =	ssyncadd.s32 $0xFFFFFFB0  }
0xaa: {  	_ =	swait.ge [sflag:s22], $0x50  }
0xab: {  	[sflag:s22] =	ssyncset.done $0x0  }
0xac: {  	[sflag:s22] =	ssyncadd.s32 $0xFFFFFFB0  }
0xad: {  	[spmem:s2] =	stream.indirect.scatter.add.f32 [tilespmem:s24], [sflag:$0x5], $0x1, s3, s23, $0xb8;
	[tilespmem:$0x780] =	vst v63  }
0xae: {  	_ =	swait.ge [sflag:s29], $0x50  }
0xaf: {  	[sflag:s29] =	ssyncset.done $0x0  }
0xb0: {  	s0 =	stileid.u32;
	[sflag:s29] =	ssyncadd.s32 $0xFFFFFFB0  }
0xb1: {  	s6 =	sshrl.u32 s9, $0x3;
	s20 =	simm.s32 $0x20;
	_ =	swait.ge [sflag:s26], $0x50  }
0xb2: {  	s31 =	simm.s32 $0x10;
	s1 =	sadd.s32 $0x1, s1;
	[sflag:s26] =	ssyncset.done $0x0  }
0xb3: {  	s0 =	sshll.u32 s0, $0x6;
	p0 =	sne.s32 s1, s12;
	[sflag:s26] =	ssyncadd.s32 $0xFFFFFFB0  }
.Ltmp1:
0xb4: {  	s0 =	sor.u32 $0x1C07, s0;
	[bflag:$0x0] =	sbarrier.arrive $0xFFFF;
	(pc) =	sbr.rel @p0 .LBB2_1-.Ltmp1, $4  }
0xb5: {  	[hbm:s11@s20], [sflag:s0] =	dma.strided [spmem:s6@s31], $0x50, s22, $0x10   }
0xb6: {  	_ =	swait.ge [sflag:s21], $0x50  }
0xb7: {  	[sflag:s21] =	ssyncset.done $0x0  }
0xb8: {  	[sflag:s21] =	ssyncadd.s32 $0xFFFFFFB0  }
0xb9: {  	_ =	sfence.sel $0x180000  }
0xba: {  	[bflag:$0x0] =	sbarrier.arrive $0xFFFF  }
0xbb: {  	_ =	strace $0x90000047  }
0xbc: {  	s0 =	stileid.u32;
	[bflag:$0x2] =	sbarrier.arrive $0xFFFF  }
0xbd: {  	p0 =	sne.s32 s0, $0x0;
	s0 =	rddreg [dreg:$0x2]  }
0xbe: {  	s0 =	sadd.s32 @!p0 $0x100000, s0  }
0xbf: {  	[sflag:s0] =	ssyncadd.tile.s32 @!p0 $0x1;
	_ =	shalt  }
.Lfunc_end2:
_tile_overlayer_lowered:
.L_overlay_start_2:
0xc0: {  	(tag) =	ssettag $0x2  }
0xc1: {  	s0 =	rddreg [dreg:$0x0];
	s2 =	stileid.u32  }
0xc2: {  	s1 =	rddreg [dreg:$0x1];
	p0 =	sne.s32 s2, $0x0  }
0xc3: {  	s3 =	rddreg [dreg:$0x2];
	[bflag:$0x3] =	sbarrier.arrive $0xFFFF;
	s2 =	simm.s32 @!p0 $0x1C07  }
0xc4: {  	[timem:s3], [sflag:s2] =	dma.local @!p0 [hbm:s0], s1  }
0xc5: {  	s0 =	simm.s32 @!p0 $0x7  }
0xc6: {  	_ =	swait.ge @!p0 [sflag:s0], s1  }
0xc7: {  	s1 =	ssub.s32 @!p0 $0x0, s1;
	[sflag:s0] =	ssyncset.done @!p0 $0x0  }
0xc8: {  	[sflag:s0] =	ssyncadd.s32 @!p0 s1  }
0xc9: {  	[bflag:$0x3] =	sbarrier.arrive $0xFFFF  }
0xca: {  	_ =	shalt  }

// kernel: kernel.9.cloned.1.call-start
scs
__scs_entry_jumppad:
0x0: {  	(pc) =	sbr.rel $0x88, $3  }
0x1: {  	(tag) =	ssettag $0x0;
	lr =	simm.s32 $0x1  }
0x2: {  	[smem:$0x3F9A] =	sst lr;
	_ =	strace $0xD0000000  }
0x3: {  	_ = 	snop  }
0x4: {  	_ = 	snop  }
0x5: {  	_ = 	snop  }
0x6: {  	_ = 	snop  }
0x7: {  	_ = 	snop  }
__scs_overlays_trampoline_lowered:
0x8: {  	[smem:$0x3FA9] =	sst s0  }
0x9: {  	[smem:$0x3FAA] =	sst s1  }
0xa: {  	[smem:$0x3FAB] =	sst s2  }
0xb: {  	[smem:$0x3FAC] =	sst s3  }
0xc: {  	[smem:$0x3FAD] =	sst s4  }
0xd: {  	[smem:$0x3FAE] =	sst s5  }
0xe: {  	[smem:$0x3FAF] =	sst s6  }
0xf: {  	[smem:$0x3FB0] =	sst s7  }
0x10: {  	[smem:$0x3FB1] =	sst s8  }
0x11: {  	[smem:$0x3FB2] =	sst s9;
	s0 =	simm.s32 @!p0 $0x0  }
0x12: {  	s1 =	sld [smem:$0x3F98];
	s0 =	simm.s32 @p0 $0x1  }
0x13: {  	[smem:$0x3FB3] =	sst s0;
	s0 =	simm.s32 @!p1 $0x0  }
0x14: {  	s2 =	sld [smem:$0x3F97];
	s0 =	simm.s32 @p1 $0x1  }
0x15: {  	[smem:$0x3FB4] =	sst s0;
	s0 =	simm.s32 @!p2 $0x0  }
0x16: {  	s3 =	sld [smem:$0x3FDB];
	s0 =	simm.s32 @p2 $0x1  }
0x17: {  	s4 =	simm.s32 $0x1BF5;
	[smem:$0x3FB6] =	sst s0  }
0x18: {  	s0 =	sld [smem:$0x3F99];
	_ =	swait.ge [sflag:s4], $0x0  }
0x19: {  	s7 =	sld [smem:$0x3F9A]  }
0x1a: {  	s8 =	sadd.s32 $0xFFFFE003, lr  }
0x1b: {  	s9 =	sadd.s32 $0xFFFFFEF7, lr;
	s5 =	simm.s32 $0xFFFFFFFF;
	p2 =	slt.u32 s8, $0xFFFFF086  }
0x1c: {  	p1 =	slt.u32 s9, $0xF7A;
	s5 =	simm.s32 @!p2 $0x0  }
0x1d: {  	s5 =	simm.s32 @p1 $0x1;
	p0 =	seq.s32 s7, s2  }
0x1e: {  	s7 =	smul.u32 @!p0 $0xF7A, s2;
	p2 =	seq.s32 @!p0 s5, $0x0  }
0x1f: {  	s9 =	smul.u32 $0xF7A, s1;
	s8 =	simm.s32 @!p0 $0x1BF5;
	p2 =	por !p2, p0  }
0x20: {  	[sflag:s8] =	ssyncset.s32 @!p0 $0xFFFFF086;
	s6 =	sadd.s32 @!p0 s3, s7;
	s7 =	simm.s32 @!p0 $0x108  }
0x21: {  	s3 =	sadd.s32 s3, s9;
	s6 =	sadd.s32 @!p0 $0x88, s6;
	s7 =	simm.s32 @p2 $0x1082  }
0x22: {  	[simem:s7], [sflag:s8] =	dma.local @!p0 [hbm:s6], $0xF7A  }
0x23: {  	s9 =	sor.u32 $0xD0000000, s2;
	s6 =	simm.s32 $0x108;
	_ =	swait.ge @!p0 [sflag:s8], $0x0  }
0x24: {  	s3 =	sadd.s32 $0x88, s3;
	s6 =	simm.s32 @!p1 $0x1082;
	[sflag:s4] =	ssyncset.s32 $0xFFFFF086  }
0x25: {  	[simem:s6], [sflag:s4] =	dma.local [hbm:s3], $0xF7A  }
0x26: {  	[smem:$0x3F9A] =	sst s1;
	(tag) =	ssettag s2;
	_ =	strace s9  }
0x27: {  	s1 =	sld [smem:$0x3FAA]  }
0x28: {  	s2 =	sld [smem:$0x3FAB]  }
0x29: {  	s4 =	sld [smem:$0x3FAD]  }
0x2a: {  	p0 =	seq.s32 s5, $0x0;
	s5 =	sld [smem:$0x3FAE]  }
0x2b: {  	s6 =	sld [smem:$0x3FAF]  }
0x2c: {  	s7 =	sld [smem:$0x3FB0]  }
0x2d: {  	s3 =	simm.s32 $0x108;
	s8 =	sld [smem:$0x3FB1]  }
0x2e: {  	s3 =	simm.s32 @!p0 $0x1082;
	s9 =	sld [smem:$0x3FB2]  }
0x2f: {  	lr =	sadd.s32 s0, s3;
	s0 =	sld [smem:$0x3FA9]  }
0x30: {  	s3 =	sld [smem:$0x3FAC]  }
0x31: {  	[smem:$0x3FB5] =	sst s10  }
0x32: {  	s10 =	sld [smem:$0x3FB3];
	_ =	sdelay $0x3  }
0x33: {  	p0 =	seq.s32 s10, $0x1;
	s10 =	sld [smem:$0x3FB5];
	_ =	sdelay $0x3  }
0x34: {  	[smem:$0x3FB5] =	sst s10  }
0x35: {  	s10 =	sld [smem:$0x3FB4];
	_ =	sdelay $0x3  }
0x36: {  	p1 =	seq.s32 s10, $0x1;
	s10 =	sld [smem:$0x3FB5];
	_ =	sdelay $0x3  }
0x37: {  	[smem:$0x3FB5] =	sst s10  }
0x38: {  	s10 =	sld [smem:$0x3FB6]  }
0x39: {  	_ = 	snop;
	(pc) =	sbr.ind lr, $3  }
0x3a: {  	_ = 	snop  }
0x3b: {  	_ = 	snop  }
0x3c: {  	p2 =	seq.s32 s10, $0x1;
	s10 =	sld [smem:$0x3FB5]  }
0x3d: {  	_ =	shalt  }
0x3e: {  	_ =	shalt  }
0x3f: {  	_ =	shalt  }
0x40: {  	_ =	shalt  }
0x41: {  	_ =	shalt  }
0x42: {  	_ =	shalt  }
0x43: {  	_ =	shalt  }
0x44: {  	_ =	shalt  }
0x45: {  	_ =	shalt  }
0x46: {  	_ =	shalt  }
0x47: {  	_ =	shalt  }
0x48: {  	_ =	shalt  }
0x49: {  	_ =	shalt  }
0x4a: {  	_ =	shalt  }
0x4b: {  	_ =	shalt  }
0x4c: {  	_ =	shalt  }
0x4d: {  	_ =	shalt  }
0x4e: {  	_ =	shalt  }
0x4f: {  	_ =	shalt  }
0x50: {  	_ =	shalt  }
0x51: {  	_ =	shalt  }
0x52: {  	_ =	shalt  }
0x53: {  	_ =	shalt  }
0x54: {  	_ =	shalt  }
0x55: {  	_ =	shalt  }
0x56: {  	_ =	shalt  }
0x57: {  	_ =	shalt  }
0x58: {  	_ =	shalt  }
0x59: {  	_ =	shalt  }
0x5a: {  	_ =	shalt  }
0x5b: {  	_ =	shalt  }
0x5c: {  	_ =	shalt  }
0x5d: {  	_ =	shalt  }
0x5e: {  	_ =	shalt  }
0x5f: {  	_ =	shalt  }
0x60: {  	_ =	shalt  }
0x61: {  	_ =	shalt  }
0x62: {  	_ =	shalt  }
0x63: {  	_ =	shalt  }
0x64: {  	_ =	shalt  }
0x65: {  	_ =	shalt  }
0x66: {  	_ =	shalt  }
0x67: {  	_ =	shalt  }
0x68: {  	_ =	shalt  }
0x69: {  	_ =	shalt  }
0x6a: {  	_ =	shalt  }
0x6b: {  	_ =	shalt  }
0x6c: {  	_ =	shalt  }
0x6d: {  	_ =	shalt  }
0x6e: {  	_ =	shalt  }
0x6f: {  	_ =	shalt  }
0x70: {  	_ =	shalt  }
0x71: {  	_ =	shalt  }
0x72: {  	_ =	shalt  }
0x73: {  	_ =	shalt  }
0x74: {  	_ =	shalt  }
0x75: {  	_ =	shalt  }
0x76: {  	_ =	shalt  }
0x77: {  	_ =	shalt  }
0x78: {  	_ =	shalt  }
0x79: {  	_ =	shalt  }
0x7a: {  	_ =	shalt  }
0x7b: {  	_ =	shalt  }
0x7c: {  	_ =	shalt  }
0x7d: {  	_ =	shalt  }
0x7e: {  	_ =	shalt  }
0x7f: {  	_ =	shalt  }
0x80: {  	_ =	shalt  }
0x81: {  	_ =	shalt  }
0x82: {  	_ =	shalt  }
0x83: {  	_ =	shalt  }
0x84: {  	_ =	shalt  }
0x85: {  	_ =	shalt  }
0x86: {  	_ =	shalt  }
0x87: {  	_ =	shalt  }
.Lfunc_end0:
.L_simem_size_0:
called_computation.1_lowered:
.L_overlay_start_0:
0x88: {  	s2 =	sld [smem:$0x3FD9]  }
0x89: {  	s3 =	sld [smem:$0x3FFE];
	_ =	sdelay $0x1  }
0x8a: {  	s1 =	srdreg.scid  }
0x8b: {  	s0 =	sand.u32 $0x1, s1  }
0x8c: {  	s16 =	sshll.u32 s0, $0xA;
	s2 =	sadd.s32 s3, s2  }
0x8d: {  	s2 =	sadd.s32 s2, s16  }
0x8e: {  	[smem:$0x3FC1] =	sst s2  }
0x8f: {  	_ = 	snop  }
0x90: {  	(tm) =	ssettm $0x1  }
0x91: {  	s17 =	sld [smem:$0x3FFB];
	_ =	sdelay $0x3  }
0x92: {  	_ =	strace s17  }
0x93: {  	s2 =	sld [smem:$0x3FFC];
	_ =	sdelay $0x3  }
0x94: {  	_ =	strace s2  }
0x95: {  	s2 =	sld [smem:$0x3FFD];
	_ =	sdelay $0x3  }
0x96: {  	_ =	strace s2  }
0x97: {  	_ =	strace $0x8FFFFFFF  }
0x98: {  	s18 =	sld [smem:$0x3FDB];
	_ =	sdelay $0x1  }
0x99: {  	s19 =	simm.s32 $_scs_section_size  }
0x9a: {  	s4 =	simm.s32 $_size__tile_overlayer_lowered;
	s5 =	simm.s32 $_tile_overlayer_lowered  }
0x9b: {  	s22 =	simm.s32 $0x1BFF;
	s21 =	sshll.u32 s5, $0x1;
	s2 =	sadd.s32 s19, s18  }
0x9c: {  	s6 =	simm.s32 $0x0;
	s20 =	sshll.u32 s4, $0x1;
	s4 =	sadd.s32 s21, s2  }
0x9d: {  	[timem:s6], [sflag:s22] =	dma.local [hbm:s4], s20  }
0x9e: {  	_ =	swait.ge [sflag:s22], s20  }
0x9f: {  	s3 =	ssub.s32 $0x0, s20;
	[sflag:s22] =	ssyncset.done $0x0  }
0xa0: {  	[sflag:s22] =	ssyncadd.s32 s3;
	_ =	sdelay $0x1  }
0xa1: {  	s23 =	simm.s32 $0x1B8B  }
0xa2: {  	_ =	swait.ge [sflag:s23], $0x1  }
0xa3: {  	[sflag:s23] =	ssyncset.done $0x0  }
0xa4: {  	s25 =	simm.s32 $0x1B8E;
	s24 =	sld [smem:$0x3FFE];
	[sflag:s23] =	ssyncadd.s32 $0xFFFFFFFF  }
0xa5: {  	s26 =	simm.s32 $execute0_lowered;
	[smem:$0x3FD2] =	sst s25  }
0xa6: {  	s4 =	sshll.u32 s26, $0x1;
	_ =	strace $0x80000049;
	[dreg:$0x1] =	wrdreg $0xFFFFFFFF  }
0xa7: {  	s28 =	simm.s32 $_size_execute0_lowered;
	s2 =	sadd.s32 s2, s4;
	[dreg:$0x0] =	wrdreg $0x0  }
0xa8: {  	s4 =	sshll.u32 s28, $0x1;
	[dreg:$0x2] =	wrdreg s2  }
0xa9: {  	[dreg:$0x3] =	wrdreg s4  }
0xaa: {  	[dreg:$0x4] =	wrdreg $0xC0  }
0xab: {  	_ =	task [dreg:s6], $0x5FFFF  }
0xac: {  	[dreg:$0x1] =	wrdreg $0xFFFFFFFF  }
0xad: {  	[dreg:$0x0] =	wrdreg $0x60  }
0xae: {  	[dreg:$0x2] =	wrdreg s24  }
0xaf: {  	[dreg:$0x3] =	wrdreg $0xA4000  }
0xb0: {  	[dreg:$0x4] =	wrdreg $0x9  }
0xb1: {  	_ =	task.clear_ibuf [dreg:s6], $0x5FFFF;
	_ =	strace $0x90000049  }
0xb2: {  	s29 =	simm.s32 $0x9;
	_ =	strace $0x8000004B  }
0xb3: {  	_ =	swait.ge [sflag:s29], $0x1  }
0xb4: {  	[sflag:s29] =	ssyncadd.s32 $0xFFFFFFFF  }
0xb5: {  	_ =	strace $0x9000004B  }
0xb6: {  	_ =	sfence  }
0xb7: {  	s30 =	sld [smem:$0x0];
	_ =	sdelay $0x2  }
0xb8: {  	s31 =	sshll.u32 s1, $0xD;
	s1 =	sshrl.u32 s1, $0x2  }
0xb9: {  	s3 =	sand.u32 $0x4000, s31;
	s1 =	sadd.s32 s1, s30  }
0xba: {  	s0 =	sor.u32 s3, s0;
	s1 =	sshll.u32 s1, $0x11  }
0xbb: {  	s0 =	sor.u32 s1, s0  }
0xbc: {  	s0 =	sadd.s32 $0x8F2B, s0  }
0xbd: {  	[sflag:s0] =	ssyncadd.remote.s32 $0x1  }
0xbe: {  	_ =	sfence.sel $0xFFFF  }
0xbf: {  	[dreg:$0x0] =	wrdreg $0xFFFFFFFF;
	(pc) =	sbr.abs _section_cstart, $3  }
0xc0: {  	[dreg:$0x1] =	wrdreg $0xFFFFFFFF  }
0xc1: {  	_ =	task.clear_ibuf [dreg:s6], $0x2FFFF;
	_ =	strace $0x9FFFFFFF  }
0xc2: {  	(tm) =	ssettm $0x7FFFFFFF  }
0xc3: {  	_ =	shalt  }
tec
execute0_lowered:
.L_overlay_start_1:
0x0: {  	(tag) =	ssettag $0x1  }
0x1: {  	s4 =	rddreg [dreg:$0x0]  }
0x2: {  	s1 =	rddreg [dreg:$0x1]  }
0x3: {  	s0 =	srdreg.scid;
	s3 =	simm.s32 $0x0;
	s14 =	stileid.u32  }
0x4: {  	s28 =	simm.s32 $0x400;
	s29 =	simm.s32 $0xF;
	s6 =	smul.u32 $0x14000, s14  }
0x5: {  	s30 =	simm.s32 $0x5400;
	s0 =	sand.u32 $0x1, s0;
	s9 =	smul.u32 $0x50000, s14  }
0x6: {  	[smem:$0x7FF] =	sst s3;
	s7 =	sshll.u32 s14, $0x1;
	s31 =	smul.u32 $0x4E20, s14  }
0x7: {  	s2 =	sadd.s32 $0xB600, s4;
	s26 =	sadd.s32 $0x1800, s4;
	s5 =	smul.u32 $0x140000, s0  }
0x8: {  	_ =	strace $0x8000004A;
	s7 =	sor.u32 s0, s7;
	s13 =	smul.u32 $0x2710, s0  }
0x9: {  	s8 =	ssub.s32 $0x2, s0;
	[dreg:$0xa] =	wrdreg s26;
	s7 =	smul.u32 $0x2710, s7  }
0xa: {  	s24 =	sshrl.u32 s8, $0x1;
	s9 =	sshrl.u32 s9, $0x2;
	s6 =	sadd.s32 s6, s5  }
0xb: {  	s5 =	sadd.s32 $0x15400, s4;
	s17 =	sadd.s32 s9, s1;
	s9 =	sadd.s32 s13, s31  }
0xc: {  	s6 =	sshrl.u32 s6, $0x3;
	s7 =	sshrl.u32 s7, $0x3;
	s19 =	sadd.s32 $0x2800, s17  }
0xd: {  	s13 =	sadd.s32 $0x280, s9;
	[dreg:$0x10] =	wrdreg s17;
	s4 =	sadd.s32 s6, s4  }
0xe: {  	s25 =	sadd.s32 $0xA, s7;
	s15 =	sadd.s32 s2, s7;
	[dreg:$0x12] =	wrdreg s19  }
0xf: {  	s11 =	sadd.s32 $0x14, s7;
	s10 =	sadd.s32 s2, s25;
	[dreg:$0xb] =	wrdreg s15  }
0x10: {  	s12 =	sadd.s32 $0x1E, s7;
	s16 =	sadd.s32 s2, s11;
	[dreg:$0xc] =	wrdreg s10  }
0x11: {  	s6 =	ssub.s32 s8, s24;
	s18 =	sadd.s32 s2, s12;
	[dreg:$0xd] =	wrdreg s16  }
0x12: {  	s13 =	sshrl.u32 s13, $0x3;
	s8 =	sadd.s32 s26, s25;
	[dreg:$0xe] =	wrdreg s18  }
0x13: {  	s22 =	sadd.s32 $0x230, s9;
	s23 =	sadd.s32 s13, s2;
	[dreg:$0x11] =	wrdreg s8  }
0x14: {  	s24 =	sshrl.u32 s22, $0x3;
	s31 =	sadd.s32 s26, s11;
	[dreg:$0x4] =	wrdreg s23  }
0x15: {  	s21 =	smul.u32 $0x2800, s14;
	s25 =	sadd.s32 s24, s26;
	[dreg:$0x14] =	wrdreg s31  }
0x16: {  	p0 =	sne.s32 s0, $0x0;
	s11 =	sadd.s32 s24, s2;
	[dreg:$0x5] =	wrdreg s25  }
0x17: {  	s20 =	sadd.s32 $0x2D0, s9;
	s10 =	sadd.s32 s5, s21;
	[dreg:$0x6] =	wrdreg s11  }
0x18: {  	s13 =	sadd.s32 $0x1E0, s9;
	s18 =	sadd.s32 s26, s12;
	[dreg:$0x13] =	wrdreg s10  }
0x19: {  	s16 =	sadd.s32 s26, s7;
	s11 =	sadd.s32 $0x3D400, s4;
	[dreg:$0x15] =	wrdreg s18  }
0x1a: {  	s8 =	sshrl.u32 s20, $0x3;
	s12 =	smax.u32 s6, $0x1;
	[dreg:$0x1c] =	wrdreg s11  }
0x1b: {  	s14 =	sshrl.u32 s13, $0x3;
	s13 =	sadd.s32 $0x140, s9;
	[dreg:$0x1d] =	wrdreg s12  }
0x1c: {  	s20 =	sadd.s32 $0x4C4, s7;
	s23 =	sadd.s32 $0x4CE, s7;
	[dreg:$0x1e] =	wrdreg s13  }
0x1d: {  	s25 =	sadd.s32 $0x4D8, s7;
	s8 =	sadd.s32 s8, s2;
	[dreg:$0xf] =	wrdreg s16  }
0x1e: {  	s6 =	simm.s32 $0x80;
	s19 =	sadd.s32 s14, s26;
	[dreg:$0x3] =	wrdreg s8  }
0x1f: {  	s7 =	simm.s32 $0x7;
	s22 =	sadd.s32 s2, s20;
	[dreg:$0x8] =	wrdreg s19  }
0x20: {  	s10 =	sadd.s32 $0x190, s9;
	s21 =	sadd.s32 s14, s2;
	[dreg:$0x16] =	wrdreg s22  }
0x21: {  	s24 =	sadd.s32 s2, s23;
	s31 =	sadd.s32 s26, s20;
	[dreg:$0x9] =	wrdreg s21  }
0x22: {  	s2 =	sadd.s32 s2, s25;
	s0 =	sadd.s32 s26, s25;
	[dreg:$0x17] =	wrdreg s24  }
0x23: {  	s14 =	sadd.s32 $0x5000, s17;
	s18 =	sadd.s32 $0x7800, s17;
	[dreg:$0x18] =	wrdreg s31  }
0x24: {  	s20 =	sadd.s32 $0xC800, s17;
	s25 =	sadd.s32 $0x4B0, s16;
	[dreg:$0x19] =	wrdreg s2  }
0x25: {  	s9 =	simm.s32 $0x180;
	s12 =	simm.s32 $0x8;
	[dreg:$0x1b] =	wrdreg s0  }
0x26: {  	s13 =	simm.s32 $0xA;
	s11 =	simm.s32 $0x6;
	[dreg:$0x1f] =	wrdreg s14  }
0x27: {  	s8 =	sshrl.u32 s10, $0x3;
	s10 =	sadd.s32 s26, s23;
	[smem:$0x7F5] =	sst s18  }
0x28: {  	s19 =	sadd.s32 $0xA000, s17;
	[smem:$0x7F7] =	sst s20;
	s21 =	sadd.s32 $0xF000, s17  }
0x29: {  	s22 =	sadd.s32 $0x11800, s17;
	s23 =	sadd.s32 $0x28, s15;
	[smem:$0x7FC] =	sst s25  }
0x2a: {  	s24 =	sadd.s32 $0x32, s15;
	s31 =	sadd.s32 $0x4BA, s16;
	[dreg:$0x1a] =	wrdreg s10  }
0x2b: {  	s0 =	simm.s32 $0x100;
	s15 =	simm.s32 $0x200;
	[smem:$0x7F6] =	sst s19  }
0x2c: {  	s16 =	simm.s32 $0x1;
	s17 =	simm.s32 $0xB;
	[smem:$0x7F8] =	sst s21  }
0x2d: {  	s18 =	simm.s32 $0x2;
	s20 =	simm.s32 $0xC;
	[smem:$0x7F9] =	sst s22  }
0x2e: {  	s2 =	simm.s32 $0x3;
	s14 =	simm.s32 $0x5;
	[smem:$0x7FA] =	sst s23  }
0x2f: {  	s25 =	simm.s32 $0xE;
	s8 =	sadd.s32 s8, s26;
	[smem:$0x7FB] =	sst s24  }
0x30: {  	[smem:$0x7FD] =	sst s31;
	s10 =	simm.s32 $0x280;
	s22 =	simm.s32 $0x2C00  }
0x31: {  	s24 =	simm.s32 $0x300;
	s21 =	simm.s32 $0xD;
	s23 =	simm.s32 $0x4  }
0x32: {  	v0 =	vimm.f32 $0.0e+00;
	s19 =	simm.s32 $0x0;
	[dreg:$0x7] =	wrdreg s8;
	s8 =	simm.s32 $0x50  }
.LBB2_1:
0x33: {  	s4 =	rddreg [dreg:$0xb]  }
0x34: {  	[tilespmem:s3], [sflag:$0x7] =	stream.linear.gather [hbm4b:s4+s3], $0x50, $0x38;
	[tilespmem:$0x1E400] =	vst v63  }
0x35: {  	s4 =	rddreg [dreg:$0xc]  }
0x36: {  	[tilespmem:s6], [sflag:$0x8] =	stream.linear.gather [hbm4b:s4+s3], $0x50, $0x38;
	[tilespmem:$0x1E400] =	vst v63  }
0x37: {  	s4 =	rddreg [dreg:$0xd]  }
0x38: {  	[tilespmem:s0], [sflag:$0x9] =	stream.linear.gather [hbm4b:s4+s3], $0x50, $0x38;
	[tilespmem:$0x1E400] =	vst v63  }
0x39: {  	s4 =	rddreg [dreg:$0xe]  }
0x3a: {  	[tilespmem:s9], [sflag:$0xA] =	stream.linear.gather [hbm4b:s4+s3], $0x50, $0x38;
	[tilespmem:$0x1E400] =	vst v63  }
0x3b: {  	s4 =	rddreg [dreg:$0xf]  }
0x3c: {  	[tilespmem:s15], [sflag:$0xB] =	stream.linear.gather [hbm4b:s4+s3], $0x50, $0x38;
	[tilespmem:$0x1E400] =	vst v63  }
0x3d: {  	s4 =	rddreg [dreg:$0x11]  }
0x3e: {  	[tilespmem:s10], [sflag:$0xC] =	stream.linear.gather [hbm4b:s4+s3], $0x50, $0x38;
	[tilespmem:$0x1E400] =	vst v63  }
0x3f: {  	_ =	swait.ge [sflag:s7], $0x50  }
0x40: {  	[sflag:s7] =	ssyncset.done $0x0  }
0x41: {  	[sflag:s7] =	ssyncadd.s32 $0xFFFFFFB0  }
0x42: {  	[tilespmem:s28], [sflag:$0x1] =	stream.indirect.gather [hbm4b:s5+s8], $0x80, s3, s8, $0xb8;
	[tilespmem:$0x1E400] =	vst v63  }
0x43: {  	_ =	swait.ge [sflag:s12], $0x50  }
0x44: {  	[sflag:s12] =	ssyncset.done $0x0  }
0x45: {  	[sflag:s12] =	ssyncadd.s32 $0xFFFFFFB0  }
0x46: {  	[tilespmem:s22], [sflag:$0x2] =	stream.indirect.gather [hbm4b:s5+s8], $0x80, s6, s8, $0xb8;
	[tilespmem:$0x1E400] =	vst v63  }
.Ltmp0:
0x47: {  	s6 =	stileid.u32;
	(pc) =	sbr.rel @p0 .LBB2_3-.Ltmp0, $4  }
0x48: {  	s4 =	sshll.u32 s6, $0x6;
	s6 =	rddreg [dreg:$0x10]  }
0x49: {  	[smem:$0x7F2] =	sst s19;
	s6 =	sshrl.u32 s6, $0x3  }
0x4a: {  	s31 =	sor.u32 $0x1C0F, s4;
	[smem:$0x7F3] =	sst s6  }
0x4b: {  	[smem:$0x7F4] =	sst s31  }
.Ltmp1:
0x4c: {  	(pc) =	sbr.rel .LBB2_6-.Ltmp1, $3  }
0x4d: {  	_ =	sdelay $0x1  }
0x4e: {  	s4 =	rddreg [dreg:$0x13];
	s19 =	simm.s32 $0x7C00  }
0x4f: {  	[spmem:s6], [sflag:s31] =	dma.local [hbm:s4], $0x2800  }
.LBB2_3:
0x50: {  	s4 =	sshra.s32 s3, $0x2;
	s6 =	sadd.s32 $0x200, s3  }
.LBB2_4:
0x51: {  	p1 =	sne.s32 s6, $0x9E00;
	[tilespmem:s4+$0x7C70] =	vst v0  }
0x52: {  	[tilespmem:s4+$0x7C00] =	vst v0  }
0x53: {  	[tilespmem:s4+$0x7C10] =	vst v0  }
.Ltmp2:
0x54: {  	[tilespmem:s4+$0x7C20] =	vst v0;
	(pc) =	sbr.rel @p1 .LBB2_4-.Ltmp2, $4  }
0x55: {  	[tilespmem:s4+$0x7C30] =	vst v0  }
0x56: {  	[tilespmem:s4+$0x7C40] =	vst v0  }
0x57: {  	[tilespmem:s4+$0x7C50] =	vst v0  }
0x58: {  	[tilespmem:s4+$0x7C60] =	vst v0;
	s4 =	sshra.s32 s6, $0x2;
	s6 =	sadd.s32 $0x200, s6  }
0x59: {  	[tilespmem:s4+$0x7C70] =	vst v0  }
0x5a: {  	[tilespmem:s4+$0x7C00] =	vst v0  }
0x5b: {  	[tilespmem:s4+$0x7C10] =	vst v0  }
0x5c: {  	[tilespmem:s4+$0x7C20] =	vst v0  }
0x5d: {  	[tilespmem:s4+$0x7C30] =	vst v0  }
0x5e: {  	[tilespmem:s4+$0x7C40] =	vst v0  }
0x5f: {  	[tilespmem:s4+$0x7C50] =	vst v0  }
0x60: {  	[tilespmem:s4+$0x7C60] =	vst v0;
	s6 =	rddreg [dreg:$0x10];
	s19 =	simm.s32 $0x7C00  }
0x61: {  	[spmem:s6] =	stream.linear.scatter [tilespmem:s19], [sflag:$0xF], $0x2800, $0x38;
	[tilespmem:$0x1E400] =	vst v63  }
0x62: {  	_ =	swait.ge [sflag:s29], $0x2800  }
0x63: {  	[sflag:s29] =	ssyncset.done $0x0  }
0x64: {  	s31 =	rddreg [dreg:$0x12];
	[sflag:s29] =	ssyncadd.s32 $0xFFFFD800  }
0x65: {  	[spmem:s31] =	stream.linear.scatter [tilespmem:s19], [sflag:$0xF], $0x2800, $0x38;
	[tilespmem:$0x1E400] =	vst v63  }
0x66: {  	_ =	swait.ge [sflag:s29], $0x2800  }
0x67: {  	[sflag:s29] =	ssyncset.done $0x0  }
0x68: {  	s6 =	rddreg [dreg:$0x1f];
	[sflag:s29] =	ssyncadd.s32 $0xFFFFD800  }
0x69: {  	[spmem:s6] =	stream.linear.scatter [tilespmem:s19], [sflag:$0xF], $0x2800, $0x38;
	[tilespmem:$0x1E400] =	vst v63  }
0x6a: {  	_ =	swait.ge [sflag:s29], $0x2800  }
0x6b: {  	s31 =	sld [smem:$0x7F5]  }
0x6c: {  	[sflag:s29] =	ssyncset.done $0x0  }
0x6d: {  	[sflag:s29] =	ssyncadd.s32 $0xFFFFD800  }
0x6e: {  	[spmem:s31] =	stream.linear.scatter [tilespmem:s19], [sflag:$0xF], $0x2800, $0x38;
	[tilespmem:$0x1E400] =	vst v63  }
0x6f: {  	_ =	swait.ge [sflag:s29], $0x2800  }
0x70: {  	s6 =	sld [smem:$0x7F6]  }
0x71: {  	[sflag:s29] =	ssyncset.done $0x0  }
0x72: {  	[sflag:s29] =	ssyncadd.s32 $0xFFFFD800  }
0x73: {  	[spmem:s6] =	stream.linear.scatter [tilespmem:s19], [sflag:$0xF], $0x2800, $0x38;
	[tilespmem:$0x1E400] =	vst v63  }
0x74: {  	_ =	swait.ge [sflag:s29], $0x2800  }
0x75: {  	s31 =	sld [smem:$0x7F7]  }
0x76: {  	[sflag:s29] =	ssyncset.done $0x0  }
0x77: {  	[sflag:s29] =	ssyncadd.s32 $0xFFFFD800  }
0x78: {  	[spmem:s31] =	stream.linear.scatter [tilespmem:s19], [sflag:$0xF], $0x2800, $0x38;
	[tilespmem:$0x1E400] =	vst v63  }
0x79: {  	_ =	swait.ge [sflag:s29], $0x2800  }
0x7a: {  	s6 =	sld [smem:$0x7F8]  }
0x7b: {  	[sflag:s29] =	ssyncset.done $0x0  }
0x7c: {  	[sflag:s29] =	ssyncadd.s32 $0xFFFFD800  }
0x7d: {  	[spmem:s6] =	stream.linear.scatter [tilespmem:s19], [sflag:$0xF], $0x2800, $0x38;
	[tilespmem:$0x1E400] =	vst v63  }
0x7e: {  	_ =	swait.ge [sflag:s29], $0x2800  }
0x7f: {  	s31 =	sld [smem:$0x7F9]  }
0x80: {  	[sflag:s29] =	ssyncset.done $0x0  }
0x81: {  	[sflag:s29] =	ssyncadd.s32 $0xFFFFD800  }
0x82: {  	[spmem:s31] =	stream.linear.scatter [tilespmem:s19], [sflag:$0xF], $0x2800, $0x38;
	[tilespmem:$0x1E400] =	vst v63  }
.LBB2_6:
0x83: {  	_ =	swait.ge [sflag:s29], $0x2800  }
0x84: {  	[sflag:s29] =	ssyncset.done $0x0  }
0x85: {  	[sflag:s29] =	ssyncadd.s32 $0xFFFFD800  }
0x86: {  	[bflag:$0x0] =	sbarrier.arrive $0xFFFF  }
0x87: {  	_ =	swait.ge [sflag:s16], $0x2800  }
0x88: {  	[sflag:s16] =	ssyncset.done $0x0  }
0x89: {  	[sflag:s16] =	ssyncadd.s32 $0xFFFFD800  }
0x8a: {  	_ =	swait.ge [sflag:s17], $0x50  }
0x8b: {  	[sflag:s17] =	ssyncset.done $0x0  }
0x8c: {  	[sflag:s17] =	ssyncadd.s32 $0xFFFFFFB0  }
0x8d: {  	[spmem:s1] =	stream.indirect.scatter.add.f32 [tilespmem:s28], [sflag:$0x5], $0x80, s15, s8, $0xb8;
	[tilespmem:$0x1E400] =	vst v63  }
0x8e: {  	s4 =	simm.s32 $0x0;
	s31 =	simm.s32 $0x9;
	s6 =	rddreg [dreg:$0x14]  }
0x8f: {  	[tilespmem:s24], [sflag:$0xD] =	stream.linear.gather [hbm4b:s6+s4], $0x50, $0x38;
	[tilespmem:$0x1E400] =	vst v63  }
0x90: {  	_ =	swait.ge [sflag:s31], $0x50  }
0x91: {  	[sflag:s31] =	ssyncset.done $0x0  }
0x92: {  	[sflag:s31] =	ssyncadd.s32 $0xFFFFFFB0  }
0x93: {  	[tilespmem:s30], [sflag:$0x3] =	stream.indirect.gather [hbm4b:s5+s8], $0x80, s0, s8, $0xb8;
	[tilespmem:$0x1E400] =	vst v63  }
0x94: {  	s0 =	sld [smem:$0x7FA];
	_ =	sdelay $0x2  }
0x95: {  	[tilespmem:s4], [sflag:$0x7] =	stream.linear.gather [hbm4b:s0+s4], $0x50, $0x38;
	[tilespmem:$0x1E400] =	vst v63  }
0x96: {  	_ =	swait.ge [sflag:s18], $0x2800  }
0x97: {  	[sflag:s18] =	ssyncset.done $0x0  }
0x98: {  	[sflag:s18] =	ssyncadd.s32 $0xFFFFD800  }
0x99: {  	_ =	swait.ge [sflag:s20], $0x50  }
0x9a: {  	[sflag:s20] =	ssyncset.done $0x0  }
0x9b: {  	[sflag:s20] =	ssyncadd.s32 $0xFFFFFFB0  }
0x9c: {  	[spmem:s1] =	stream.indirect.scatter.add.f32 [tilespmem:s22], [sflag:$0x6], $0x80, s10, s8, $0xb8;
	[tilespmem:$0x1E400] =	vst v63  }
0x9d: {  	s15 =	rddreg [dreg:$0x15];
	s22 =	simm.s32 $0x380  }
0x9e: {  	[tilespmem:s22], [sflag:$0xE] =	stream.linear.gather [hbm4b:s15+s4], $0x50, $0x38;
	[tilespmem:$0x1E400] =	vst v63  }
0x9f: {  	_ =	swait.ge [sflag:s13], $0x50  }
0xa0: {  	[sflag:s13] =	ssyncset.done $0x0  }
0xa1: {  	s29 =	sld [smem:$0x7FB];
	[sflag:s13] =	ssyncadd.s32 $0xFFFFFFB0  }
0xa2: {  	[tilespmem:s19], [sflag:$0x4] =	stream.indirect.gather [hbm4b:s5+s8], $0x80, s9, s8, $0xb8;
	[tilespmem:$0x1E400] =	vst v63  }
0xa3: {  	s22 =	simm.s32 $0x80  }
0xa4: {  	[tilespmem:s22], [sflag:$0x8] =	stream.linear.gather [hbm4b:s29+s4], $0x50, $0x38;
	[tilespmem:$0x1E400] =	vst v63  }
0xa5: {  	_ =	swait.ge [sflag:s2], $0x2800  }
0xa6: {  	[sflag:s2] =	ssyncset.done $0x0  }
0xa7: {  	[sflag:s2] =	ssyncadd.s32 $0xFFFFD800  }
0xa8: {  	_ =	swait.ge [sflag:s14], $0x2800  }
0xa9: {  	[sflag:s14] =	ssyncset.done $0x0  }
0xaa: {  	[sflag:s14] =	ssyncadd.s32 $0xFFFFD800  }
0xab: {  	_ =	swait.ge [sflag:s21], $0x50  }
0xac: {  	[sflag:s21] =	ssyncset.done $0x0;
	s29 =	rddreg [dreg:$0x1e]  }
0xad: {  	s0 =	smov.u32 s1;
	[sflag:s21] =	ssyncadd.s32 $0xFFFFFFB0;
	s31 =	sshrl.u32 s29, $0x3  }
0xae: {  	[spmem:s0] =	stream.indirect.scatter.add.f32 [tilespmem:s30], [sflag:$0x5], $0x80, s24, s8, $0xb8;
	[tilespmem:$0x1E400] =	vst v63  }
0xaf: {  	s6 =	simm.s32 $0x200;
	s4 =	sadd.s32 s26, s31  }
0xb0: {  	[tilespmem:s6], [sflag:$0xB] =	stream.linear.gather [hbm4b:s4+s3], $0x50, $0x38;
	[tilespmem:$0x1E400] =	vst v63  }
0xb1: {  	_ =	swait.ge [sflag:s7], $0x50  }
0xb2: {  	[sflag:s7] =	ssyncset.done $0x0  }
0xb3: {  	s2 =	simm.s32 $0x400;
	s26 =	rddreg [dreg:$0x9];
	[sflag:s7] =	ssyncadd.s32 $0xFFFFFFB0  }
0xb4: {  	[tilespmem:s2], [sflag:$0x1] =	stream.indirect.gather [hbm4b:s5+s8], $0x80, s3, s8, $0xb8;
	[tilespmem:$0x1E400] =	vst v63  }
0xb5: {  	s21 =	simm.s32 $0x100;
	s4 =	sadd.s32 $0x0, s26  }
0xb6: {  	[tilespmem:s21], [sflag:$0x9] =	stream.linear.gather [hbm4b:s4+s3], $0x50, $0x38;
	[tilespmem:$0x1E400] =	vst v63  }
0xb7: {  	_ =	swait.ge [sflag:s23], $0x2800  }
0xb8: {  	[sflag:s23] =	ssyncset.done $0x0  }
0xb9: {  	[sflag:s23] =	ssyncadd.s32 $0xFFFFD800  }
0xba: {  	_ =	swait.ge [sflag:s11], $0x2800  }
0xbb: {  	[sflag:s11] =	ssyncset.done $0x0  }
0xbc: {  	[sflag:s11] =	ssyncadd.s32 $0xFFFFD800  }
0xbd: {  	_ =	swait.ge [sflag:s25], $0x50  }
0xbe: {  	[sflag:s25] =	ssyncset.done $0x0  }
0xbf: {  	s15 =	simm.s32 $0x380;
	s31 =	rddreg [dreg:$0x7];
	[sflag:s25] =	ssyncadd.s32 $0xFFFFFFB0  }
0xc0: {  	[spmem:s0] =	stream.indirect.scatter.add.f32 [tilespmem:s19], [sflag:$0x6], $0x80, s15, s8, $0xb8;
	[tilespmem:$0x1E400] =	vst v63  }
0xc1: {  	s1 =	simm.s32 $0x280;
	s4 =	sadd.s32 $0x0, s31  }
0xc2: {  	[tilespmem:s1], [sflag:$0xC] =	stream.linear.gather [hbm4b:s4+s3], $0x50, $0x38;
	[tilespmem:$0x1E400] =	vst v63  }
0xc3: {  	_ =	swait.ge [sflag:s12], $0x50  }
0xc4: {  	[sflag:s12] =	ssyncset.done $0x0  }
0xc5: {  	s10 =	simm.s32 $0x2C00;
	s23 =	rddreg [dreg:$0x6];
	[sflag:s12] =	ssyncadd.s32 $0xFFFFFFB0  }
0xc6: {  	[tilespmem:s10], [sflag:$0x2] =	stream.indirect.gather [hbm4b:s5+s8], $0x80, s22, s8, $0xb8;
	[tilespmem:$0x1E400] =	vst v63  }
0xc7: {  	s9 =	simm.s32 $0x180;
	s4 =	sadd.s32 $0x0, s23  }
0xc8: {  	[tilespmem:s9], [sflag:$0xA] =	stream.linear.gather [hbm4b:s4+s3], $0x50, $0x38;
	[tilespmem:$0x1E400] =	vst v63  }
0xc9: {  	_ =	swait.ge [sflag:s16], $0x2800  }
0xca: {  	[sflag:s16] =	ssyncset.done $0x0  }
0xcb: {  	[sflag:s16] =	ssyncadd.s32 $0xFFFFD800  }
0xcc: {  	_ =	swait.ge [sflag:s14], $0x2800  }
0xcd: {  	[sflag:s14] =	ssyncset.done $0x0  }
0xce: {  	[sflag:s14] =	ssyncadd.s32 $0xFFFFD800  }
0xcf: {  	_ =	swait.ge [sflag:s17], $0x50  }
0xd0: {  	[sflag:s17] =	ssyncset.done $0x0  }
0xd1: {  	s25 =	rddreg [dreg:$0x8];
	[sflag:s17] =	ssyncadd.s32 $0xFFFFFFB0  }
0xd2: {  	[spmem:s0] =	stream.indirect.scatter.add.f32 [tilespmem:s2], [sflag:$0x5], $0x80, s6, s8, $0xb8;
	[tilespmem:$0x1E400] =	vst v63  }
0xd3: {  	s7 =	simm.s32 $0x9;
	s4 =	sadd.s32 $0x0, s25  }
0xd4: {  	[tilespmem:s24], [sflag:$0xD] =	stream.linear.gather [hbm4b:s4+s3], $0x50, $0x38;
	[tilespmem:$0x1E400] =	vst v63  }
0xd5: {  	_ =	swait.ge [sflag:s7], $0x50  }
0xd6: {  	[sflag:s7] =	ssyncset.done $0x0  }
0xd7: {  	s26 =	rddreg [dreg:$0x4];
	[sflag:s7] =	ssyncadd.s32 $0xFFFFFFB0  }
0xd8: {  	[tilespmem:s30], [sflag:$0x3] =	stream.indirect.gather [hbm4b:s5+s8], $0x80, s21, s8, $0xb8;
	[tilespmem:$0x1E400] =	vst v63  }
0xd9: {  	s4 =	sadd.s32 $0x0, s26  }
0xda: {  	[tilespmem:s3], [sflag:$0x7] =	stream.linear.gather [hbm4b:s4+s3], $0x50, $0x38;
	[tilespmem:$0x1E400] =	vst v63  }
0xdb: {  	_ =	swait.ge [sflag:s18], $0x2800  }
0xdc: {  	[sflag:s18] =	ssyncset.done $0x0  }
0xdd: {  	[sflag:s18] =	ssyncadd.s32 $0xFFFFD800  }
0xde: {  	_ =	swait.ge [sflag:s11], $0x2800  }
0xdf: {  	[sflag:s11] =	ssyncset.done $0x0  }
0xe0: {  	s23 =	simm.s32 $0xC;
	s12 =	simm.s32 $0x7;
	[sflag:s11] =	ssyncadd.s32 $0xFFFFD800  }
0xe1: {  	s16 =	simm.s32 $0x8;
	s25 =	simm.s32 $0x4;
	_ =	swait.ge [sflag:s20], $0x50  }
0xe2: {  	s17 =	simm.s32 $0x1;
	s6 =	simm.s32 $0x28;
	[sflag:s20] =	ssyncset.done $0x0  }
0xe3: {  	s2 =	simm.s32 $0x3;
	s30 =	rddreg [dreg:$0x5];
	[sflag:s20] =	ssyncadd.s32 $0xFFFFFFB0  }
0xe4: {  	[spmem:s0] =	stream.indirect.scatter.add.f32 [tilespmem:s10], [sflag:$0x6], $0x80, s1, s8, $0xb8;
	[tilespmem:$0x1E400] =	vst v63  }
0xe5: {  	s24 =	simm.s32 $0x300;
	s26 =	simm.s32 $0xD;
	s4 =	sadd.s32 $0x0, s30  }
0xe6: {  	[tilespmem:s15], [sflag:$0xE] =	stream.linear.gather [hbm4b:s4+s3], $0x50, $0x38;
	[tilespmem:$0x1E400] =	vst v63  }
0xe7: {  	s21 =	simm.s32 $0x2;
	s18 =	simm.s32 $0xB;
	_ =	swait.ge [sflag:s13], $0x50  }
0xe8: {  	s1 =	smov.u32 s0;
	s15 =	simm.s32 $0x5400;
	[sflag:s13] =	ssyncset.done $0x0  }
0xe9: {  	s4 =	sadd.s32 $0x140, s29;
	s31 =	rddreg [dreg:$0x3];
	[sflag:s13] =	ssyncadd.s32 $0xFFFFFFB0  }
0xea: {  	[tilespmem:s19], [sflag:$0x4] =	stream.indirect.gather [hbm4b:s5+s8], $0x80, s9, s8, $0xb8;
	[tilespmem:$0x1E400] =	vst v63  }
0xeb: {  	s28 =	sadd.s32 $0x0, s31;
	s13 =	simm.s32 $0xA;
	s9 =	simm.s32 $0xE  }
.LBB2_7:
0xec: {  	s22 =	simm.s32 $0x80  }
0xed: {  	[tilespmem:s22], [sflag:$0x8] =	stream.linear.gather [hbm4b:s28+s3], $0x50, $0x38;
	[tilespmem:$0x1E400] =	vst v63  }
0xee: {  	_ =	swait.ge [sflag:s2], $0x2800  }
0xef: {  	[sflag:s2] =	ssyncset.done $0x0  }
0xf0: {  	[sflag:s2] =	ssyncadd.s32 $0xFFFFD800  }
0xf1: {  	_ =	swait.ge [sflag:s14], $0x2800  }
0xf2: {  	[sflag:s14] =	ssyncset.done $0x0  }
0xf3: {  	[sflag:s14] =	ssyncadd.s32 $0xFFFFD800  }
0xf4: {  	_ =	swait.ge [sflag:s26], $0x50  }
0xf5: {  	[sflag:s26] =	ssyncset.done $0x0  }
0xf6: {  	s29 =	sshrl.u32 s4, $0x3;
	s7 =	rddreg [dreg:$0xa];
	[sflag:s26] =	ssyncadd.s32 $0xFFFFFFB0  }
0xf7: {  	[spmem:s1] =	stream.indirect.scatter.add.f32 [tilespmem:s15], [sflag:$0x5], $0x80, s24, s8, $0xb8;
	[tilespmem:$0x1E400] =	vst v63  }
0xf8: {  	s29 =	sadd.s32 s7, s29;
	s7 =	simm.s32 $0x200  }
0xf9: {  	[tilespmem:s7], [sflag:$0xB] =	stream.linear.gather [hbm4b:s29+s3], $0x50, $0x38;
	[tilespmem:$0x1E400] =	vst v63  }
0xfa: {  	_ =	swait.ge [sflag:s12], $0x50  }
0xfb: {  	s10 =	simm.s32 $0x400;
	[sflag:s12] =	ssyncset.done $0x0  }
0xfc: {  	s28 =	smov.u32 s6;
	s30 =	rddreg [dreg:$0x9];
	[sflag:s12] =	ssyncadd.s32 $0xFFFFFFB0  }
0xfd: {  	[tilespmem:s10], [sflag:$0x1] =	stream.indirect.gather [hbm4b:s5+s8], $0x80, s3, s8, $0xb8;
	[tilespmem:$0x1E400] =	vst v63  }
0xfe: {  	s29 =	sadd.s32 s28, s30;
	s30 =	simm.s32 $0x100  }
0xff: {  	[tilespmem:s30], [sflag:$0x9] =	stream.linear.gather [hbm4b:s29+s3], $0x50, $0x38;
	[tilespmem:$0x1E400] =	vst v63  }
0x100: {  	_ =	swait.ge [sflag:s25], $0x2800  }
0x101: {  	[sflag:s25] =	ssyncset.done $0x0  }
0x102: {  	[sflag:s25] =	ssyncadd.s32 $0xFFFFD800  }
0x103: {  	_ =	swait.ge [sflag:s11], $0x2800  }
0x104: {  	[sflag:s11] =	ssyncset.done $0x0  }
0x105: {  	[sflag:s11] =	ssyncadd.s32 $0xFFFFD800  }
0x106: {  	_ =	swait.ge [sflag:s9], $0x50  }
0x107: {  	[sflag:s9] =	ssyncset.done $0x0  }
0x108: {  	s20 =	simm.s32 $0x380;
	s31 =	rddreg [dreg:$0x7];
	[sflag:s9] =	ssyncadd.s32 $0xFFFFFFB0  }
0x109: {  	[spmem:s1] =	stream.indirect.scatter.add.f32 [tilespmem:s19], [sflag:$0x6], $0x80, s20, s8, $0xb8;
	[tilespmem:$0x1E400] =	vst v63  }
0x10a: {  	s29 =	sadd.s32 s28, s31;
	s1 =	simm.s32 $0x280  }
0x10b: {  	[tilespmem:s1], [sflag:$0xC] =	stream.linear.gather [hbm4b:s29+s3], $0x50, $0x38;
	[tilespmem:$0x1E400] =	vst v63  }
0x10c: {  	_ =	swait.ge [sflag:s16], $0x50  }
0x10d: {  	[sflag:s16] =	ssyncset.done $0x0  }
0x10e: {  	s31 =	simm.s32 $0x2C00;
	s29 =	rddreg [dreg:$0x6];
	[sflag:s16] =	ssyncadd.s32 $0xFFFFFFB0  }
0x10f: {  	[tilespmem:s31], [sflag:$0x2] =	stream.indirect.gather [hbm4b:s5+s8], $0x80, s22, s8, $0xb8;
	[tilespmem:$0x1E400] =	vst v63  }
0x110: {  	s29 =	sadd.s32 s28, s29;
	s22 =	simm.s32 $0x180  }
0x111: {  	[tilespmem:s22], [sflag:$0xA] =	stream.linear.gather [hbm4b:s29+s3], $0x50, $0x38;
	[tilespmem:$0x1E400] =	vst v63  }
0x112: {  	_ =	swait.ge [sflag:s17], $0x2800  }
0x113: {  	[sflag:s17] =	ssyncset.done $0x0  }
0x114: {  	[sflag:s17] =	ssyncadd.s32 $0xFFFFD800  }
0x115: {  	_ =	swait.ge [sflag:s14], $0x2800  }
0x116: {  	[sflag:s14] =	ssyncset.done $0x0  }
0x117: {  	[sflag:s14] =	ssyncadd.s32 $0xFFFFD800  }
0x118: {  	_ =	swait.ge [sflag:s18], $0x50  }
0x119: {  	[sflag:s18] =	ssyncset.done $0x0  }
0x11a: {  	s29 =	rddreg [dreg:$0x8];
	[sflag:s18] =	ssyncadd.s32 $0xFFFFFFB0  }
0x11b: {  	[spmem:s0] =	stream.indirect.scatter.add.f32 [tilespmem:s10], [sflag:$0x5], $0x80, s7, s8, $0xb8;
	[tilespmem:$0x1E400] =	vst v63  }
0x11c: {  	s29 =	sadd.s32 s28, s29;
	s7 =	simm.s32 $0x9  }
0x11d: {  	[tilespmem:s24], [sflag:$0xD] =	stream.linear.gather [hbm4b:s29+s3], $0x50, $0x38;
	[tilespmem:$0x1E400] =	vst v63  }
0x11e: {  	_ =	swait.ge [sflag:s7], $0x50  }
0x11f: {  	[sflag:s7] =	ssyncset.done $0x0  }
0x120: {  	s10 =	rddreg [dreg:$0x4];
	[sflag:s7] =	ssyncadd.s32 $0xFFFFFFB0  }
0x121: {  	[tilespmem:s15], [sflag:$0x3] =	stream.indirect.gather [hbm4b:s5+s8], $0x80, s30, s8, $0xb8;
	[tilespmem:$0x1E400] =	vst v63  }
0x122: {  	s29 =	sadd.s32 s28, s10  }
0x123: {  	[tilespmem:s3], [sflag:$0x7] =	stream.linear.gather [hbm4b:s29+s3], $0x50, $0x38;
	[tilespmem:$0x1E400] =	vst v63  }
0x124: {  	_ =	swait.ge [sflag:s21], $0x2800  }
0x125: {  	[sflag:s21] =	ssyncset.done $0x0  }
0x126: {  	[sflag:s21] =	ssyncadd.s32 $0xFFFFD800  }
0x127: {  	_ =	swait.ge [sflag:s11], $0x2800  }
0x128: {  	[sflag:s11] =	ssyncset.done $0x0  }
0x129: {  	[sflag:s11] =	ssyncadd.s32 $0xFFFFD800  }
0x12a: {  	_ =	swait.ge [sflag:s23], $0x50  }
0x12b: {  	[sflag:s23] =	ssyncset.done $0x0  }
0x12c: {  	s30 =	rddreg [dreg:$0x5];
	[sflag:s23] =	ssyncadd.s32 $0xFFFFFFB0  }
0x12d: {  	[spmem:s0] =	stream.indirect.scatter.add.f32 [tilespmem:s31], [sflag:$0x6], $0x80, s1, s8, $0xb8;
	[tilespmem:$0x1E400] =	vst v63  }
0x12e: {  	p1 =	sne.s32 s6, $0x460;
	s29 =	sadd.s32 s28, s30  }
0x12f: {  	[tilespmem:s20], [sflag:$0xE] =	stream.linear.gather [hbm4b:s29+s3], $0x50, $0x38;
	[tilespmem:$0x1E400] =	vst v63  }
.Ltmp3:
0x130: {  	_ = 	snop;
	(pc) =	sbr.rel @p1 .LBB2_7-.Ltmp3, $4  }
0x131: {  	s4 =	sadd.s32 $0x140, s4;
	_ =	swait.ge [sflag:s13], $0x50  }
0x132: {  	s6 =	sadd.s32 $0x28, s6;
	[sflag:s13] =	ssyncset.done $0x0;
	s31 =	rddreg [dreg:$0x3]  }
0x133: {  	s1 =	smov.u32 s0;
	[sflag:s13] =	ssyncadd.s32 $0xFFFFFFB0;
	s28 =	sadd.s32 s28, s31  }
0x134: {  	[tilespmem:s19], [sflag:$0x4] =	stream.indirect.gather [hbm4b:s5+s8], $0x80, s22, s8, $0xb8;
	[tilespmem:$0x1E400] =	vst v63  }
0x135: {  	s10 =	simm.s32 $0x80  }
0x136: {  	[tilespmem:s10], [sflag:$0x8] =	stream.linear.gather [hbm4b:s28+s3], $0x50, $0x38;
	[tilespmem:$0x1E400] =	vst v63  }
0x137: {  	_ =	swait.ge [sflag:s2], $0x2800  }
0x138: {  	[sflag:s2] =	ssyncset.done $0x0  }
0x139: {  	[sflag:s2] =	ssyncadd.s32 $0xFFFFD800  }
0x13a: {  	_ =	swait.ge [sflag:s14], $0x2800  }
0x13b: {  	[sflag:s14] =	ssyncset.done $0x0  }
0x13c: {  	[sflag:s14] =	ssyncadd.s32 $0xFFFFD800  }
0x13d: {  	_ =	swait.ge [sflag:s26], $0x50  }
0x13e: {  	[sflag:s26] =	ssyncset.done $0x0  }
0x13f: {  	s4 =	sld [smem:$0x7FC];
	[sflag:s26] =	ssyncadd.s32 $0xFFFFFFB0  }
0x140: {  	[spmem:s1] =	stream.indirect.scatter.add.f32 [tilespmem:s15], [sflag:$0x5], $0x80, s24, s8, $0xb8;
	[tilespmem:$0x1E400] =	vst v63  }
0x141: {  	s6 =	simm.s32 $0x200  }
0x142: {  	[tilespmem:s6], [sflag:$0xB] =	stream.linear.gather [hbm4b:s4+s3], $0x50, $0x38;
	[tilespmem:$0x1E400] =	vst v63  }
0x143: {  	_ =	swait.ge [sflag:s12], $0x50  }
0x144: {  	[sflag:s12] =	ssyncset.done $0x0  }
0x145: {  	s28 =	simm.s32 $0x400;
	[sflag:s12] =	ssyncadd.s32 $0xFFFFFFB0  }
0x146: {  	[tilespmem:s28], [sflag:$0x1] =	stream.indirect.gather [hbm4b:s5+s8], $0x80, s3, s8, $0xb8;
	[tilespmem:$0x1E400] =	vst v63  }
0x147: {  	s22 =	simm.s32 $0x100;
	s20 =	rddreg [dreg:$0x16]  }
0x148: {  	[tilespmem:s22], [sflag:$0x9] =	stream.linear.gather [hbm4b:s20+s3], $0x50, $0x38;
	[tilespmem:$0x1E400] =	vst v63  }
0x149: {  	_ =	swait.ge [sflag:s25], $0x2800  }
0x14a: {  	[sflag:s25] =	ssyncset.done $0x0  }
0x14b: {  	[sflag:s25] =	ssyncadd.s32 $0xFFFFD800  }
0x14c: {  	_ =	swait.ge [sflag:s11], $0x2800  }
0x14d: {  	[sflag:s11] =	ssyncset.done $0x0  }
0x14e: {  	[sflag:s11] =	ssyncadd.s32 $0xFFFFD800  }
0x14f: {  	_ =	swait.ge [sflag:s9], $0x50  }
0x150: {  	[sflag:s9] =	ssyncset.done $0x0  }
0x151: {  	s20 =	simm.s32 $0x380;
	s31 =	sld [smem:$0x7FD];
	[sflag:s9] =	ssyncadd.s32 $0xFFFFFFB0  }
0x152: {  	[spmem:s1] =	stream.indirect.scatter.add.f32 [tilespmem:s19], [sflag:$0x6], $0x80, s20, s8, $0xb8;
	[tilespmem:$0x1E400] =	vst v63  }
0x153: {  	s1 =	simm.s32 $0x280  }
0x154: {  	[tilespmem:s1], [sflag:$0xC] =	stream.linear.gather [hbm4b:s31+s3], $0x50, $0x38;
	[tilespmem:$0x1E400] =	vst v63  }
0x155: {  	_ =	swait.ge [sflag:s16], $0x50  }
0x156: {  	[sflag:s16] =	ssyncset.done $0x0  }
0x157: {  	[sflag:s16] =	ssyncadd.s32 $0xFFFFFFB0;
	s16 =	simm.s32 $0x2C00  }
0x158: {  	[tilespmem:s16], [sflag:$0x2] =	stream.indirect.gather [hbm4b:s5+s8], $0x80, s10, s8, $0xb8;
	[tilespmem:$0x1E400] =	vst v63  }
0x159: {  	s31 =	rddreg [dreg:$0x17];
	s10 =	simm.s32 $0x180  }
0x15a: {  	[tilespmem:s10], [sflag:$0xA] =	stream.linear.gather [hbm4b:s31+s3], $0x50, $0x38;
	[tilespmem:$0x1E400] =	vst v63  }
0x15b: {  	_ =	swait.ge [sflag:s17], $0x2800  }
0x15c: {  	[sflag:s17] =	ssyncset.done $0x0  }
0x15d: {  	[sflag:s17] =	ssyncadd.s32 $0xFFFFD800  }
0x15e: {  	_ =	swait.ge [sflag:s14], $0x2800  }
0x15f: {  	[sflag:s14] =	ssyncset.done $0x0  }
0x160: {  	[sflag:s14] =	ssyncadd.s32 $0xFFFFD800  }
0x161: {  	_ =	swait.ge [sflag:s18], $0x50  }
0x162: {  	[sflag:s18] =	ssyncset.done $0x0  }
0x163: {  	[sflag:s18] =	ssyncadd.s32 $0xFFFFFFB0  }
0x164: {  	[spmem:s0] =	stream.indirect.scatter.add.f32 [tilespmem:s28], [sflag:$0x5], $0x80, s6, s8, $0xb8;
	[tilespmem:$0x1E400] =	vst v63  }
0x165: {  	s31 =	rddreg [dreg:$0x18]  }
0x166: {  	[tilespmem:s24], [sflag:$0xD] =	stream.linear.gather [hbm4b:s31+s3], $0x50, $0x38;
	[tilespmem:$0x1E400] =	vst v63  }
0x167: {  	_ =	swait.ge [sflag:s7], $0x50  }
0x168: {  	[sflag:s7] =	ssyncset.done $0x0  }
0x169: {  	[sflag:s7] =	ssyncadd.s32 $0xFFFFFFB0  }
0x16a: {  	[tilespmem:s15], [sflag:$0x3] =	stream.indirect.gather [hbm4b:s5+s8], $0x80, s22, s8, $0xb8;
	[tilespmem:$0x1E400] =	vst v63  }
0x16b: {  	s7 =	rddreg [dreg:$0x19]  }
0x16c: {  	[tilespmem:s3], [sflag:$0x7] =	stream.linear.gather [hbm4b:s7+s3], $0x50, $0x38;
	[tilespmem:$0x1E400] =	vst v63  }
0x16d: {  	_ =	swait.ge [sflag:s21], $0x2800  }
0x16e: {  	[sflag:s21] =	ssyncset.done $0x0  }
0x16f: {  	[sflag:s21] =	ssyncadd.s32 $0xFFFFD800  }
0x170: {  	_ =	swait.ge [sflag:s11], $0x2800  }
0x171: {  	[sflag:s11] =	ssyncset.done $0x0  }
0x172: {  	[sflag:s11] =	ssyncadd.s32 $0xFFFFD800  }
0x173: {  	_ =	swait.ge [sflag:s23], $0x50  }
0x174: {  	[sflag:s23] =	ssyncset.done $0x0  }
0x175: {  	[sflag:s23] =	ssyncadd.s32 $0xFFFFFFB0  }
0x176: {  	[spmem:s0] =	stream.indirect.scatter.add.f32 [tilespmem:s16], [sflag:$0x6], $0x80, s1, s8, $0xb8;
	[tilespmem:$0x1E400] =	vst v63  }
0x177: {  	s21 =	rddreg [dreg:$0x1a]  }
0x178: {  	[tilespmem:s20], [sflag:$0xE] =	stream.linear.gather [hbm4b:s21+s3], $0x50, $0x38;
	[tilespmem:$0x1E400] =	vst v63  }
0x179: {  	_ =	swait.ge [sflag:s13], $0x50  }
0x17a: {  	[sflag:s13] =	ssyncset.done $0x0  }
0x17b: {  	[sflag:s13] =	ssyncadd.s32 $0xFFFFFFB0  }
0x17c: {  	[tilespmem:s19], [sflag:$0x4] =	stream.indirect.gather [hbm4b:s5+s8], $0x80, s10, s8, $0xb8;
	[tilespmem:$0x1E400] =	vst v63  }
0x17d: {  	_ =	swait.ge [sflag:s2], $0x2800  }
0x17e: {  	[sflag:s2] =	ssyncset.done $0x0  }
0x17f: {  	[sflag:s2] =	ssyncadd.s32 $0xFFFFD800  }
0x180: {  	_ =	swait.ge [sflag:s14], $0x2800  }
0x181: {  	[sflag:s14] =	ssyncset.done $0x0  }
0x182: {  	[sflag:s14] =	ssyncadd.s32 $0xFFFFD800  }
0x183: {  	_ =	swait.ge [sflag:s26], $0x50  }
0x184: {  	[sflag:s26] =	ssyncset.done $0x0  }
0x185: {  	[sflag:s26] =	ssyncadd.s32 $0xFFFFFFB0  }
0x186: {  	[spmem:s0] =	stream.indirect.scatter.add.f32 [tilespmem:s15], [sflag:$0x5], $0x80, s24, s8, $0xb8;
	[tilespmem:$0x1E400] =	vst v63  }
0x187: {  	s22 =	rddreg [dreg:$0x1b]  }
0x188: {  	[tilespmem:s6], [sflag:$0xB] =	stream.linear.gather [hbm4b:s22+s3], $0x50, $0x38;
	[tilespmem:$0x1E400] =	vst v63  }
0x189: {  	_ =	swait.ge [sflag:s12], $0x50  }
0x18a: {  	[sflag:s12] =	ssyncset.done $0x0  }
0x18b: {  	[sflag:s12] =	ssyncadd.s32 $0xFFFFFFB0  }
0x18c: {  	[tilespmem:s28], [sflag:$0x1] =	stream.indirect.gather [hbm4b:s5+s8], $0x80, s3, s8, $0xb8;
	[tilespmem:$0x1E400] =	vst v63  }
0x18d: {  	_ =	swait.ge [sflag:s25], $0x2800  }
0x18e: {  	[sflag:s25] =	ssyncset.done $0x0  }
0x18f: {  	[sflag:s25] =	ssyncadd.s32 $0xFFFFD800  }
0x190: {  	_ =	swait.ge [sflag:s11], $0x2800  }
0x191: {  	[sflag:s11] =	ssyncset.done $0x0  }
0x192: {  	[sflag:s11] =	ssyncadd.s32 $0xFFFFD800  }
0x193: {  	_ =	swait.ge [sflag:s9], $0x50  }
0x194: {  	[sflag:s9] =	ssyncset.done $0x0  }
0x195: {  	[sflag:s9] =	ssyncadd.s32 $0xFFFFFFB0  }
0x196: {  	[spmem:s0] =	stream.indirect.scatter.add.f32 [tilespmem:s19], [sflag:$0x6], $0x80, s20, s8, $0xb8;
	[tilespmem:$0x1E400] =	vst v63  }
0x197: {  	_ =	swait.ge [sflag:s17], $0x2800  }
0x198: {  	[sflag:s17] =	ssyncset.done $0x0  }
0x199: {  	[sflag:s17] =	ssyncadd.s32 $0xFFFFD800  }
0x19a: {  	_ =	swait.ge [sflag:s14], $0x2800  }
0x19b: {  	[sflag:s14] =	ssyncset.done $0x0  }
0x19c: {  	[sflag:s14] =	ssyncadd.s32 $0xFFFFD800  }
0x19d: {  	_ =	swait.ge [sflag:s18], $0x50  }
0x19e: {  	[sflag:s18] =	ssyncset.done $0x0  }
0x19f: {  	[sflag:s18] =	ssyncadd.s32 $0xFFFFFFB0  }
0x1a0: {  	[spmem:s0] =	stream.indirect.scatter.add.f32 [tilespmem:s28], [sflag:$0x5], $0x80, s6, s8, $0xb8;
	[tilespmem:$0x1E400] =	vst v63  }
0x1a1: {  	_ =	swait.ge [sflag:s11], $0x2800  }
0x1a2: {  	[sflag:s11] =	ssyncset.done $0x0  }
0x1a3: {  	[sflag:s11] =	ssyncadd.s32 $0xFFFFD800  }
0x1a4: {  	_ =	swait.ge [sflag:s14], $0x2800  }
0x1a5: {  	[sflag:s14] =	ssyncset.done $0x0  }
0x1a6: {  	[sflag:s14] =	ssyncadd.s32 $0xFFFFD800  }
0x1a7: {  	[bflag:$0x0] =	sbarrier.arrive $0xFFFF  }
0x1a8: {  	s24 =	sld [smem:$0x7F3]  }
0x1a9: {  	s25 =	sld [smem:$0x7F4];
	_ =	sdelay $0x1  }
0x1aa: {  	s29 =	simm.s32 $0xF;
	s23 =	rddreg [dreg:$0x1c]  }
0x1ab: {  	[hbm:s23], [sflag:s25] =	dma.local [spmem:s24], $0x2800  }
0x1ac: {  	_ =	swait.ge [sflag:s29], $0x2800  }
0x1ad: {  	s30 =	simm.s32 $0x5400;
	s26 =	sld [smem:$0x7F2]  }
0x1ae: {  	s7 =	simm.s32 $0x7;
	s1 =	smov.u32 s0;
	s16 =	simm.s32 $0x1  }
0x1af: {  	s21 =	simm.s32 $0xD;
	s13 =	simm.s32 $0xA;
	s10 =	simm.s32 $0x280  }
0x1b0: {  	s2 =	simm.s32 $0x3;
	s31 =	rddreg [dreg:$0x1d];
	s19 =	sadd.s32 $0x1, s26  }
0x1b1: {  	s15 =	simm.s32 $0x200;
	s22 =	simm.s32 $0x2C00;
	p1 =	sne.s32 s19, s31  }
.Ltmp4:
0x1b2: {  	s12 =	simm.s32 $0x8;
	s9 =	simm.s32 $0x180;
	(pc) =	sbr.rel @p1 .LBB2_1-.Ltmp4, $4  }
0x1b3: {  	s20 =	simm.s32 $0xC;
	s17 =	simm.s32 $0xB;
	s18 =	simm.s32 $0x2  }
0x1b4: {  	s6 =	simm.s32 $0x80;
	s0 =	simm.s32 $0x100;
	s28 =	simm.s32 $0x400  }
0x1b5: {  	s24 =	simm.s32 $0x300;
	s23 =	simm.s32 $0x4;
	[sflag:s29] =	ssyncset.done $0x0  }
0x1b6: {  	s25 =	simm.s32 $0xE;
	[sflag:s29] =	ssyncadd.s32 $0xFFFFD800;
	s26 =	rddreg [dreg:$0xa]  }
0x1b7: {  	_ =	sfence.sel $0x180000  }
0x1b8: {  	[bflag:$0x0] =	sbarrier.arrive $0xFFFF  }
0x1b9: {  	_ =	strace $0x9000004A  }
0x1ba: {  	s0 =	stileid.u32;
	[bflag:$0x2] =	sbarrier.arrive $0xFFFF  }
0x1bb: {  	p0 =	sne.s32 s0, $0x0;
	s0 =	rddreg [dreg:$0x2]  }
0x1bc: {  	s0 =	sadd.s32 @!p0 $0x100000, s0  }
0x1bd: {  	[sflag:s0] =	ssyncadd.tile.s32 @!p0 $0x1;
	_ =	shalt  }
.Lfunc_end2:
_tile_overlayer_lowered:
.L_overlay_start_2:
0x1be: {  	(tag) =	ssettag $0x2  }
0x1bf: {  	s0 =	rddreg [dreg:$0x0];
	s2 =	stileid.u32  }
0x1c0: {  	s1 =	rddreg [dreg:$0x1];
	p0 =	sne.s32 s2, $0x0  }
0x1c1: {  	s3 =	rddreg [dreg:$0x2];
	[bflag:$0x3] =	sbarrier.arrive $0xFFFF;
	s2 =	simm.s32 @!p0 $0x1C0F  }
0x1c2: {  	[timem:s3], [sflag:s2] =	dma.local @!p0 [hbm:s0], s1  }
0x1c3: {  	s0 =	simm.s32 @!p0 $0xF  }
0x1c4: {  	_ =	swait.ge @!p0 [sflag:s0], s1  }
0x1c5: {  	s1 =	ssub.s32 @!p0 $0x0, s1;
	[sflag:s0] =	ssyncset.done @!p0 $0x0  }
0x1c6: {  	[sflag:s0] =	ssyncadd.s32 @!p0 s1  }
0x1c7: {  	[bflag:$0x3] =	sbarrier.arrive $0xFFFF  }
0x1c8: {  	_ =	shalt  }

</sc_bundles>
